<compile_context>
chip_gen: v7x
topology: tpu7x:2x2x1
jax: 0.10.2.dev20260603
libtpu: 0.0.44.dev20260713+nightly
codegen_flags: <defaults>
</compile_context>

<pallas_src>
import functools

import jax
import jax.numpy as jnp
from jax import lax
from jax.experimental import pallas as pl
from jax.experimental.pallas import tpu as pltpu
from jax.experimental.pallas import tpu_sc as plsc

NUM_Q = 15000
NUM_S = 200
EMB = 128
B = 128
T = 100
RANK_K = 10
QBLK = 3000
NQB = NUM_Q // QBLK
NEG = -1e30

_SC_CORES = 2
_SC_SUBCORES = 16
_NW = _SC_CORES * _SC_SUBCORES


def _dot_t(a, w):
    return lax.dot_general(a, w, (((1,), (1,)), ((), ())),
                           preferred_element_type=jnp.float32)


def _dot(a, w):
    return lax.dot_general(a, w, (((1,), (0,)), ((), ())),
                           preferred_element_type=jnp.float32)


def _ka_body(eq_ref, qn_ref, qs_ref, sn_ref, es_ref, w0_ref, b0_ref,
             f0_ref, qsp_ref, mq_ref, mf0_ref):
    step = pl.program_id(0)
    eq = eq_ref[...]
    qn = qn_ref[...]
    ios = lax.broadcasted_iota(jnp.int32, (QBLK, NUM_S), 1)
    p = ((qn[:, 0:1] == ios).astype(jnp.float32)
         + (qn[:, 1:2] == ios).astype(jnp.float32)
         + (qn[:, 2:3] == ios).astype(jnp.float32)
         + (qn[:, 3:4] == ios).astype(jnp.float32)) * 0.25
    f0 = jnp.tanh(_dot_t(_dot(p, es_ref[...]) + eq, w0_ref[...]) + b0_ref[...])
    f0_ref[...] = f0
    qsp_ref[...] = jnp.concatenate(
        [qs_ref[...], jnp.zeros((QBLK, EMB - 4), jnp.int32)], axis=1)

    sn = sn_ref[...]
    ioq = lax.broadcasted_iota(jnp.int32, (NUM_S, QBLK), 1) + step * QBLK
    c = (sn[:, 0:1] == ioq).astype(jnp.float32)
    for j in range(1, 10):
        c = c + (sn[:, j:j + 1] == ioq).astype(jnp.float32)

    @pl.when(step == 0)
    def _():
        mq_ref[...] = jnp.zeros_like(mq_ref)
        mf0_ref[...] = jnp.zeros_like(mf0_ref)

    mq_ref[...] += _dot(c, eq)
    mf0_ref[...] += _dot(c, f0)


def _kb_body(f0_ref, qn_ref, mq_ref, mf0_ref, es_ref,
             w0_ref, w1_ref, w2_ref, wl_ref, bias4_ref,
             wquery_ref, wkey_ref, watt_ref,
             agg_ref, params_ref, g0_s, g1_s):
    step = pl.program_id(0)
    b1 = bias4_ref[1:2, :]
    b2 = bias4_ref[2:3, :]
    bl = bias4_ref[3:4, :]

    @pl.when(step == 0)
    def _():
        b0 = bias4_ref[0:1, :]
        g0 = jnp.tanh(_dot_t(mq_ref[...] * 0.1 + es_ref[...], w0_ref[...]) + b0)
        g0_s[...] = g0
        g1_s[...] = jnp.tanh(_dot_t(mf0_ref[...] * 0.1 + g0, w1_ref[...]) + b1)
        watt = watt_ref[...]
        wq = _dot(watt[:, 0:EMB], wquery_ref[...])
        wk = _dot(watt[:, EMB:2 * EMB], wkey_ref[...])
        params_ref[...] = jnp.concatenate(
            [wq, wk, jnp.zeros((6, EMB), jnp.float32)], axis=0)

    qn = qn_ref[...]
    ios = lax.broadcasted_iota(jnp.int32, (QBLK, NUM_S), 1)
    p = ((qn[:, 0:1] == ios).astype(jnp.float32)
         + (qn[:, 1:2] == ios).astype(jnp.float32)
         + (qn[:, 2:3] == ios).astype(jnp.float32)
         + (qn[:, 3:4] == ios).astype(jnp.float32)) * 0.25
    f1 = jnp.tanh(_dot_t(_dot(p, g0_s[...]) + f0_ref[...], w1_ref[...]) + b1)
    f2 = jnp.tanh(_dot_t(_dot(p, g1_s[...]) + f1, w2_ref[...]) + b2)
    agg_ref[...] = jnp.tanh(_dot_t(f2, wl_ref[...]) + bl)


def _sc_gather(tables, qidx, dtypes):
    n = qidx.shape[0]
    bpw = n // _NW
    ch = 104
    nch = bpw // ch
    nt = len(tables)
    mesh = plsc.VectorSubcoreMesh(core_axis_name="c", subcore_axis_name="s")

    @functools.partial(
        pl.kernel, mesh=mesh,
        out_type=tuple(jax.ShapeDtypeStruct((n, EMB), dt) for dt in dtypes),
        scratch_types=[pltpu.VMEM((bpw,), jnp.int32)]
        + [pltpu.VMEM((ch, EMB), dt) for dt in dtypes for _ in (0, 1)]
        + [pltpu.SemaphoreType.DMA])
    def gk(*refs):
        tabs = refs[:nt]
        idx_hbm = refs[nt]
        outs = refs[nt + 1:2 * nt + 1]
        idx_v = refs[2 * nt + 1]
        bufs = refs[2 * nt + 2:2 * nt + 2 + 2 * nt]
        sem = refs[-1]
        wid = lax.axis_index("s") * _SC_CORES + lax.axis_index("c")
        base = wid * bpw
        pltpu.sync_copy(idx_hbm.at[pl.ds(base, bpw)], idx_v)
        prev = None
        for c in range(nch):
            sl = pl.ds(c * ch, ch)
            cps = [pltpu.async_copy(tabs[t].at[idx_v.at[sl]],
                                    bufs[2 * t + (c % 2)], sem)
                   for t in range(nt)]
            if prev is not None:
                pc, pcps = prev
                for cp in pcps:
                    cp.wait()
                osl = pl.ds(base + pc * ch, ch)
                for t in range(nt):
                    pltpu.sync_copy(bufs[2 * t + (pc % 2)], outs[t].at[osl])
            prev = (c, cps)
        pc, pcps = prev
        for cp in pcps:
            cp.wait()
        osl = pl.ds(base + pc * ch, ch)
        for t in range(nt):
            pltpu.sync_copy(bufs[2 * t + (pc % 2)], outs[t].at[osl])

    return gk(*tables, qidx)


BB = 16
TP = 104
SB = BB * TP


def _kp_body(eq_ref, agg_ref, qs_ref, mf_ref, rf_ref, embr_ref, wih_ref,
             bias2_ref, esp_ref, params_ref, y_ref, st_ref):
    f32 = jnp.float32
    eqf = eq_ref[...].reshape(SB, EMB)
    aggf = agg_ref[...].reshape(SB, EMB)
    qsf = qs_ref[...].reshape(SB, EMB)
    mcol = mf_ref[...].reshape(SB, 1)
    rcol = rf_ref[...].reshape(SB, 1)

    ex = jnp.where(mcol > 0.5, aggf, eqf)
    er = jnp.where(rcol > 0.5, embr_ref[1:2, :], embr_ref[0:1, :])
    x = jnp.concatenate([ex, er], axis=1)
    gates = _dot_t(x, wih_ref[...]) + bias2_ref[...]
    lstm_f = (jax.nn.sigmoid(gates[:, 3 * EMB:4 * EMB])
              * jnp.tanh(jax.nn.sigmoid(gates[:, 0:EMB])
                         * jnp.tanh(gates[:, 2 * EMB:3 * EMB])))

    rmod = lax.broadcasted_iota(jnp.int32, (BB, TP, 1), 1).reshape(SB, 1)
    bidx = lax.broadcasted_iota(jnp.int32, (BB, TP, 1), 0).reshape(SB, 1)
    shf = jnp.where(rmod == 0, 0.0, lstm_f)

    rio = lax.broadcasted_iota(jnp.int32, (SB, SB), 0)
    cio = lax.broadcasted_iota(jnp.int32, (SB, SB), 1)
    shm = jnp.where(jnp.logical_and(rio == cio + 1, rmod != 0), 1.0, 0.0)
    curf = _dot(shm, lstm_f)

    ioe = lax.broadcasted_iota(jnp.int32, (SB, 2 * EMB), 1)
    esp = esp_ref[...]
    rows = [eqf]
    for k in range(4):
        oh = (qsf[:, k:k + 1] == ioe).astype(f32)
        rows.append(_dot(oh, esp))

    wqr = params_ref[0:1, :]
    wkr = params_ref[1:2, :]
    ones_row = jnp.ones((1, EMB), f32)
    us = [_dot_t(r, wqr) for r in rows]
    ogcur = [_dot_t(r * curf, ones_row) for r in rows]
    vcur = _dot_t(curf, wkr)

    s_list, m_list = [], []
    for i in range(BB):
        lo, hi = i * TP, (i + 1) * TP
        sh_b = shf[lo:hi, :]
        eq_b = eqf[lo:hi, :]
        stack_b = jnp.concatenate(
            [eq_b, rows[1][lo:hi, :], rows[2][lo:hi, :], rows[3][lo:hi, :],
             rows[4][lo:hi, :], params_ref[...]], axis=0)
        m_list.append(_dot_t(stack_b, sh_b))
        s_list.append(_dot_t(eq_b, eq_b))
    s_mat = jnp.concatenate(s_list, axis=0)
    og = [jnp.concatenate([m_list[i][q * TP:(q + 1) * TP, :]
                           for i in range(BB)], axis=0) for q in range(5)]
    vrows = jnp.concatenate([m_list[i][5 * TP + 1:5 * TP + 2, :]
                             for i in range(BB)], axis=0)
    biota = lax.broadcasted_iota(jnp.int32, (SB, BB), 1)
    bind = (bidx == biota).astype(f32)
    vexp = _dot(bind, jnp.exp(vrows))

    ciotp = lax.broadcasted_iota(jnp.int32, (SB, TP), 1)
    cioft = ciotp.astype(f32)
    valid = ciotp <= rmod - 2
    sv = jnp.where(valid, s_mat, NEG)
    tk = jnp.zeros((SB, TP), f32)
    cur_s = sv
    for _ in range(RANK_K):
        m = jnp.max(cur_s, axis=1, keepdims=True)
        ismax = jnp.logical_and(cur_s >= m, cur_s > -1e29)
        idxm = jnp.min(jnp.where(ismax, cioft, 1e9), axis=1, keepdims=True)
        pick = cioft == idxm
        tk = tk + pick.astype(f32)
        cur_s = jnp.where(pick, NEG, cur_s)
    tksel = jnp.where(rmod <= RANK_K + 1, valid.astype(f32), tk)

    ones_col = jnp.ones((TP, 1), f32)
    ev = tksel * vexp
    sum_ev = _dot(ev, ones_col)
    evc = jnp.exp(vcur)
    num = jnp.zeros((SB, 1), f32)
    eu_sum = jnp.zeros((SB, 1), f32)
    for q in range(5):
        eu = jnp.exp(us[q])
        eu_sum = eu_sum + eu
        hist = _dot(ev * jax.nn.sigmoid(og[q]), ones_col)
        num = num + eu * (evc * jax.nn.sigmoid(ogcur[q]) + hist)
    z = eu_sum * (evc + sum_ev)
    y = num / z
    y = jnp.where(rmod == 0, 0.5, y)
    y_ref[...] = y.reshape(BB, TP, 1)
    for i in range(BB):
        st_ref[i] = lstm_f[i * TP + T - 2:i * TP + T - 1, :]


def kernel(question, response, mask, q_neighbors, s_neighbors, qs_indices,
           emb_q, emb_s, emb_r, W_ih, b_ih, W_hh, b_hh,
           W_agg0, b_agg0, W_agg1, b_agg1, W_agg2, b_agg2,
           W_agg_last, b_agg_last, W_query, b_query, W_key, b_key,
           W_att, b_att):
    f32 = jnp.float32

    zpad = jnp.zeros((B, TP - T), jnp.int32)
    qflat = jnp.concatenate([question, zpad], axis=1).reshape(-1)

    f0, qs_pad, mq, mf0 = pl.pallas_call(
        _ka_body,
        grid=(NQB,),
        in_specs=[
            pl.BlockSpec((QBLK, EMB), lambda i: (i, 0)),
            pl.BlockSpec((QBLK, 4), lambda i: (i, 0)),
            pl.BlockSpec((QBLK, 4), lambda i: (i, 0)),
            pl.BlockSpec((NUM_S, 10), lambda i: (0, 0)),
            pl.BlockSpec((NUM_S, EMB), lambda i: (0, 0)),
            pl.BlockSpec((EMB, EMB), lambda i: (0, 0)),
            pl.BlockSpec((1, EMB), lambda i: (0, 0)),
        ],
        out_specs=[
            pl.BlockSpec((QBLK, EMB), lambda i: (i, 0)),
            pl.BlockSpec((QBLK, EMB), lambda i: (i, 0)),
            pl.BlockSpec((NUM_S, EMB), lambda i: (0, 0)),
            pl.BlockSpec((NUM_S, EMB), lambda i: (0, 0)),
        ],
        out_shape=[
            jax.ShapeDtypeStruct((NUM_Q, EMB), f32),
            jax.ShapeDtypeStruct((NUM_Q, EMB), jnp.int32),
            jax.ShapeDtypeStruct((NUM_S, EMB), f32),
            jax.ShapeDtypeStruct((NUM_S, EMB), f32),
        ],
        compiler_params=pltpu.CompilerParams(
            dimension_semantics=("arbitrary",)),
    )(emb_q, q_neighbors, qs_indices, s_neighbors, emb_s, W_agg0,
      b_agg0.reshape(1, EMB))

    bias4 = jnp.stack([b_agg0, b_agg1, b_agg2, b_agg_last], axis=0)
    agg, params = pl.pallas_call(
        _kb_body,
        grid=(NQB,),
        in_specs=[
            pl.BlockSpec((QBLK, EMB), lambda i: (i, 0)),
            pl.BlockSpec((QBLK, 4), lambda i: (i, 0)),
            pl.BlockSpec((NUM_S, EMB), lambda i: (0, 0)),
            pl.BlockSpec((NUM_S, EMB), lambda i: (0, 0)),
            pl.BlockSpec((NUM_S, EMB), lambda i: (0, 0)),
            pl.BlockSpec((EMB, EMB), lambda i: (0, 0)),
            pl.BlockSpec((EMB, EMB), lambda i: (0, 0)),
            pl.BlockSpec((EMB, EMB), lambda i: (0, 0)),
            pl.BlockSpec((EMB, EMB), lambda i: (0, 0)),
            pl.BlockSpec((4, EMB), lambda i: (0, 0)),
            pl.BlockSpec((EMB, EMB), lambda i: (0, 0)),
            pl.BlockSpec((EMB, EMB), lambda i: (0, 0)),
            pl.BlockSpec((1, 2 * EMB), lambda i: (0, 0)),
        ],
        out_specs=[
            pl.BlockSpec((QBLK, EMB), lambda i: (i, 0)),
            pl.BlockSpec((8, EMB), lambda i: (0, 0)),
        ],
        out_shape=[
            jax.ShapeDtypeStruct((NUM_Q, EMB), f32),
            jax.ShapeDtypeStruct((8, EMB), f32),
        ],
        scratch_shapes=[
            pltpu.VMEM((NUM_S, EMB), f32),
            pltpu.VMEM((NUM_S, EMB), f32),
        ],
        compiler_params=pltpu.CompilerParams(
            dimension_semantics=("arbitrary",)),
    )(f0, q_neighbors, mq, mf0, emb_s, W_agg0, W_agg1, W_agg2, W_agg_last,
      bias4, W_query, W_key, W_att)

    eq_all, agg_all, qs_rows = _sc_gather((emb_q, agg, qs_pad), qflat,
                                          (f32, f32, jnp.int32))

    eq3 = eq_all.reshape(B, TP, EMB)
    agg3 = agg_all.reshape(B, TP, EMB)
    qs3 = qs_rows.reshape(B, TP, EMB)
    maskf = jnp.concatenate([mask, zpad], axis=1).astype(f32).reshape(B, TP, 1)
    respf = jnp.concatenate(
        [response, zpad], axis=1).astype(f32).reshape(B, TP, 1)
    bias2 = (b_ih + b_hh).reshape(1, 4 * EMB)
    emb_s_pad = jnp.concatenate(
        [emb_s, jnp.zeros((2 * EMB - NUM_S, EMB), f32)], axis=0)

    y3, st3 = pl.pallas_call(
        _kp_body,
        grid=(B // BB,),
        in_specs=[
            pl.BlockSpec((BB, TP, EMB), lambda b: (b, 0, 0)),
            pl.BlockSpec((BB, TP, EMB), lambda b: (b, 0, 0)),
            pl.BlockSpec((BB, TP, EMB), lambda b: (b, 0, 0)),
            pl.BlockSpec((BB, TP, 1), lambda b: (b, 0, 0)),
            pl.BlockSpec((BB, TP, 1), lambda b: (b, 0, 0)),
            pl.BlockSpec((2, EMB), lambda b: (0, 0)),
            pl.BlockSpec((4 * EMB, 2 * EMB), lambda b: (0, 0)),
            pl.BlockSpec((1, 4 * EMB), lambda b: (0, 0)),
            pl.BlockSpec((2 * EMB, EMB), lambda b: (0, 0)),
            pl.BlockSpec((8, EMB), lambda b: (0, 0)),
        ],
        out_specs=[
            pl.BlockSpec((BB, TP, 1), lambda b: (b, 0, 0)),
            pl.BlockSpec((BB, 1, EMB), lambda b: (b, 0, 0)),
        ],
        out_shape=[
            jax.ShapeDtypeStruct((B, TP, 1), f32),
            jax.ShapeDtypeStruct((B, 1, EMB), f32),
        ],
        compiler_params=pltpu.CompilerParams(
            dimension_semantics=("parallel",)),
    )(eq3, agg3, qs3, maskf, respf, emb_r, W_ih, bias2, emb_s_pad, params)

    return y3.reshape(B, TP)[:, :T], st3.reshape(B, EMB)

# --- scband reference (transcript-rebuilt; emitter-appended) ---
"""Pipeline reference for scband-gikt-18915035972299 (READ-ONLY COPY).

The authoritative reference and input builder live on the scoring server;
editing this copy changes nothing except your own understanding.
"""

import jax, jax.numpy as jnp
import numpy as np

NUM_Q = 15000
NUM_S = 200
Q_NB = 4
S_NB = 10
N_QS = 4
EMB = 128
AGG_HOPS = 3
RANK_K = 10
B = 128
T = 100


def setup_inputs(seed: int = 0) -> dict:
    key = jax.random.key(seed)
    ks = jax.random.split(key, 24)
    sc = 0.05
    inp = {}
    inp["question"] = jax.random.randint(ks[0], (B, T), 0, NUM_Q, dtype=jnp.int32)
    inp["response"] = jax.random.randint(ks[1], (B, T), 0, 2, dtype=jnp.int32)
    inp["mask"] = jax.random.randint(ks[2], (B, T), 0, 2, dtype=jnp.int32)
    inp["q_neighbors"] = jax.random.randint(ks[3], (NUM_Q, Q_NB), 0, NUM_S, dtype=jnp.int32)
    inp["s_neighbors"] = jax.random.randint(ks[4], (NUM_S, S_NB), 0, NUM_Q, dtype=jnp.int32)
    inp["qs_indices"] = jax.random.randint(ks[5], (NUM_Q, N_QS), 0, NUM_S, dtype=jnp.int32)
    inp["emb_q"] = jax.random.normal(ks[6], (NUM_Q, EMB), dtype=jnp.float32) * sc
    inp["emb_s"] = jax.random.normal(ks[7], (NUM_S, EMB), dtype=jnp.float32) * sc
    inp["emb_r"] = jax.random.normal(ks[8], (2, EMB), dtype=jnp.float32) * sc
    inp["W_ih"] = jax.random.normal(ks[9], (4 * EMB, 2 * EMB), dtype=jnp.float32) * sc
    inp["b_ih"] = jnp.zeros((4 * EMB,), dtype=jnp.float32)
    inp["W_hh"] = jax.random.normal(ks[10], (4 * EMB, EMB), dtype=jnp.float32) * sc
    inp["b_hh"] = jnp.zeros((4 * EMB,), dtype=jnp.float32)
    inp["W_agg0"] = jax.random.normal(ks[11], (EMB, EMB), dtype=jnp.float32) * sc
    inp["b_agg0"] = jnp.zeros((EMB,), dtype=jnp.float32)
    inp["W_agg1"] = jax.random.normal(ks[12], (EMB, EMB), dtype=jnp.float32) * sc
    inp["b_agg1"] = jnp.zeros((EMB,), dtype=jnp.float32)
    inp["W_agg2"] = jax.random.normal(ks[13], (EMB, EMB), dtype=jnp.float32) * sc
    inp["b_agg2"] = jnp.zeros((EMB,), dtype=jnp.float32)
    inp["W_agg_last"] = jax.random.normal(ks[14], (EMB, EMB), dtype=jnp.float32) * sc
    inp["b_agg_last"] = jnp.zeros((EMB,), dtype=jnp.float32)
    inp["W_query"] = jax.random.normal(ks[15], (EMB, EMB), dtype=jnp.float32) * sc
    inp["b_query"] = jnp.zeros((EMB,), dtype=jnp.float32)
    inp["W_key"] = jax.random.normal(ks[16], (EMB, EMB), dtype=jnp.float32) * sc
    inp["b_key"] = jnp.zeros((EMB,), dtype=jnp.float32)
    inp["W_att"] = jax.random.normal(ks[17], (1, 2 * EMB), dtype=jnp.float32) * sc
    inp["b_att"] = jnp.zeros((1,), dtype=jnp.float32)
    return inp


def _predict(qs_concat, history, W_query, b_query, W_key, b_key, W_att, b_att):
    Bsz, Nq, d = qs_concat.shape
    Ns = history.shape[1]
    output_g = jnp.einsum('bqd,bsd->bqs', qs_concat, history)
    Q = qs_concat @ W_query.T + b_query
    K = history @ W_key.T + b_key
    Qe = jnp.broadcast_to(Q[:, :, None, :], (Bsz, Nq, Ns, d))
    Ke = jnp.broadcast_to(K[:, None, :, :], (Bsz, Nq, Ns, d))
    feat = jnp.concatenate([Qe, Ke], axis=-1)
    w = jnp.squeeze(feat @ W_att.T + b_att, -1)
    alpha = jax.nn.softmax(w.reshape(Bsz, -1), axis=-1)
    return jnp.sum(alpha * jax.nn.sigmoid(output_g).reshape(Bsz, -1), axis=-1)


def _forward(question, response, mask, q_neighbors, s_neighbors, qs_indices,
             emb_q, emb_s, emb_r, W_ih, b_ih, W_hh, b_hh,
             W_agg0, b_agg0, W_agg1, b_agg1, W_agg2, b_agg2,
             W_agg_last, b_agg_last, W_query, b_query, W_key, b_key, W_att, b_att):
    Wa = (W_agg0, W_agg1, W_agg2)
    ba = (b_agg0, b_agg1, b_agg2)
    Bsz, Tlen = question.shape
    d = emb_q.shape[1]
    h0 = jnp.zeros((Bsz, d), dtype=jnp.float32)
    state_history = jnp.zeros((Bsz, Tlen, d), dtype=jnp.float32)
    y_hat = jnp.zeros((Bsz, Tlen), dtype=jnp.float32)
    state = jnp.zeros((Bsz, d), dtype=jnp.float32)

    def aggregate(q_t):
        n1 = q_neighbors[q_t]
        n2 = s_neighbors[n1]
        n3 = q_neighbors[n2]
        embs = [emb_q[q_t], emb_s[n1], emb_q[n2], emb_s[n3]]
        for i in range(AGG_HOPS):
            for j in range(AGG_HOPS - i):
                s = jnp.mean(embs[j + 1], axis=-2) + embs[j]
                embs[j] = jnp.tanh(s @ Wa[i].T + ba[i])
        return jnp.tanh(embs[0] @ W_agg_last.T + b_agg_last)

    for t in range(Tlen - 1):
        q_t = question[:, t]
        m_t = jnp.equal(mask[:, t], 1)
        emb_response_t = emb_r[response[:, t]]
        emb_question_t = jnp.where(m_t[:, None], aggregate(q_t), emb_q[q_t])
        x = jnp.concatenate([emb_question_t, emb_response_t], axis=1)
        gates = x @ W_ih.T + b_ih + h0 @ W_hh.T + b_hh
        i_g, f_g, g_g, o_g = jnp.split(gates, 4, axis=1)
        c_new = jax.nn.sigmoid(i_g) * jnp.tanh(g_g)
        lstm_output = jax.nn.sigmoid(o_g) * jnp.tanh(c_new)
        q_next = question[:, t + 1]
        emb_skills = emb_s[qs_indices[q_next]]
        qs_concat = jnp.concatenate([emb_q[q_next][:, None, :], emb_skills], axis=1)
        if t == 0:
            y_hat = y_hat.at[:, 0].set(0.5)
            y_hat = y_hat.at[:, 1].set(_predict(qs_concat, lstm_output[:, None, :], W_query, b_query, W_key, b_key, W_att, b_att))
            continue
        current_state = lstm_output[:, None, :]
        if t <= RANK_K:
            current_history_state = jnp.concatenate([current_state, state_history[:, 0:t]], axis=1)
        else:
            Qv = jax.lax.stop_gradient(emb_q[q_next])
            Kv = jax.lax.stop_gradient(emb_q[question[:, 0:t]])
            score = jnp.einsum('btd,bd->bt', Kv, Qv)
            _, idx = jax.lax.top_k(score, RANK_K)
            select = jnp.take_along_axis(state_history[:, 0:t], idx[:, :, None], axis=1)
            current_history_state = jnp.concatenate([current_state, select], axis=1)
        y_hat = y_hat.at[:, t + 1].set(_predict(qs_concat, current_history_state, W_query, b_query, W_key, b_key, W_att, b_att))
        state_history = state_history.at[:, t].set(lstm_output)
        state = lstm_output
    return y_hat, state


def reference(question, response, mask, q_neighbors, s_neighbors, qs_indices,
              emb_q, emb_s, emb_r, W_ih, b_ih, W_hh, b_hh,
              W_agg0, b_agg0, W_agg1, b_agg1, W_agg2, b_agg2,
              W_agg_last, b_agg_last, W_query, b_query, W_key, b_key, W_att, b_att):
    return _forward(question, response, mask, q_neighbors, s_neighbors, qs_indices,
                    emb_q, emb_s, emb_r, W_ih, b_ih, W_hh, b_hh,
                    W_agg0, b_agg0, W_agg1, b_agg1, W_agg2, b_agg2,
                    W_agg_last, b_agg_last, W_query, b_query, W_key, b_key, W_att, b_att)

if __name__ == "__main__":
    import jax
    _d = setup_inputs()
    print(jax.jit(kernel)(*tuple(_d.values())))

</pallas_src>

<mosaic_0001>
#map = affine_map<(d0, d1) -> (0, 0)>
#map1 = affine_map<(d0, d1) -> (0)>
module attributes {stable_mosaic.version = 14 : i64} {
  func.func @gk(%arg0: i32, %arg1: i32, %arg2: memref<15000x128xf32, #tpu.memory_space<hbm>>, %arg3: memref<15000x128xf32, #tpu.memory_space<hbm>>, %arg4: memref<15000x128xi32, #tpu.memory_space<hbm>>, %arg5: memref<13312xi32, #tpu.memory_space<hbm>>, %arg6: memref<13312x128xf32, #tpu.memory_space<hbm>>, %arg7: memref<13312x128xf32, #tpu.memory_space<hbm>>, %arg8: memref<13312x128xi32, #tpu.memory_space<hbm>>, %arg9: memref<416xi32, #tpu.memory_space<vmem>>, %arg10: memref<104x128xf32, #tpu.memory_space<vmem>>, %arg11: memref<104x128xf32, #tpu.memory_space<vmem>>, %arg12: memref<104x128xf32, #tpu.memory_space<vmem>>, %arg13: memref<104x128xf32, #tpu.memory_space<vmem>>, %arg14: memref<104x128xi32, #tpu.memory_space<vmem>>, %arg15: memref<104x128xi32, #tpu.memory_space<vmem>>, %arg16: memref<!tpu.dma_semaphore, #tpu.memory_space<semaphore_mem>>) attributes {dimension_semantics = [#tpu.dimension_semantics<core_parallel>, #tpu.dimension_semantics<subcore_parallel>], iteration_bounds = array<i64: 2, 16>, scalar_prefetch = 0 : i64, scratch_operands = 8 : i64, tpu.core_type = #tpu.core_type<sc_vector_subcore>, window_params = [{transform_indices = #map}, {transform_indices = #map}, {transform_indices = #map}, {transform_indices = #map1}, {transform_indices = #map}, {transform_indices = #map}, {transform_indices = #map}]} {
    %mul3A = arith.constant 2 : i32
    %mul3A_0 = arith.muli %arg1, %mul3A : i32
    %add3A = arith.addi %mul3A_0, %arg0 : i32
    %mul3A_1 = arith.constant 416 : i32
    %mul3A_2 = arith.muli %add3A, %mul3A_1 : i32
    "tpu.region"() ({
      %run_scoped3A = tpu.sem_alloc : memref<!tpu.dma_semaphore, #tpu.memory_space<semaphore_mem>>
      %dma_start3A_129 = tpu.memref_slice %arg5[%mul3A_2] : memref<13312xi32, #tpu.memory_space<hbm>> -> memref<416xi32, #tpu.memory_space<hbm>>
      %dma_start3A_130 = tpu.memref_slice %arg5[%mul3A_2] : memref<13312xi32, #tpu.memory_space<hbm>> -> memref<416xi32, #tpu.memory_space<hbm>>
      tpu.enqueue_dma source(%dma_start3A_130 : memref<416xi32, #tpu.memory_space<hbm>>) target(%arg9 : memref<416xi32, #tpu.memory_space<vmem>>) target_semaphore(%run_scoped3A : memref<!tpu.dma_semaphore, #tpu.memory_space<semaphore_mem>>)
      %dma_wait3A_131 = tpu.memref_slice %arg5[%mul3A_2] : memref<13312xi32, #tpu.memory_space<hbm>> -> memref<416xi32, #tpu.memory_space<hbm>>
      %dma_wait3A_132 = tpu.memref_slice %arg5[%mul3A_2] : memref<13312xi32, #tpu.memory_space<hbm>> -> memref<416xi32, #tpu.memory_space<hbm>>
      tpu.wait_dma2 semaphore(%run_scoped3A : memref<!tpu.dma_semaphore, #tpu.memory_space<semaphore_mem>>) src(%dma_wait3A_132 : memref<416xi32, #tpu.memory_space<hbm>>) dst(%arg9 : memref<416xi32, #tpu.memory_space<vmem>>)
      tpu.yield
    }) : () -> ()
    %dma_start3A = arith.constant 0 : i32
    %dma_start3A_3 = tpu.memref_slice %arg9[%dma_start3A] : memref<416xi32, #tpu.memory_space<vmem>> -> memref<104xi32, #tpu.memory_space<vmem>>
    %dma_start3A_4 = arith.constant 0 : i32
    %dma_start3A_5 = arith.constant 0 : i32
    %dma_start3A_6 = tpu.memref_slice %arg2[%dma_start3A_4, %dma_start3A_5] : memref<15000x128xf32, #tpu.memory_space<hbm>> -> memref<15000x128xf32, #tpu.memory_space<hbm>>
    tpu.enqueue_indirect_dma source(%dma_start3A_6 : memref<15000x128xf32, #tpu.memory_space<hbm>>) target(%arg10 : memref<104x128xf32, #tpu.memory_space<vmem>>) offsets(%dma_start3A_3 : memref<104xi32, #tpu.memory_space<vmem>>) semaphore(%arg16 : memref<!tpu.dma_semaphore, #tpu.memory_space<semaphore_mem>>)
    %dma_start3A_7 = arith.constant 0 : i32
    %dma_start3A_8 = tpu.memref_slice %arg9[%dma_start3A_7] : memref<416xi32, #tpu.memory_space<vmem>> -> memref<104xi32, #tpu.memory_space<vmem>>
    %dma_start3A_9 = arith.constant 0 : i32
    %dma_start3A_10 = arith.constant 0 : i32
    %dma_start3A_11 = tpu.memref_slice %arg3[%dma_start3A_9, %dma_start3A_10] : memref<15000x128xf32, #tpu.memory_space<hbm>> -> memref<15000x128xf32, #tpu.memory_space<hbm>>
    tpu.enqueue_indirect_dma source(%dma_start3A_11 : memref<15000x128xf32, #tpu.memory_space<hbm>>) target(%arg12 : memref<104x128xf32, #tpu.memory_space<vmem>>) offsets(%dma_start3A_8 : memref<104xi32, #tpu.memory_space<vmem>>) semaphore(%arg16 : memref<!tpu.dma_semaphore, #tpu.memory_space<semaphore_mem>>)
    %dma_start3A_12 = arith.constant 0 : i32
    %dma_start3A_13 = tpu.memref_slice %arg9[%dma_start3A_12] : memref<416xi32, #tpu.memory_space<vmem>> -> memref<104xi32, #tpu.memory_space<vmem>>
    %dma_start3A_14 = arith.constant 0 : i32
    %dma_start3A_15 = arith.constant 0 : i32
    %dma_start3A_16 = tpu.memref_slice %arg4[%dma_start3A_14, %dma_start3A_15] : memref<15000x128xi32, #tpu.memory_space<hbm>> -> memref<15000x128xi32, #tpu.memory_space<hbm>>
    tpu.enqueue_indirect_dma source(%dma_start3A_16 : memref<15000x128xi32, #tpu.memory_space<hbm>>) target(%arg14 : memref<104x128xi32, #tpu.memory_space<vmem>>) offsets(%dma_start3A_13 : memref<104xi32, #tpu.memory_space<vmem>>) semaphore(%arg16 : memref<!tpu.dma_semaphore, #tpu.memory_space<semaphore_mem>>)
    %dma_start3A_17 = arith.constant 104 : i32
    %dma_start3A_18 = tpu.memref_slice %arg9[%dma_start3A_17] : memref<416xi32, #tpu.memory_space<vmem>> -> memref<104xi32, #tpu.memory_space<vmem>>
    %dma_start3A_19 = arith.constant 0 : i32
    %dma_start3A_20 = arith.constant 0 : i32
    %dma_start3A_21 = tpu.memref_slice %arg2[%dma_start3A_19, %dma_start3A_20] : memref<15000x128xf32, #tpu.memory_space<hbm>> -> memref<15000x128xf32, #tpu.memory_space<hbm>>
    tpu.enqueue_indirect_dma source(%dma_start3A_21 : memref<15000x128xf32, #tpu.memory_space<hbm>>) target(%arg11 : memref<104x128xf32, #tpu.memory_space<vmem>>) offsets(%dma_start3A_18 : memref<104xi32, #tpu.memory_space<vmem>>) semaphore(%arg16 : memref<!tpu.dma_semaphore, #tpu.memory_space<semaphore_mem>>)
    %dma_start3A_22 = arith.constant 104 : i32
    %dma_start3A_23 = tpu.memref_slice %arg9[%dma_start3A_22] : memref<416xi32, #tpu.memory_space<vmem>> -> memref<104xi32, #tpu.memory_space<vmem>>
    %dma_start3A_24 = arith.constant 0 : i32
    %dma_start3A_25 = arith.constant 0 : i32
    %dma_start3A_26 = tpu.memref_slice %arg3[%dma_start3A_24, %dma_start3A_25] : memref<15000x128xf32, #tpu.memory_space<hbm>> -> memref<15000x128xf32, #tpu.memory_space<hbm>>
    tpu.enqueue_indirect_dma source(%dma_start3A_26 : memref<15000x128xf32, #tpu.memory_space<hbm>>) target(%arg13 : memref<104x128xf32, #tpu.memory_space<vmem>>) offsets(%dma_start3A_23 : memref<104xi32, #tpu.memory_space<vmem>>) semaphore(%arg16 : memref<!tpu.dma_semaphore, #tpu.memory_space<semaphore_mem>>)
    %dma_start3A_27 = arith.constant 104 : i32
    %dma_start3A_28 = tpu.memref_slice %arg9[%dma_start3A_27] : memref<416xi32, #tpu.memory_space<vmem>> -> memref<104xi32, #tpu.memory_space<vmem>>
    %dma_start3A_29 = arith.constant 0 : i32
    %dma_start3A_30 = arith.constant 0 : i32
    %dma_start3A_31 = tpu.memref_slice %arg4[%dma_start3A_29, %dma_start3A_30] : memref<15000x128xi32, #tpu.memory_space<hbm>> -> memref<15000x128xi32, #tpu.memory_space<hbm>>
    tpu.enqueue_indirect_dma source(%dma_start3A_31 : memref<15000x128xi32, #tpu.memory_space<hbm>>) target(%arg15 : memref<104x128xi32, #tpu.memory_space<vmem>>) offsets(%dma_start3A_28 : memref<104xi32, #tpu.memory_space<vmem>>) semaphore(%arg16 : memref<!tpu.dma_semaphore, #tpu.memory_space<semaphore_mem>>)
    %dma_wait3A = arith.constant 0 : i32
    %dma_wait3A_32 = tpu.memref_slice %arg9[%dma_wait3A] : memref<416xi32, #tpu.memory_space<vmem>> -> memref<104xi32, #tpu.memory_space<vmem>>
    %dma_wait3A_33 = arith.constant 0 : i32
    %dma_wait3A_34 = arith.constant 0 : i32
    %dma_wait3A_35 = tpu.memref_slice %arg2[%dma_wait3A_33, %dma_wait3A_34] : memref<15000x128xf32, #tpu.memory_space<hbm>> -> memref<15000x128xf32, #tpu.memory_space<hbm>>
    tpu.wait_indirect_dma semaphore(%arg16 : memref<!tpu.dma_semaphore, #tpu.memory_space<semaphore_mem>>) src(%dma_wait3A_35 : memref<15000x128xf32, #tpu.memory_space<hbm>>) dst(%arg10 : memref<104x128xf32, #tpu.memory_space<vmem>>)
    %dma_wait3A_36 = arith.constant 0 : i32
    %dma_wait3A_37 = tpu.memref_slice %arg9[%dma_wait3A_36] : memref<416xi32, #tpu.memory_space<vmem>> -> memref<104xi32, #tpu.memory_space<vmem>>
    %dma_wait3A_38 = arith.constant 0 : i32
    %dma_wait3A_39 = arith.constant 0 : i32
    %dma_wait3A_40 = tpu.memref_slice %arg3[%dma_wait3A_38, %dma_wait3A_39] : memref<15000x128xf32, #tpu.memory_space<hbm>> -> memref<15000x128xf32, #tpu.memory_space<hbm>>
    tpu.wait_indirect_dma semaphore(%arg16 : memref<!tpu.dma_semaphore, #tpu.memory_space<semaphore_mem>>) src(%dma_wait3A_40 : memref<15000x128xf32, #tpu.memory_space<hbm>>) dst(%arg12 : memref<104x128xf32, #tpu.memory_space<vmem>>)
    %dma_wait3A_41 = arith.constant 0 : i32
    %dma_wait3A_42 = tpu.memref_slice %arg9[%dma_wait3A_41] : memref<416xi32, #tpu.memory_space<vmem>> -> memref<104xi32, #tpu.memory_space<vmem>>
    %dma_wait3A_43 = arith.constant 0 : i32
    %dma_wait3A_44 = arith.constant 0 : i32
    %dma_wait3A_45 = tpu.memref_slice %arg4[%dma_wait3A_43, %dma_wait3A_44] : memref<15000x128xi32, #tpu.memory_space<hbm>> -> memref<15000x128xi32, #tpu.memory_space<hbm>>
    tpu.wait_indirect_dma semaphore(%arg16 : memref<!tpu.dma_semaphore, #tpu.memory_space<semaphore_mem>>) src(%dma_wait3A_45 : memref<15000x128xi32, #tpu.memory_space<hbm>>) dst(%arg14 : memref<104x128xi32, #tpu.memory_space<vmem>>)
    %add3A_46 = arith.constant 0 : i32
    %add3A_47 = arith.addi %mul3A_2, %add3A_46 : i32
    "tpu.region"() ({
      %run_scoped3A = tpu.sem_alloc : memref<!tpu.dma_semaphore, #tpu.memory_space<semaphore_mem>>
      %dma_start3A_129 = arith.constant 0 : i32
      %dma_start3A_130 = tpu.memref_slice %arg6[%add3A_47, %dma_start3A_129] : memref<13312x128xf32, #tpu.memory_space<hbm>> -> memref<104x128xf32, #tpu.memory_space<hbm>>
      %dma_start3A_131 = arith.constant 0 : i32
      %dma_start3A_132 = tpu.memref_slice %arg6[%add3A_47, %dma_start3A_131] : memref<13312x128xf32, #tpu.memory_space<hbm>> -> memref<104x128xf32, #tpu.memory_space<hbm>>
      tpu.enqueue_dma source(%arg10 : memref<104x128xf32, #tpu.memory_space<vmem>>) target(%dma_start3A_132 : memref<104x128xf32, #tpu.memory_space<hbm>>) target_semaphore(%run_scoped3A : memref<!tpu.dma_semaphore, #tpu.memory_space<semaphore_mem>>)
      %dma_wait3A_133 = arith.constant 0 : i32
      %dma_wait3A_134 = tpu.memref_slice %arg6[%add3A_47, %dma_wait3A_133] : memref<13312x128xf32, #tpu.memory_space<hbm>> -> memref<104x128xf32, #tpu.memory_space<hbm>>
      %dma_wait3A_135 = arith.constant 0 : i32
      %dma_wait3A_136 = tpu.memref_slice %arg6[%add3A_47, %dma_wait3A_135] : memref<13312x128xf32, #tpu.memory_space<hbm>> -> memref<104x128xf32, #tpu.memory_space<hbm>>
      tpu.wait_dma2 semaphore(%run_scoped3A : memref<!tpu.dma_semaphore, #tpu.memory_space<semaphore_mem>>) src(%arg10 : memref<104x128xf32, #tpu.memory_space<vmem>>) dst(%dma_wait3A_136 : memref<104x128xf32, #tpu.memory_space<hbm>>)
      tpu.yield
    }) : () -> ()
    "tpu.region"() ({
      %run_scoped3A = tpu.sem_alloc : memref<!tpu.dma_semaphore, #tpu.memory_space<semaphore_mem>>
      %dma_start3A_129 = arith.constant 0 : i32
      %dma_start3A_130 = tpu.memref_slice %arg7[%add3A_47, %dma_start3A_129] : memref<13312x128xf32, #tpu.memory_space<hbm>> -> memref<104x128xf32, #tpu.memory_space<hbm>>
      %dma_start3A_131 = arith.constant 0 : i32
      %dma_start3A_132 = tpu.memref_slice %arg7[%add3A_47, %dma_start3A_131] : memref<13312x128xf32, #tpu.memory_space<hbm>> -> memref<104x128xf32, #tpu.memory_space<hbm>>
      tpu.enqueue_dma source(%arg12 : memref<104x128xf32, #tpu.memory_space<vmem>>) target(%dma_start3A_132 : memref<104x128xf32, #tpu.memory_space<hbm>>) target_semaphore(%run_scoped3A : memref<!tpu.dma_semaphore, #tpu.memory_space<semaphore_mem>>)
      %dma_wait3A_133 = arith.constant 0 : i32
      %dma_wait3A_134 = tpu.memref_slice %arg7[%add3A_47, %dma_wait3A_133] : memref<13312x128xf32, #tpu.memory_space<hbm>> -> memref<104x128xf32, #tpu.memory_space<hbm>>
      %dma_wait3A_135 = arith.constant 0 : i32
      %dma_wait3A_136 = tpu.memref_slice %arg7[%add3A_47, %dma_wait3A_135] : memref<13312x128xf32, #tpu.memory_space<hbm>> -> memref<104x128xf32, #tpu.memory_space<hbm>>
      tpu.wait_dma2 semaphore(%run_scoped3A : memref<!tpu.dma_semaphore, #tpu.memory_space<semaphore_mem>>) src(%arg12 : memref<104x128xf32, #tpu.memory_space<vmem>>) dst(%dma_wait3A_136 : memref<104x128xf32, #tpu.memory_space<hbm>>)
      tpu.yield
    }) : () -> ()
    "tpu.region"() ({
      %run_scoped3A = tpu.sem_alloc : memref<!tpu.dma_semaphore, #tpu.memory_space<semaphore_mem>>
      %dma_start3A_129 = arith.constant 0 : i32
      %dma_start3A_130 = tpu.memref_slice %arg8[%add3A_47, %dma_start3A_129] : memref<13312x128xi32, #tpu.memory_space<hbm>> -> memref<104x128xi32, #tpu.memory_space<hbm>>
      %dma_start3A_131 = arith.constant 0 : i32
      %dma_start3A_132 = tpu.memref_slice %arg8[%add3A_47, %dma_start3A_131] : memref<13312x128xi32, #tpu.memory_space<hbm>> -> memref<104x128xi32, #tpu.memory_space<hbm>>
      tpu.enqueue_dma source(%arg14 : memref<104x128xi32, #tpu.memory_space<vmem>>) target(%dma_start3A_132 : memref<104x128xi32, #tpu.memory_space<hbm>>) target_semaphore(%run_scoped3A : memref<!tpu.dma_semaphore, #tpu.memory_space<semaphore_mem>>)
      %dma_wait3A_133 = arith.constant 0 : i32
      %dma_wait3A_134 = tpu.memref_slice %arg8[%add3A_47, %dma_wait3A_133] : memref<13312x128xi32, #tpu.memory_space<hbm>> -> memref<104x128xi32, #tpu.memory_space<hbm>>
      %dma_wait3A_135 = arith.constant 0 : i32
      %dma_wait3A_136 = tpu.memref_slice %arg8[%add3A_47, %dma_wait3A_135] : memref<13312x128xi32, #tpu.memory_space<hbm>> -> memref<104x128xi32, #tpu.memory_space<hbm>>
      tpu.wait_dma2 semaphore(%run_scoped3A : memref<!tpu.dma_semaphore, #tpu.memory_space<semaphore_mem>>) src(%arg14 : memref<104x128xi32, #tpu.memory_space<vmem>>) dst(%dma_wait3A_136 : memref<104x128xi32, #tpu.memory_space<hbm>>)
      tpu.yield
    }) : () -> ()
    %dma_start3A_48 = arith.constant 208 : i32
    %dma_start3A_49 = tpu.memref_slice %arg9[%dma_start3A_48] : memref<416xi32, #tpu.memory_space<vmem>> -> memref<104xi32, #tpu.memory_space<vmem>>
    %dma_start3A_50 = arith.constant 0 : i32
    %dma_start3A_51 = arith.constant 0 : i32
    %dma_start3A_52 = tpu.memref_slice %arg2[%dma_start3A_50, %dma_start3A_51] : memref<15000x128xf32, #tpu.memory_space<hbm>> -> memref<15000x128xf32, #tpu.memory_space<hbm>>
    tpu.enqueue_indirect_dma source(%dma_start3A_52 : memref<15000x128xf32, #tpu.memory_space<hbm>>) target(%arg10 : memref<104x128xf32, #tpu.memory_space<vmem>>) offsets(%dma_start3A_49 : memref<104xi32, #tpu.memory_space<vmem>>) semaphore(%arg16 : memref<!tpu.dma_semaphore, #tpu.memory_space<semaphore_mem>>)
    %dma_start3A_53 = arith.constant 208 : i32
    %dma_start3A_54 = tpu.memref_slice %arg9[%dma_start3A_53] : memref<416xi32, #tpu.memory_space<vmem>> -> memref<104xi32, #tpu.memory_space<vmem>>
    %dma_start3A_55 = arith.constant 0 : i32
    %dma_start3A_56 = arith.constant 0 : i32
    %dma_start3A_57 = tpu.memref_slice %arg3[%dma_start3A_55, %dma_start3A_56] : memref<15000x128xf32, #tpu.memory_space<hbm>> -> memref<15000x128xf32, #tpu.memory_space<hbm>>
    tpu.enqueue_indirect_dma source(%dma_start3A_57 : memref<15000x128xf32, #tpu.memory_space<hbm>>) target(%arg12 : memref<104x128xf32, #tpu.memory_space<vmem>>) offsets(%dma_start3A_54 : memref<104xi32, #tpu.memory_space<vmem>>) semaphore(%arg16 : memref<!tpu.dma_semaphore, #tpu.memory_space<semaphore_mem>>)
    %dma_start3A_58 = arith.constant 208 : i32
    %dma_start3A_59 = tpu.memref_slice %arg9[%dma_start3A_58] : memref<416xi32, #tpu.memory_space<vmem>> -> memref<104xi32, #tpu.memory_space<vmem>>
    %dma_start3A_60 = arith.constant 0 : i32
    %dma_start3A_61 = arith.constant 0 : i32
    %dma_start3A_62 = tpu.memref_slice %arg4[%dma_start3A_60, %dma_start3A_61] : memref<15000x128xi32, #tpu.memory_space<hbm>> -> memref<15000x128xi32, #tpu.memory_space<hbm>>
    tpu.enqueue_indirect_dma source(%dma_start3A_62 : memref<15000x128xi32, #tpu.memory_space<hbm>>) target(%arg14 : memref<104x128xi32, #tpu.memory_space<vmem>>) offsets(%dma_start3A_59 : memref<104xi32, #tpu.memory_space<vmem>>) semaphore(%arg16 : memref<!tpu.dma_semaphore, #tpu.memory_space<semaphore_mem>>)
    %dma_wait3A_63 = arith.constant 104 : i32
    %dma_wait3A_64 = tpu.memref_slice %arg9[%dma_wait3A_63] : memref<416xi32, #tpu.memory_space<vmem>> -> memref<104xi32, #tpu.memory_space<vmem>>
    %dma_wait3A_65 = arith.constant 0 : i32
    %dma_wait3A_66 = arith.constant 0 : i32
    %dma_wait3A_67 = tpu.memref_slice %arg2[%dma_wait3A_65, %dma_wait3A_66] : memref<15000x128xf32, #tpu.memory_space<hbm>> -> memref<15000x128xf32, #tpu.memory_space<hbm>>
    tpu.wait_indirect_dma semaphore(%arg16 : memref<!tpu.dma_semaphore, #tpu.memory_space<semaphore_mem>>) src(%dma_wait3A_67 : memref<15000x128xf32, #tpu.memory_space<hbm>>) dst(%arg11 : memref<104x128xf32, #tpu.memory_space<vmem>>)
    %dma_wait3A_68 = arith.constant 104 : i32
    %dma_wait3A_69 = tpu.memref_slice %arg9[%dma_wait3A_68] : memref<416xi32, #tpu.memory_space<vmem>> -> memref<104xi32, #tpu.memory_space<vmem>>
    %dma_wait3A_70 = arith.constant 0 : i32
    %dma_wait3A_71 = arith.constant 0 : i32
    %dma_wait3A_72 = tpu.memref_slice %arg3[%dma_wait3A_70, %dma_wait3A_71] : memref<15000x128xf32, #tpu.memory_space<hbm>> -> memref<15000x128xf32, #tpu.memory_space<hbm>>
    tpu.wait_indirect_dma semaphore(%arg16 : memref<!tpu.dma_semaphore, #tpu.memory_space<semaphore_mem>>) src(%dma_wait3A_72 : memref<15000x128xf32, #tpu.memory_space<hbm>>) dst(%arg13 : memref<104x128xf32, #tpu.memory_space<vmem>>)
    %dma_wait3A_73 = arith.constant 104 : i32
    %dma_wait3A_74 = tpu.memref_slice %arg9[%dma_wait3A_73] : memref<416xi32, #tpu.memory_space<vmem>> -> memref<104xi32, #tpu.memory_space<vmem>>
    %dma_wait3A_75 = arith.constant 0 : i32
    %dma_wait3A_76 = arith.constant 0 : i32
    %dma_wait3A_77 = tpu.memref_slice %arg4[%dma_wait3A_75, %dma_wait3A_76] : memref<15000x128xi32, #tpu.memory_space<hbm>> -> memref<15000x128xi32, #tpu.memory_space<hbm>>
    tpu.wait_indirect_dma semaphore(%arg16 : memref<!tpu.dma_semaphore, #tpu.memory_space<semaphore_mem>>) src(%dma_wait3A_77 : memref<15000x128xi32, #tpu.memory_space<hbm>>) dst(%arg15 : memref<104x128xi32, #tpu.memory_space<vmem>>)
    %add3A_78 = arith.constant 104 : i32
    %add3A_79 = arith.addi %mul3A_2, %add3A_78 : i32
    "tpu.region"() ({
      %run_scoped3A = tpu.sem_alloc : memref<!tpu.dma_semaphore, #tpu.memory_space<semaphore_mem>>
      %dma_start3A_129 = arith.constant 0 : i32
      %dma_start3A_130 = tpu.memref_slice %arg6[%add3A_79, %dma_start3A_129] : memref<13312x128xf32, #tpu.memory_space<hbm>> -> memref<104x128xf32, #tpu.memory_space<hbm>>
      %dma_start3A_131 = arith.constant 0 : i32
      %dma_start3A_132 = tpu.memref_slice %arg6[%add3A_79, %dma_start3A_131] : memref<13312x128xf32, #tpu.memory_space<hbm>> -> memref<104x128xf32, #tpu.memory_space<hbm>>
      tpu.enqueue_dma source(%arg11 : memref<104x128xf32, #tpu.memory_space<vmem>>) target(%dma_start3A_132 : memref<104x128xf32, #tpu.memory_space<hbm>>) target_semaphore(%run_scoped3A : memref<!tpu.dma_semaphore, #tpu.memory_space<semaphore_mem>>)
      %dma_wait3A_133 = arith.constant 0 : i32
      %dma_wait3A_134 = tpu.memref_slice %arg6[%add3A_79, %dma_wait3A_133] : memref<13312x128xf32, #tpu.memory_space<hbm>> -> memref<104x128xf32, #tpu.memory_space<hbm>>
      %dma_wait3A_135 = arith.constant 0 : i32
      %dma_wait3A_136 = tpu.memref_slice %arg6[%add3A_79, %dma_wait3A_135] : memref<13312x128xf32, #tpu.memory_space<hbm>> -> memref<104x128xf32, #tpu.memory_space<hbm>>
      tpu.wait_dma2 semaphore(%run_scoped3A : memref<!tpu.dma_semaphore, #tpu.memory_space<semaphore_mem>>) src(%arg11 : memref<104x128xf32, #tpu.memory_space<vmem>>) dst(%dma_wait3A_136 : memref<104x128xf32, #tpu.memory_space<hbm>>)
      tpu.yield
    }) : () -> ()
    "tpu.region"() ({
      %run_scoped3A = tpu.sem_alloc : memref<!tpu.dma_semaphore, #tpu.memory_space<semaphore_mem>>
      %dma_start3A_129 = arith.constant 0 : i32
      %dma_start3A_130 = tpu.memref_slice %arg7[%add3A_79, %dma_start3A_129] : memref<13312x128xf32, #tpu.memory_space<hbm>> -> memref<104x128xf32, #tpu.memory_space<hbm>>
      %dma_start3A_131 = arith.constant 0 : i32
      %dma_start3A_132 = tpu.memref_slice %arg7[%add3A_79, %dma_start3A_131] : memref<13312x128xf32, #tpu.memory_space<hbm>> -> memref<104x128xf32, #tpu.memory_space<hbm>>
      tpu.enqueue_dma source(%arg13 : memref<104x128xf32, #tpu.memory_space<vmem>>) target(%dma_start3A_132 : memref<104x128xf32, #tpu.memory_space<hbm>>) target_semaphore(%run_scoped3A : memref<!tpu.dma_semaphore, #tpu.memory_space<semaphore_mem>>)
      %dma_wait3A_133 = arith.constant 0 : i32
      %dma_wait3A_134 = tpu.memref_slice %arg7[%add3A_79, %dma_wait3A_133] : memref<13312x128xf32, #tpu.memory_space<hbm>> -> memref<104x128xf32, #tpu.memory_space<hbm>>
      %dma_wait3A_135 = arith.constant 0 : i32
      %dma_wait3A_136 = tpu.memref_slice %arg7[%add3A_79, %dma_wait3A_135] : memref<13312x128xf32, #tpu.memory_space<hbm>> -> memref<104x128xf32, #tpu.memory_space<hbm>>
      tpu.wait_dma2 semaphore(%run_scoped3A : memref<!tpu.dma_semaphore, #tpu.memory_space<semaphore_mem>>) src(%arg13 : memref<104x128xf32, #tpu.memory_space<vmem>>) dst(%dma_wait3A_136 : memref<104x128xf32, #tpu.memory_space<hbm>>)
      tpu.yield
    }) : () -> ()
    "tpu.region"() ({
      %run_scoped3A = tpu.sem_alloc : memref<!tpu.dma_semaphore, #tpu.memory_space<semaphore_mem>>
      %dma_start3A_129 = arith.constant 0 : i32
      %dma_start3A_130 = tpu.memref_slice %arg8[%add3A_79, %dma_start3A_129] : memref<13312x128xi32, #tpu.memory_space<hbm>> -> memref<104x128xi32, #tpu.memory_space<hbm>>
      %dma_start3A_131 = arith.constant 0 : i32
      %dma_start3A_132 = tpu.memref_slice %arg8[%add3A_79, %dma_start3A_131] : memref<13312x128xi32, #tpu.memory_space<hbm>> -> memref<104x128xi32, #tpu.memory_space<hbm>>
      tpu.enqueue_dma source(%arg15 : memref<104x128xi32, #tpu.memory_space<vmem>>) target(%dma_start3A_132 : memref<104x128xi32, #tpu.memory_space<hbm>>) target_semaphore(%run_scoped3A : memref<!tpu.dma_semaphore, #tpu.memory_space<semaphore_mem>>)
      %dma_wait3A_133 = arith.constant 0 : i32
      %dma_wait3A_134 = tpu.memref_slice %arg8[%add3A_79, %dma_wait3A_133] : memref<13312x128xi32, #tpu.memory_space<hbm>> -> memref<104x128xi32, #tpu.memory_space<hbm>>
      %dma_wait3A_135 = arith.constant 0 : i32
      %dma_wait3A_136 = tpu.memref_slice %arg8[%add3A_79, %dma_wait3A_135] : memref<13312x128xi32, #tpu.memory_space<hbm>> -> memref<104x128xi32, #tpu.memory_space<hbm>>
      tpu.wait_dma2 semaphore(%run_scoped3A : memref<!tpu.dma_semaphore, #tpu.memory_space<semaphore_mem>>) src(%arg15 : memref<104x128xi32, #tpu.memory_space<vmem>>) dst(%dma_wait3A_136 : memref<104x128xi32, #tpu.memory_space<hbm>>)
      tpu.yield
    }) : () -> ()
    %dma_start3A_80 = arith.constant 312 : i32
    %dma_start3A_81 = tpu.memref_slice %arg9[%dma_start3A_80] : memref<416xi32, #tpu.memory_space<vmem>> -> memref<104xi32, #tpu.memory_space<vmem>>
    %dma_start3A_82 = arith.constant 0 : i32
    %dma_start3A_83 = arith.constant 0 : i32
    %dma_start3A_84 = tpu.memref_slice %arg2[%dma_start3A_82, %dma_start3A_83] : memref<15000x128xf32, #tpu.memory_space<hbm>> -> memref<15000x128xf32, #tpu.memory_space<hbm>>
    tpu.enqueue_indirect_dma source(%dma_start3A_84 : memref<15000x128xf32, #tpu.memory_space<hbm>>) target(%arg11 : memref<104x128xf32, #tpu.memory_space<vmem>>) offsets(%dma_start3A_81 : memref<104xi32, #tpu.memory_space<vmem>>) semaphore(%arg16 : memref<!tpu.dma_semaphore, #tpu.memory_space<semaphore_mem>>)
    %dma_start3A_85 = arith.constant 312 : i32
    %dma_start3A_86 = tpu.memref_slice %arg9[%dma_start3A_85] : memref<416xi32, #tpu.memory_space<vmem>> -> memref<104xi32, #tpu.memory_space<vmem>>
    %dma_start3A_87 = arith.constant 0 : i32
    %dma_start3A_88 = arith.constant 0 : i32
    %dma_start3A_89 = tpu.memref_slice %arg3[%dma_start3A_87, %dma_start3A_88] : memref<15000x128xf32, #tpu.memory_space<hbm>> -> memref<15000x128xf32, #tpu.memory_space<hbm>>
    tpu.enqueue_indirect_dma source(%dma_start3A_89 : memref<15000x128xf32, #tpu.memory_space<hbm>>) target(%arg13 : memref<104x128xf32, #tpu.memory_space<vmem>>) offsets(%dma_start3A_86 : memref<104xi32, #tpu.memory_space<vmem>>) semaphore(%arg16 : memref<!tpu.dma_semaphore, #tpu.memory_space<semaphore_mem>>)
    %dma_start3A_90 = arith.constant 312 : i32
    %dma_start3A_91 = tpu.memref_slice %arg9[%dma_start3A_90] : memref<416xi32, #tpu.memory_space<vmem>> -> memref<104xi32, #tpu.memory_space<vmem>>
    %dma_start3A_92 = arith.constant 0 : i32
    %dma_start3A_93 = arith.constant 0 : i32
    %dma_start3A_94 = tpu.memref_slice %arg4[%dma_start3A_92, %dma_start3A_93] : memref<15000x128xi32, #tpu.memory_space<hbm>> -> memref<15000x128xi32, #tpu.memory_space<hbm>>
    tpu.enqueue_indirect_dma source(%dma_start3A_94 : memref<15000x128xi32, #tpu.memory_space<hbm>>) target(%arg15 : memref<104x128xi32, #tpu.memory_space<vmem>>) offsets(%dma_start3A_91 : memref<104xi32, #tpu.memory_space<vmem>>) semaphore(%arg16 : memref<!tpu.dma_semaphore, #tpu.memory_space<semaphore_mem>>)
    %dma_wait3A_95 = arith.constant 208 : i32
    %dma_wait3A_96 = tpu.memref_slice %arg9[%dma_wait3A_95] : memref<416xi32, #tpu.memory_space<vmem>> -> memref<104xi32, #tpu.memory_space<vmem>>
    %dma_wait3A_97 = arith.constant 0 : i32
    %dma_wait3A_98 = arith.constant 0 : i32
    %dma_wait3A_99 = tpu.memref_slice %arg2[%dma_wait3A_97, %dma_wait3A_98] : memref<15000x128xf32, #tpu.memory_space<hbm>> -> memref<15000x128xf32, #tpu.memory_space<hbm>>
    tpu.wait_indirect_dma semaphore(%arg16 : memref<!tpu.dma_semaphore, #tpu.memory_space<semaphore_mem>>) src(%dma_wait3A_99 : memref<15000x128xf32, #tpu.memory_space<hbm>>) dst(%arg10 : memref<104x128xf32, #tpu.memory_space<vmem>>)
    %dma_wait3A_100 = arith.constant 208 : i32
    %dma_wait3A_101 = tpu.memref_slice %arg9[%dma_wait3A_100] : memref<416xi32, #tpu.memory_space<vmem>> -> memref<104xi32, #tpu.memory_space<vmem>>
    %dma_wait3A_102 = arith.constant 0 : i32
    %dma_wait3A_103 = arith.constant 0 : i32
    %dma_wait3A_104 = tpu.memref_slice %arg3[%dma_wait3A_102, %dma_wait3A_103] : memref<15000x128xf32, #tpu.memory_space<hbm>> -> memref<15000x128xf32, #tpu.memory_space<hbm>>
    tpu.wait_indirect_dma semaphore(%arg16 : memref<!tpu.dma_semaphore, #tpu.memory_space<semaphore_mem>>) src(%dma_wait3A_104 : memref<15000x128xf32, #tpu.memory_space<hbm>>) dst(%arg12 : memref<104x128xf32, #tpu.memory_space<vmem>>)
    %dma_wait3A_105 = arith.constant 208 : i32
    %dma_wait3A_106 = tpu.memref_slice %arg9[%dma_wait3A_105] : memref<416xi32, #tpu.memory_space<vmem>> -> memref<104xi32, #tpu.memory_space<vmem>>
    %dma_wait3A_107 = arith.constant 0 : i32
    %dma_wait3A_108 = arith.constant 0 : i32
    %dma_wait3A_109 = tpu.memref_slice %arg4[%dma_wait3A_107, %dma_wait3A_108] : memref<15000x128xi32, #tpu.memory_space<hbm>> -> memref<15000x128xi32, #tpu.memory_space<hbm>>
    tpu.wait_indirect_dma semaphore(%arg16 : memref<!tpu.dma_semaphore, #tpu.memory_space<semaphore_mem>>) src(%dma_wait3A_109 : memref<15000x128xi32, #tpu.memory_space<hbm>>) dst(%arg14 : memref<104x128xi32, #tpu.memory_space<vmem>>)
    %add3A_110 = arith.constant 208 : i32
    %add3A_111 = arith.addi %mul3A_2, %add3A_110 : i32
    "tpu.region"() ({
      %run_scoped3A = tpu.sem_alloc : memref<!tpu.dma_semaphore, #tpu.memory_space<semaphore_mem>>
      %dma_start3A_129 = arith.constant 0 : i32
      %dma_start3A_130 = tpu.memref_slice %arg6[%add3A_111, %dma_start3A_129] : memref<13312x128xf32, #tpu.memory_space<hbm>> -> memref<104x128xf32, #tpu.memory_space<hbm>>
      %dma_start3A_131 = arith.constant 0 : i32
      %dma_start3A_132 = tpu.memref_slice %arg6[%add3A_111, %dma_start3A_131] : memref<13312x128xf32, #tpu.memory_space<hbm>> -> memref<104x128xf32, #tpu.memory_space<hbm>>
      tpu.enqueue_dma source(%arg10 : memref<104x128xf32, #tpu.memory_space<vmem>>) target(%dma_start3A_132 : memref<104x128xf32, #tpu.memory_space<hbm>>) target_semaphore(%run_scoped3A : memref<!tpu.dma_semaphore, #tpu.memory_space<semaphore_mem>>)
      %dma_wait3A_133 = arith.constant 0 : i32
      %dma_wait3A_134 = tpu.memref_slice %arg6[%add3A_111, %dma_wait3A_133] : memref<13312x128xf32, #tpu.memory_space<hbm>> -> memref<104x128xf32, #tpu.memory_space<hbm>>
      %dma_wait3A_135 = arith.constant 0 : i32
      %dma_wait3A_136 = tpu.memref_slice %arg6[%add3A_111, %dma_wait3A_135] : memref<13312x128xf32, #tpu.memory_space<hbm>> -> memref<104x128xf32, #tpu.memory_space<hbm>>
      tpu.wait_dma2 semaphore(%run_scoped3A : memref<!tpu.dma_semaphore, #tpu.memory_space<semaphore_mem>>) src(%arg10 : memref<104x128xf32, #tpu.memory_space<vmem>>) dst(%dma_wait3A_136 : memref<104x128xf32, #tpu.memory_space<hbm>>)
      tpu.yield
    }) : () -> ()
    "tpu.region"() ({
      %run_scoped3A = tpu.sem_alloc : memref<!tpu.dma_semaphore, #tpu.memory_space<semaphore_mem>>
      %dma_start3A_129 = arith.constant 0 : i32
      %dma_start3A_130 = tpu.memref_slice %arg7[%add3A_111, %dma_start3A_129] : memref<13312x128xf32, #tpu.memory_space<hbm>> -> memref<104x128xf32, #tpu.memory_space<hbm>>
      %dma_start3A_131 = arith.constant 0 : i32
      %dma_start3A_132 = tpu.memref_slice %arg7[%add3A_111, %dma_start3A_131] : memref<13312x128xf32, #tpu.memory_space<hbm>> -> memref<104x128xf32, #tpu.memory_space<hbm>>
      tpu.enqueue_dma source(%arg12 : memref<104x128xf32, #tpu.memory_space<vmem>>) target(%dma_start3A_132 : memref<104x128xf32, #tpu.memory_space<hbm>>) target_semaphore(%run_scoped3A : memref<!tpu.dma_semaphore, #tpu.memory_space<semaphore_mem>>)
      %dma_wait3A_133 = arith.constant 0 : i32
      %dma_wait3A_134 = tpu.memref_slice %arg7[%add3A_111, %dma_wait3A_133] : memref<13312x128xf32, #tpu.memory_space<hbm>> -> memref<104x128xf32, #tpu.memory_space<hbm>>
      %dma_wait3A_135 = arith.constant 0 : i32
      %dma_wait3A_136 = tpu.memref_slice %arg7[%add3A_111, %dma_wait3A_135] : memref<13312x128xf32, #tpu.memory_space<hbm>> -> memref<104x128xf32, #tpu.memory_space<hbm>>
      tpu.wait_dma2 semaphore(%run_scoped3A : memref<!tpu.dma_semaphore, #tpu.memory_space<semaphore_mem>>) src(%arg12 : memref<104x128xf32, #tpu.memory_space<vmem>>) dst(%dma_wait3A_136 : memref<104x128xf32, #tpu.memory_space<hbm>>)
      tpu.yield
    }) : () -> ()
    "tpu.region"() ({
      %run_scoped3A = tpu.sem_alloc : memref<!tpu.dma_semaphore, #tpu.memory_space<semaphore_mem>>
      %dma_start3A_129 = arith.constant 0 : i32
      %dma_start3A_130 = tpu.memref_slice %arg8[%add3A_111, %dma_start3A_129] : memref<13312x128xi32, #tpu.memory_space<hbm>> -> memref<104x128xi32, #tpu.memory_space<hbm>>
      %dma_start3A_131 = arith.constant 0 : i32
      %dma_start3A_132 = tpu.memref_slice %arg8[%add3A_111, %dma_start3A_131] : memref<13312x128xi32, #tpu.memory_space<hbm>> -> memref<104x128xi32, #tpu.memory_space<hbm>>
      tpu.enqueue_dma source(%arg14 : memref<104x128xi32, #tpu.memory_space<vmem>>) target(%dma_start3A_132 : memref<104x128xi32, #tpu.memory_space<hbm>>) target_semaphore(%run_scoped3A : memref<!tpu.dma_semaphore, #tpu.memory_space<semaphore_mem>>)
      %dma_wait3A_133 = arith.constant 0 : i32
      %dma_wait3A_134 = tpu.memref_slice %arg8[%add3A_111, %dma_wait3A_133] : memref<13312x128xi32, #tpu.memory_space<hbm>> -> memref<104x128xi32, #tpu.memory_space<hbm>>
      %dma_wait3A_135 = arith.constant 0 : i32
      %dma_wait3A_136 = tpu.memref_slice %arg8[%add3A_111, %dma_wait3A_135] : memref<13312x128xi32, #tpu.memory_space<hbm>> -> memref<104x128xi32, #tpu.memory_space<hbm>>
      tpu.wait_dma2 semaphore(%run_scoped3A : memref<!tpu.dma_semaphore, #tpu.memory_space<semaphore_mem>>) src(%arg14 : memref<104x128xi32, #tpu.memory_space<vmem>>) dst(%dma_wait3A_136 : memref<104x128xi32, #tpu.memory_space<hbm>>)
      tpu.yield
    }) : () -> ()
    %dma_wait3A_112 = arith.constant 312 : i32
    %dma_wait3A_113 = tpu.memref_slice %arg9[%dma_wait3A_112] : memref<416xi32, #tpu.memory_space<vmem>> -> memref<104xi32, #tpu.memory_space<vmem>>
    %dma_wait3A_114 = arith.constant 0 : i32
    %dma_wait3A_115 = arith.constant 0 : i32
    %dma_wait3A_116 = tpu.memref_slice %arg2[%dma_wait3A_114, %dma_wait3A_115] : memref<15000x128xf32, #tpu.memory_space<hbm>> -> memref<15000x128xf32, #tpu.memory_space<hbm>>
    tpu.wait_indirect_dma semaphore(%arg16 : memref<!tpu.dma_semaphore, #tpu.memory_space<semaphore_mem>>) src(%dma_wait3A_116 : memref<15000x128xf32, #tpu.memory_space<hbm>>) dst(%arg11 : memref<104x128xf32, #tpu.memory_space<vmem>>)
    %dma_wait3A_117 = arith.constant 312 : i32
    %dma_wait3A_118 = tpu.memref_slice %arg9[%dma_wait3A_117] : memref<416xi32, #tpu.memory_space<vmem>> -> memref<104xi32, #tpu.memory_space<vmem>>
    %dma_wait3A_119 = arith.constant 0 : i32
    %dma_wait3A_120 = arith.constant 0 : i32
    %dma_wait3A_121 = tpu.memref_slice %arg3[%dma_wait3A_119, %dma_wait3A_120] : memref<15000x128xf32, #tpu.memory_space<hbm>> -> memref<15000x128xf32, #tpu.memory_space<hbm>>
    tpu.wait_indirect_dma semaphore(%arg16 : memref<!tpu.dma_semaphore, #tpu.memory_space<semaphore_mem>>) src(%dma_wait3A_121 : memref<15000x128xf32, #tpu.memory_space<hbm>>) dst(%arg13 : memref<104x128xf32, #tpu.memory_space<vmem>>)
    %dma_wait3A_122 = arith.constant 312 : i32
    %dma_wait3A_123 = tpu.memref_slice %arg9[%dma_wait3A_122] : memref<416xi32, #tpu.memory_space<vmem>> -> memref<104xi32, #tpu.memory_space<vmem>>
    %dma_wait3A_124 = arith.constant 0 : i32
    %dma_wait3A_125 = arith.constant 0 : i32
    %dma_wait3A_126 = tpu.memref_slice %arg4[%dma_wait3A_124, %dma_wait3A_125] : memref<15000x128xi32, #tpu.memory_space<hbm>> -> memref<15000x128xi32, #tpu.memory_space<hbm>>
    tpu.wait_indirect_dma semaphore(%arg16 : memref<!tpu.dma_semaphore, #tpu.memory_space<semaphore_mem>>) src(%dma_wait3A_126 : memref<15000x128xi32, #tpu.memory_space<hbm>>) dst(%arg15 : memref<104x128xi32, #tpu.memory_space<vmem>>)
    %add3A_127 = arith.constant 312 : i32
    %add3A_128 = arith.addi %mul3A_2, %add3A_127 : i32
    "tpu.region"() ({
      %run_scoped3A = tpu.sem_alloc : memref<!tpu.dma_semaphore, #tpu.memory_space<semaphore_mem>>
      %dma_start3A_129 = arith.constant 0 : i32
      %dma_start3A_130 = tpu.memref_slice %arg6[%add3A_128, %dma_start3A_129] : memref<13312x128xf32, #tpu.memory_space<hbm>> -> memref<104x128xf32, #tpu.memory_space<hbm>>
      %dma_start3A_131 = arith.constant 0 : i32
      %dma_start3A_132 = tpu.memref_slice %arg6[%add3A_128, %dma_start3A_131] : memref<13312x128xf32, #tpu.memory_space<hbm>> -> memref<104x128xf32, #tpu.memory_space<hbm>>
      tpu.enqueue_dma source(%arg11 : memref<104x128xf32, #tpu.memory_space<vmem>>) target(%dma_start3A_132 : memref<104x128xf32, #tpu.memory_space<hbm>>) target_semaphore(%run_scoped3A : memref<!tpu.dma_semaphore, #tpu.memory_space<semaphore_mem>>)
      %dma_wait3A_133 = arith.constant 0 : i32
      %dma_wait3A_134 = tpu.memref_slice %arg6[%add3A_128, %dma_wait3A_133] : memref<13312x128xf32, #tpu.memory_space<hbm>> -> memref<104x128xf32, #tpu.memory_space<hbm>>
      %dma_wait3A_135 = arith.constant 0 : i32
      %dma_wait3A_136 = tpu.memref_slice %arg6[%add3A_128, %dma_wait3A_135] : memref<13312x128xf32, #tpu.memory_space<hbm>> -> memref<104x128xf32, #tpu.memory_space<hbm>>
      tpu.wait_dma2 semaphore(%run_scoped3A : memref<!tpu.dma_semaphore, #tpu.memory_space<semaphore_mem>>) src(%arg11 : memref<104x128xf32, #tpu.memory_space<vmem>>) dst(%dma_wait3A_136 : memref<104x128xf32, #tpu.memory_space<hbm>>)
      tpu.yield
    }) : () -> ()
    "tpu.region"() ({
      %run_scoped3A = tpu.sem_alloc : memref<!tpu.dma_semaphore, #tpu.memory_space<semaphore_mem>>
      %dma_start3A_129 = arith.constant 0 : i32
      %dma_start3A_130 = tpu.memref_slice %arg7[%add3A_128, %dma_start3A_129] : memref<13312x128xf32, #tpu.memory_space<hbm>> -> memref<104x128xf32, #tpu.memory_space<hbm>>
      %dma_start3A_131 = arith.constant 0 : i32
      %dma_start3A_132 = tpu.memref_slice %arg7[%add3A_128, %dma_start3A_131] : memref<13312x128xf32, #tpu.memory_space<hbm>> -> memref<104x128xf32, #tpu.memory_space<hbm>>
      tpu.enqueue_dma source(%arg13 : memref<104x128xf32, #tpu.memory_space<vmem>>) target(%dma_start3A_132 : memref<104x128xf32, #tpu.memory_space<hbm>>) target_semaphore(%run_scoped3A : memref<!tpu.dma_semaphore, #tpu.memory_space<semaphore_mem>>)
      %dma_wait3A_133 = arith.constant 0 : i32
      %dma_wait3A_134 = tpu.memref_slice %arg7[%add3A_128, %dma_wait3A_133] : memref<13312x128xf32, #tpu.memory_space<hbm>> -> memref<104x128xf32, #tpu.memory_space<hbm>>
      %dma_wait3A_135 = arith.constant 0 : i32
      %dma_wait3A_136 = tpu.memref_slice %arg7[%add3A_128, %dma_wait3A_135] : memref<13312x128xf32, #tpu.memory_space<hbm>> -> memref<104x128xf32, #tpu.memory_space<hbm>>
      tpu.wait_dma2 semaphore(%run_scoped3A : memref<!tpu.dma_semaphore, #tpu.memory_space<semaphore_mem>>) src(%arg13 : memref<104x128xf32, #tpu.memory_space<vmem>>) dst(%dma_wait3A_136 : memref<104x128xf32, #tpu.memory_space<hbm>>)
      tpu.yield
    }) : () -> ()
    "tpu.region"() ({
      %run_scoped3A = tpu.sem_alloc : memref<!tpu.dma_semaphore, #tpu.memory_space<semaphore_mem>>
      %dma_start3A_129 = arith.constant 0 : i32
      %dma_start3A_130 = tpu.memref_slice %arg8[%add3A_128, %dma_start3A_129] : memref<13312x128xi32, #tpu.memory_space<hbm>> -> memref<104x128xi32, #tpu.memory_space<hbm>>
      %dma_start3A_131 = arith.constant 0 : i32
      %dma_start3A_132 = tpu.memref_slice %arg8[%add3A_128, %dma_start3A_131] : memref<13312x128xi32, #tpu.memory_space<hbm>> -> memref<104x128xi32, #tpu.memory_space<hbm>>
      tpu.enqueue_dma source(%arg15 : memref<104x128xi32, #tpu.memory_space<vmem>>) target(%dma_start3A_132 : memref<104x128xi32, #tpu.memory_space<hbm>>) target_semaphore(%run_scoped3A : memref<!tpu.dma_semaphore, #tpu.memory_space<semaphore_mem>>)
      %dma_wait3A_133 = arith.constant 0 : i32
      %dma_wait3A_134 = tpu.memref_slice %arg8[%add3A_128, %dma_wait3A_133] : memref<13312x128xi32, #tpu.memory_space<hbm>> -> memref<104x128xi32, #tpu.memory_space<hbm>>
      %dma_wait3A_135 = arith.constant 0 : i32
      %dma_wait3A_136 = tpu.memref_slice %arg8[%add3A_128, %dma_wait3A_135] : memref<13312x128xi32, #tpu.memory_space<hbm>> -> memref<104x128xi32, #tpu.memory_space<hbm>>
      tpu.wait_dma2 semaphore(%run_scoped3A : memref<!tpu.dma_semaphore, #tpu.memory_space<semaphore_mem>>) src(%arg15 : memref<104x128xi32, #tpu.memory_space<vmem>>) dst(%dma_wait3A_136 : memref<104x128xi32, #tpu.memory_space<hbm>>)
      tpu.yield
    }) : () -> ()
    return
  }
}

module attributes {stable_mosaic.version = 14 : i64} {
  func.func @_kb_body(%arg0: i32, %arg1: memref<3000x128xf32, #tpu.memory_space<vmem>>, %arg2: memref<3000x4xi32, #tpu.memory_space<vmem>>, %arg3: memref<200x128xf32, #tpu.memory_space<vmem>>, %arg4: memref<200x128xf32, #tpu.memory_space<vmem>>, %arg5: memref<200x128xf32, #tpu.memory_space<vmem>>, %arg6: memref<128x128xf32, #tpu.memory_space<vmem>>, %arg7: memref<128x128xf32, #tpu.memory_space<vmem>>, %arg8: memref<128x128xf32, #tpu.memory_space<vmem>>, %arg9: memref<128x128xf32, #tpu.memory_space<vmem>>, %arg10: memref<4x128xf32, #tpu.memory_space<vmem>>, %arg11: memref<128x128xf32, #tpu.memory_space<vmem>>, %arg12: memref<128x128xf32, #tpu.memory_space<vmem>>, %arg13: memref<1x256xf32, #tpu.memory_space<vmem>>, %arg14: memref<3000x128xf32, #tpu.memory_space<vmem>>, %arg15: memref<8x128xf32, #tpu.memory_space<vmem>>, %arg16: memref<200x128xf32, #tpu.memory_space<vmem>>, %arg17: memref<200x128xf32, #tpu.memory_space<vmem>>) attributes {dimension_semantics = [#tpu.dimension_semantics<arbitrary>], iteration_bounds = array<i64: 5>, scalar_prefetch = 0 : i64, scratch_operands = 2 : i64, tpu.core_type = #tpu.core_type<tc>, window_params = [{transform_indices = @transform_0, window_bounds = array<i64: 3000, 128>}, {transform_indices = @transform_1, window_bounds = array<i64: 3000, 4>}, {pipeline_mode = #tpu.pipeline_mode<synchronous>, transform_indices = @transform_2, window_bounds = array<i64: 200, 128>}, {pipeline_mode = #tpu.pipeline_mode<synchronous>, transform_indices = @transform_3, window_bounds = array<i64: 200, 128>}, {pipeline_mode = #tpu.pipeline_mode<synchronous>, transform_indices = @transform_4, window_bounds = array<i64: 200, 128>}, {pipeline_mode = #tpu.pipeline_mode<synchronous>, transform_indices = @transform_5, window_bounds = array<i64: 128, 128>}, {pipeline_mode = #tpu.pipeline_mode<synchronous>, transform_indices = @transform_6, window_bounds = array<i64: 128, 128>}, {pipeline_mode = #tpu.pipeline_mode<synchronous>, transform_indices = @transform_7, window_bounds = array<i64: 128, 128>}, {pipeline_mode = #tpu.pipeline_mode<synchronous>, transform_indices = @transform_8, window_bounds = array<i64: 128, 128>}, {pipeline_mode = #tpu.pipeline_mode<synchronous>, transform_indices = @transform_9, window_bounds = array<i64: 4, 128>}, {pipeline_mode = #tpu.pipeline_mode<synchronous>, transform_indices = @transform_10, window_bounds = array<i64: 128, 128>}, {pipeline_mode = #tpu.pipeline_mode<synchronous>, transform_indices = @transform_11, window_bounds = array<i64: 128, 128>}, {pipeline_mode = #tpu.pipeline_mode<synchronous>, transform_indices = @transform_12, window_bounds = array<i64: 1, 256>}, {transform_indices = @transform_13, window_bounds = array<i64: 3000, 128>}, {pipeline_mode = #tpu.pipeline_mode<synchronous>, transform_indices = @transform_14, window_bounds = array<i64: 8, 128>}]} {
    %get3A = arith.constant 1 : index
    %get3A_0 = arith.constant 0 : index
    %get3A_1 = vector.load %arg10[%get3A, %get3A_0] : memref<4x128xf32, #tpu.memory_space<vmem>>, vector<1x128xf32>
    %get3A_2 = arith.constant 2 : index
    %get3A_3 = arith.constant 0 : index
    %get3A_4 = vector.load %arg10[%get3A_2, %get3A_3] : memref<4x128xf32, #tpu.memory_space<vmem>>, vector<1x128xf32>
    %get3A_5 = arith.constant 3 : index
    %get3A_6 = arith.constant 0 : index
    %get3A_7 = vector.load %arg10[%get3A_5, %get3A_6] : memref<4x128xf32, #tpu.memory_space<vmem>>, vector<1x128xf32>
    %eq3A = arith.constant 0 : i32
    %eq3A_8 = arith.cmpi eq, %arg0, %eq3A : i32
    %convert_element_type3A = arith.extui %eq3A_8 : i1 to i32
    %cond3A = arith.constant 0 : i32
    %cond3A_9 = arith.cmpi ne, %convert_element_type3A, %cond3A : i32
    scf.if %cond3A_9 {
      %get3A_75 = arith.constant 0 : index
      %get3A_76 = arith.constant 0 : index
      %get3A_77 = vector.load %arg10[%get3A_75, %get3A_76] : memref<4x128xf32, #tpu.memory_space<vmem>>, vector<1x128xf32>
      %get3A_78 = arith.constant 0 : index
      %get3A_79 = arith.constant 0 : index
      %get3A_80 = vector.load %arg3[%get3A_78, %get3A_79] : memref<200x128xf32, #tpu.memory_space<vmem>>, vector<200x128xf32>
      %mul3A_81 = arith.constant 1.000000e-01 : f32
      %mul3A_82 = vector.broadcast %mul3A_81 : f32 to vector<200x128xf32>
      %mul3A_83 = arith.mulf %get3A_80, %mul3A_82 : vector<200x128xf32>
      %get3A_84 = arith.constant 0 : index
      %get3A_85 = arith.constant 0 : index
      %get3A_86 = vector.load %arg5[%get3A_84, %get3A_85] : memref<200x128xf32, #tpu.memory_space<vmem>>, vector<200x128xf32>
      %add3A_87 = arith.addf %mul3A_83, %get3A_86 : vector<200x128xf32>
      %get3A_88 = arith.constant 0 : index
      %get3A_89 = arith.constant 0 : index
      %get3A_90 = vector.load %arg6[%get3A_88, %get3A_89] : memref<128x128xf32, #tpu.memory_space<vmem>>, vector<128x128xf32>
      %dot_general3A_91 = arith.constant dense<0.000000e+00> : vector<200x128xf32>
      %dot_general3A_92 = tpu.matmul %add3A_87, %get3A_90, %dot_general3A_91 {dimension_numbers = #tpu.dot_dimension_numbers<[1], [1], [0], [0], [0, 0, 1, 0], [], []>, transpose_lhs_hint = false} : vector<200x128xf32>, vector<128x128xf32>, vector<200x128xf32> -> vector<200x128xf32>
      %add3A_93 = vector.broadcast %get3A_77 : vector<1x128xf32> to vector<200x128xf32>
      %add3A_94 = arith.addf %dot_general3A_92, %add3A_93 : vector<200x128xf32>
      %tanh3A_95 = math.tanh %add3A_94 : vector<200x128xf32>
      %swap3A_96 = arith.constant 0 : index
      %swap3A_97 = arith.constant 0 : index
      %swap3A_98 = vector.load %arg16[%swap3A_96, %swap3A_97] : memref<200x128xf32, #tpu.memory_space<vmem>>, vector<200x128xf32>
      tpu.vector_store %arg16[%swap3A_96, %swap3A_97], %tanh3A_95 {strides = array<i32>} : memref<200x128xf32, #tpu.memory_space<vmem>>, vector<200x128xf32>,
      %get3A_99 = arith.constant 0 : index
      %get3A_100 = arith.constant 0 : index
      %get3A_101 = vector.load %arg4[%get3A_99, %get3A_100] : memref<200x128xf32, #tpu.memory_space<vmem>>, vector<200x128xf32>
      %mul3A_102 = arith.constant 1.000000e-01 : f32
      %mul3A_103 = vector.broadcast %mul3A_102 : f32 to vector<200x128xf32>
      %mul3A_104 = arith.mulf %get3A_101, %mul3A_103 : vector<200x128xf32>
      %add3A_105 = arith.addf %mul3A_104, %tanh3A_95 : vector<200x128xf32>
      %get3A_106 = arith.constant 0 : index
      %get3A_107 = arith.constant 0 : index
      %get3A_108 = vector.load %arg7[%get3A_106, %get3A_107] : memref<128x128xf32, #tpu.memory_space<vmem>>, vector<128x128xf32>
      %dot_general3A_109 = arith.constant dense<0.000000e+00> : vector<200x128xf32>
      %dot_general3A_110 = tpu.matmul %add3A_105, %get3A_108, %dot_general3A_109 {dimension_numbers = #tpu.dot_dimension_numbers<[1], [1], [0], [0], [0, 0, 1, 0], [], []>, transpose_lhs_hint = false} : vector<200x128xf32>, vector<128x128xf32>, vector<200x128xf32> -> vector<200x128xf32>
      %add3A_111 = vector.broadcast %get3A_1 : vector<1x128xf32> to vector<200x128xf32>
      %add3A_112 = arith.addf %dot_general3A_110, %add3A_111 : vector<200x128xf32>
      %tanh3A_113 = math.tanh %add3A_112 : vector<200x128xf32>
      %swap3A_114 = arith.constant 0 : index
      %swap3A_115 = arith.constant 0 : index
      %swap3A_116 = vector.load %arg17[%swap3A_114, %swap3A_115] : memref<200x128xf32, #tpu.memory_space<vmem>>, vector<200x128xf32>
      tpu.vector_store %arg17[%swap3A_114, %swap3A_115], %tanh3A_113 {strides = array<i32>} : memref<200x128xf32, #tpu.memory_space<vmem>>, vector<200x128xf32>,
      %get3A_117 = arith.constant 0 : index
      %get3A_118 = arith.constant 0 : index
      %get3A_119 = vector.load %arg13[%get3A_117, %get3A_118] : memref<1x256xf32, #tpu.memory_space<vmem>>, vector<1x256xf32>
      %slice3A_120 = vector.extract_strided_slice %get3A_119 {offsets = [0, 0], sizes = [1, 128], strides = [1, 1]} : vector<1x256xf32> to vector<1x128xf32>
      %get3A_121 = arith.constant 0 : index
      %get3A_122 = arith.constant 0 : index
      %get3A_123 = vector.load %arg11[%get3A_121, %get3A_122] : memref<128x128xf32, #tpu.memory_space<vmem>>, vector<128x128xf32>
      %dot_general3A_124 = arith.constant dense<0.000000e+00> : vector<1x128xf32>
      %dot_general3A_125 = tpu.matmul %slice3A_120, %get3A_123, %dot_general3A_124 {dimension_numbers = #tpu.dot_dimension_numbers<[1], [0], [0], [1], [0, 0, 1, 1], [], []>, transpose_lhs_hint = false} : vector<1x128xf32>, vector<128x128xf32>, vector<1x128xf32> -> vector<1x128xf32>
      %slice3A_126 = vector.extract_strided_slice %get3A_119 {offsets = [0, 128], sizes = [1, 128], strides = [1, 1]} : vector<1x256xf32> to vector<1x128xf32>
      %get3A_127 = arith.constant 0 : index
      %get3A_128 = arith.constant 0 : index
      %get3A_129 = vector.load %arg12[%get3A_127, %get3A_128] : memref<128x128xf32, #tpu.memory_space<vmem>>, vector<128x128xf32>
      %dot_general3A_130 = arith.constant dense<0.000000e+00> : vector<1x128xf32>
      %dot_general3A_131 = tpu.matmul %slice3A_126, %get3A_129, %dot_general3A_130 {dimension_numbers = #tpu.dot_dimension_numbers<[1], [0], [0], [1], [0, 0, 1, 1], [], []>, transpose_lhs_hint = false} : vector<1x128xf32>, vector<128x128xf32>, vector<1x128xf32> -> vector<1x128xf32>
      %broadcast_in_dim3A = arith.constant 0.000000e+00 : f32
      %broadcast_in_dim3A_132 = vector.broadcast %broadcast_in_dim3A : f32 to vector<6x128xf32>
      %concatenate3A = tpu.concatenate %dot_general3A_125, %dot_general3A_131, %broadcast_in_dim3A_132 in 0 : vector<1x128xf32>, vector<1x128xf32>, vector<6x128xf32> -> vector<8x128xf32>
      %swap3A_133 = arith.constant 0 : index
      %swap3A_134 = arith.constant 0 : index
      %swap3A_135 = vector.load %arg15[%swap3A_133, %swap3A_134] : memref<8x128xf32, #tpu.memory_space<vmem>>, vector<8x128xf32>
      tpu.vector_store %arg15[%swap3A_133, %swap3A_134], %concatenate3A {strides = array<i32>} : memref<8x128xf32, #tpu.memory_space<vmem>>, vector<8x128xf32>,
    } else {
    }
    %get3A_10 = arith.constant 0 : index
    %get3A_11 = arith.constant 0 : index
    %get3A_12 = vector.load %arg2[%get3A_10, %get3A_11] : memref<3000x4xi32, #tpu.memory_space<vmem>>, vector<3000x4xi32>
    %iota3A = tpu.iota {dimensions = array<i32: 1>} : vector<3000x200xi32>
    %slice3A = vector.extract_strided_slice %get3A_12 {offsets = [0, 0], sizes = [3000, 1], strides = [1, 1]} : vector<3000x4xi32> to vector<3000x1xi32>
    %eq3A_13 = vector.broadcast %slice3A : vector<3000x1xi32> to vector<3000x200xi32>
    %eq3A_14 = arith.cmpi eq, %eq3A_13, %iota3A : vector<3000x200xi32>
    %convert_element_type3A_15 = arith.extui %eq3A_14 : vector<3000x200xi1> to vector<3000x200xi32>
    %convert_element_type3A_16 = arith.sitofp %convert_element_type3A_15 : vector<3000x200xi32> to vector<3000x200xf32>
    %slice3A_17 = vector.extract_strided_slice %get3A_12 {offsets = [0, 1], sizes = [3000, 1], strides = [1, 1]} : vector<3000x4xi32> to vector<3000x1xi32>
    %eq3A_18 = vector.broadcast %slice3A_17 : vector<3000x1xi32> to vector<3000x200xi32>
    %eq3A_19 = arith.cmpi eq, %eq3A_18, %iota3A : vector<3000x200xi32>
    %convert_element_type3A_20 = arith.extui %eq3A_19 : vector<3000x200xi1> to vector<3000x200xi32>
    %convert_element_type3A_21 = arith.sitofp %convert_element_type3A_20 : vector<3000x200xi32> to vector<3000x200xf32>
    %add3A = arith.addf %convert_element_type3A_16, %convert_element_type3A_21 : vector<3000x200xf32>
    %slice3A_22 = vector.extract_strided_slice %get3A_12 {offsets = [0, 2], sizes = [3000, 1], strides = [1, 1]} : vector<3000x4xi32> to vector<3000x1xi32>
    %eq3A_23 = vector.broadcast %slice3A_22 : vector<3000x1xi32> to vector<3000x200xi32>
    %eq3A_24 = arith.cmpi eq, %eq3A_23, %iota3A : vector<3000x200xi32>
    %convert_element_type3A_25 = arith.extui %eq3A_24 : vector<3000x200xi1> to vector<3000x200xi32>
    %convert_element_type3A_26 = arith.sitofp %convert_element_type3A_25 : vector<3000x200xi32> to vector<3000x200xf32>
    %add3A_27 = arith.addf %add3A, %convert_element_type3A_26 : vector<3000x200xf32>
    %slice3A_28 = vector.extract_strided_slice %get3A_12 {offsets = [0, 3], sizes = [3000, 1], strides = [1, 1]} : vector<3000x4xi32> to vector<3000x1xi32>
    %eq3A_29 = vector.broadcast %slice3A_28 : vector<3000x1xi32> to vector<3000x200xi32>
    %eq3A_30 = arith.cmpi eq, %eq3A_29, %iota3A : vector<3000x200xi32>
    %convert_element_type3A_31 = arith.extui %eq3A_30 : vector<3000x200xi1> to vector<3000x200xi32>
    %convert_element_type3A_32 = arith.sitofp %convert_element_type3A_31 : vector<3000x200xi32> to vector<3000x200xf32>
    %add3A_33 = arith.addf %add3A_27, %convert_element_type3A_32 : vector<3000x200xf32>
    %mul3A = arith.constant 2.500000e-01 : f32
    %mul3A_34 = vector.broadcast %mul3A : f32 to vector<3000x200xf32>
    %mul3A_35 = arith.mulf %add3A_33, %mul3A_34 : vector<3000x200xf32>
    %get3A_36 = arith.constant 0 : index
    %get3A_37 = arith.constant 0 : index
    %get3A_38 = vector.load %arg16[%get3A_36, %get3A_37] : memref<200x128xf32, #tpu.memory_space<vmem>>, vector<200x128xf32>
    %dot_general3A = arith.constant dense<0.000000e+00> : vector<3000x128xf32>
    %dot_general3A_39 = tpu.matmul %mul3A_35, %get3A_38, %dot_general3A {dimension_numbers = #tpu.dot_dimension_numbers<[1], [0], [0], [1], [0, 0, 1, 1], [], []>, transpose_lhs_hint = false} : vector<3000x200xf32>, vector<200x128xf32>, vector<3000x128xf32> -> vector<3000x128xf32>
    %get3A_40 = arith.constant 0 : index
    %get3A_41 = arith.constant 0 : index
    %get3A_42 = vector.load %arg1[%get3A_40, %get3A_41] : memref<3000x128xf32, #tpu.memory_space<vmem>>, vector<3000x128xf32>
    %add3A_43 = arith.addf %dot_general3A_39, %get3A_42 : vector<3000x128xf32>
    %get3A_44 = arith.constant 0 : index
    %get3A_45 = arith.constant 0 : index
    %get3A_46 = vector.load %arg7[%get3A_44, %get3A_45] : memref<128x128xf32, #tpu.memory_space<vmem>>, vector<128x128xf32>
    %dot_general3A_47 = arith.constant dense<0.000000e+00> : vector<3000x128xf32>
    %dot_general3A_48 = tpu.matmul %add3A_43, %get3A_46, %dot_general3A_47 {dimension_numbers = #tpu.dot_dimension_numbers<[1], [1], [0], [0], [0, 0, 1, 0], [], []>, transpose_lhs_hint = false} : vector<3000x128xf32>, vector<128x128xf32>, vector<3000x128xf32> -> vector<3000x128xf32>
    %add3A_49 = vector.broadcast %get3A_1 : vector<1x128xf32> to vector<3000x128xf32>
    %add3A_50 = arith.addf %dot_general3A_48, %add3A_49 : vector<3000x128xf32>
    %tanh3A = math.tanh %add3A_50 : vector<3000x128xf32>
    %get3A_51 = arith.constant 0 : index
    %get3A_52 = arith.constant 0 : index
    %get3A_53 = vector.load %arg17[%get3A_51, %get3A_52] : memref<200x128xf32, #tpu.memory_space<vmem>>, vector<200x128xf32>
    %dot_general3A_54 = arith.constant dense<0.000000e+00> : vector<3000x128xf32>
    %dot_general3A_55 = tpu.matmul %mul3A_35, %get3A_53, %dot_general3A_54 {dimension_numbers = #tpu.dot_dimension_numbers<[1], [0], [0], [1], [0, 0, 1, 1], [], []>, transpose_lhs_hint = false} : vector<3000x200xf32>, vector<200x128xf32>, vector<3000x128xf32> -> vector<3000x128xf32>
    %add3A_56 = arith.addf %dot_general3A_55, %tanh3A : vector<3000x128xf32>
    %get3A_57 = arith.constant 0 : index
    %get3A_58 = arith.constant 0 : index
    %get3A_59 = vector.load %arg8[%get3A_57, %get3A_58] : memref<128x128xf32, #tpu.memory_space<vmem>>, vector<128x128xf32>
    %dot_general3A_60 = arith.constant dense<0.000000e+00> : vector<3000x128xf32>
    %dot_general3A_61 = tpu.matmul %add3A_56, %get3A_59, %dot_general3A_60 {dimension_numbers = #tpu.dot_dimension_numbers<[1], [1], [0], [0], [0, 0, 1, 0], [], []>, transpose_lhs_hint = false} : vector<3000x128xf32>, vector<128x128xf32>, vector<3000x128xf32> -> vector<3000x128xf32>
    %add3A_62 = vector.broadcast %get3A_4 : vector<1x128xf32> to vector<3000x128xf32>
    %add3A_63 = arith.addf %dot_general3A_61, %add3A_62 : vector<3000x128xf32>
    %tanh3A_64 = math.tanh %add3A_63 : vector<3000x128xf32>
    %get3A_65 = arith.constant 0 : index
    %get3A_66 = arith.constant 0 : index
    %get3A_67 = vector.load %arg9[%get3A_65, %get3A_66] : memref<128x128xf32, #tpu.memory_space<vmem>>, vector<128x128xf32>
    %dot_general3A_68 = arith.constant dense<0.000000e+00> : vector<3000x128xf32>
    %dot_general3A_69 = tpu.matmul %tanh3A_64, %get3A_67, %dot_general3A_68 {dimension_numbers = #tpu.dot_dimension_numbers<[1], [1], [0], [0], [0, 0, 1, 0], [], []>, transpose_lhs_hint = false} : vector<3000x128xf32>, vector<128x128xf32>, vector<3000x128xf32> -> vector<3000x128xf32>
    %add3A_70 = vector.broadcast %get3A_7 : vector<1x128xf32> to vector<3000x128xf32>
    %add3A_71 = arith.addf %dot_general3A_69, %add3A_70 : vector<3000x128xf32>
    %tanh3A_72 = math.tanh %add3A_71 : vector<3000x128xf32>
    %swap3A = arith.constant 0 : index
    %swap3A_73 = arith.constant 0 : index
    %swap3A_74 = vector.load %arg14[%swap3A, %swap3A_73] : memref<3000x128xf32, #tpu.memory_space<vmem>>, vector<3000x128xf32>
    tpu.vector_store %arg14[%swap3A, %swap3A_73], %tanh3A_72 {strides = array<i32>} : memref<3000x128xf32, #tpu.memory_space<vmem>>, vector<3000x128xf32>,
    return
  }
  func.func @transform_0(%arg0: i32) -> (i32, i32) {
    %c0_i32 = arith.constant 0 : i32
    %c0_i32_0 = arith.constant 0 : i32
    return %arg0, %c0_i32 : i32, i32
  }
  func.func @transform_1(%arg0: i32) -> (i32, i32) {
    %c0_i32 = arith.constant 0 : i32
    %c0_i32_0 = arith.constant 0 : i32
    return %arg0, %c0_i32 : i32, i32
  }
  func.func @transform_2(%arg0: i32) -> (i32, i32) {
    %c0_i32 = arith.constant 0 : i32
    %c0_i32_0 = arith.constant 0 : i32
    %c0_i32_1 = arith.constant 0 : i32
    return %c0_i32, %c0_i32_0 : i32, i32
  }
  func.func @transform_3(%arg0: i32) -> (i32, i32) {
    %c0_i32 = arith.constant 0 : i32
    %c0_i32_0 = arith.constant 0 : i32
    %c0_i32_1 = arith.constant 0 : i32
    return %c0_i32, %c0_i32_0 : i32, i32
  }
  func.func @transform_4(%arg0: i32) -> (i32, i32) {
    %c0_i32 = arith.constant 0 : i32
    %c0_i32_0 = arith.constant 0 : i32
    %c0_i32_1 = arith.constant 0 : i32
    return %c0_i32, %c0_i32_0 : i32, i32
  }
  func.func @transform_5(%arg0: i32) -> (i32, i32) {
    %c0_i32 = arith.constant 0 : i32
    %c0_i32_0 = arith.constant 0 : i32
    %c0_i32_1 = arith.constant 0 : i32
    return %c0_i32, %c0_i32_0 : i32, i32
  }
  func.func @transform_6(%arg0: i32) -> (i32, i32) {
    %c0_i32 = arith.constant 0 : i32
    %c0_i32_0 = arith.constant 0 : i32
    %c0_i32_1 = arith.constant 0 : i32
    return %c0_i32, %c0_i32_0 : i32, i32
  }
  func.func @transform_7(%arg0: i32) -> (i32, i32) {
    %c0_i32 = arith.constant 0 : i32
    %c0_i32_0 = arith.constant 0 : i32
    %c0_i32_1 = arith.constant 0 : i32
    return %c0_i32, %c0_i32_0 : i32, i32
  }
  func.func @transform_8(%arg0: i32) -> (i32, i32) {
    %c0_i32 = arith.constant 0 : i32
    %c0_i32_0 = arith.constant 0 : i32
    %c0_i32_1 = arith.constant 0 : i32
    return %c0_i32, %c0_i32_0 : i32, i32
  }
  func.func @transform_9(%arg0: i32) -> (i32, i32) {
    %c0_i32 = arith.constant 0 : i32
    %c0_i32_0 = arith.constant 0 : i32
    %c0_i32_1 = arith.constant 0 : i32
    return %c0_i32, %c0_i32_0 : i32, i32
  }
  func.func @transform_10(%arg0: i32) -> (i32, i32) {
    %c0_i32 = arith.constant 0 : i32
    %c0_i32_0 = arith.constant 0 : i32
    %c0_i32_1 = arith.constant 0 : i32
    return %c0_i32, %c0_i32_0 : i32, i32
  }
  func.func @transform_11(%arg0: i32) -> (i32, i32) {
    %c0_i32 = arith.constant 0 : i32
    %c0_i32_0 = arith.constant 0 : i32
    %c0_i32_1 = arith.constant 0 : i32
    return %c0_i32, %c0_i32_0 : i32, i32
  }
  func.func @transform_12(%arg0: i32) -> (i32, i32) {
    %c0_i32 = arith.constant 0 : i32
    %c0_i32_0 = arith.constant 0 : i32
    %c0_i32_1 = arith.constant 0 : i32
    return %c0_i32, %c0_i32_0 : i32, i32
  }
  func.func @transform_13(%arg0: i32) -> (i32, i32) {
    %c0_i32 = arith.constant 0 : i32
    %c0_i32_0 = arith.constant 0 : i32
    return %arg0, %c0_i32 : i32, i32
  }
  func.func @transform_14(%arg0: i32) -> (i32, i32) {
    %c0_i32 = arith.constant 0 : i32
    %c0_i32_0 = arith.constant 0 : i32
    %c0_i32_1 = arith.constant 0 : i32
    return %c0_i32, %c0_i32_0 : i32, i32
  }
}

module attributes {stable_mosaic.version = 14 : i64} {
  func.func @_ka_body(%arg0: i32, %arg1: memref<3000x128xf32, #tpu.memory_space<vmem>>, %arg2: memref<3000x4xi32, #tpu.memory_space<vmem>>, %arg3: memref<3000x4xi32, #tpu.memory_space<vmem>>, %arg4: memref<200x10xi32, #tpu.memory_space<vmem>>, %arg5: memref<200x128xf32, #tpu.memory_space<vmem>>, %arg6: memref<128x128xf32, #tpu.memory_space<vmem>>, %arg7: memref<1x128xf32, #tpu.memory_space<vmem>>, %arg8: memref<3000x128xf32, #tpu.memory_space<vmem>>, %arg9: memref<3000x128xi32, #tpu.memory_space<vmem>>, %arg10: memref<200x128xf32, #tpu.memory_space<vmem>>, %arg11: memref<200x128xf32, #tpu.memory_space<vmem>>) attributes {dimension_semantics = [#tpu.dimension_semantics<arbitrary>], iteration_bounds = array<i64: 5>, scalar_prefetch = 0 : i64, scratch_operands = 0 : i64, tpu.core_type = #tpu.core_type<tc>, window_params = [{transform_indices = @transform_0, window_bounds = array<i64: 3000, 128>}, {transform_indices = @transform_1, window_bounds = array<i64: 3000, 4>}, {transform_indices = @transform_2, window_bounds = array<i64: 3000, 4>}, {pipeline_mode = #tpu.pipeline_mode<synchronous>, transform_indices = @transform_3, window_bounds = array<i64: 200, 10>}, {pipeline_mode = #tpu.pipeline_mode<synchronous>, transform_indices = @transform_4, window_bounds = array<i64: 200, 128>}, {pipeline_mode = #tpu.pipeline_mode<synchronous>, transform_indices = @transform_5, window_bounds = array<i64: 128, 128>}, {pipeline_mode = #tpu.pipeline_mode<synchronous>, transform_indices = @transform_6, window_bounds = array<i64: 1, 128>}, {transform_indices = @transform_7, window_bounds = array<i64: 3000, 128>}, {transform_indices = @transform_8, window_bounds = array<i64: 3000, 128>}, {pipeline_mode = #tpu.pipeline_mode<synchronous>, transform_indices = @transform_9, window_bounds = array<i64: 200, 128>}, {pipeline_mode = #tpu.pipeline_mode<synchronous>, transform_indices = @transform_10, window_bounds = array<i64: 200, 128>}]} {
    %get3A = arith.constant 0 : index
    %get3A_0 = arith.constant 0 : index
    %get3A_1 = vector.load %arg1[%get3A, %get3A_0] : memref<3000x128xf32, #tpu.memory_space<vmem>>, vector<3000x128xf32>
    %get3A_2 = arith.constant 0 : index
    %get3A_3 = arith.constant 0 : index
    %get3A_4 = vector.load %arg2[%get3A_2, %get3A_3] : memref<3000x4xi32, #tpu.memory_space<vmem>>, vector<3000x4xi32>
    %iota3A = tpu.iota {dimensions = array<i32: 1>} : vector<3000x200xi32>
    %slice3A = vector.extract_strided_slice %get3A_4 {offsets = [0, 0], sizes = [3000, 1], strides = [1, 1]} : vector<3000x4xi32> to vector<3000x1xi32>
    %eq3A = vector.broadcast %slice3A : vector<3000x1xi32> to vector<3000x200xi32>
    %eq3A_5 = arith.cmpi eq, %eq3A, %iota3A : vector<3000x200xi32>
    %convert_element_type3A = arith.extui %eq3A_5 : vector<3000x200xi1> to vector<3000x200xi32>
    %convert_element_type3A_6 = arith.sitofp %convert_element_type3A : vector<3000x200xi32> to vector<3000x200xf32>
    %slice3A_7 = vector.extract_strided_slice %get3A_4 {offsets = [0, 1], sizes = [3000, 1], strides = [1, 1]} : vector<3000x4xi32> to vector<3000x1xi32>
    %eq3A_8 = vector.broadcast %slice3A_7 : vector<3000x1xi32> to vector<3000x200xi32>
    %eq3A_9 = arith.cmpi eq, %eq3A_8, %iota3A : vector<3000x200xi32>
    %convert_element_type3A_10 = arith.extui %eq3A_9 : vector<3000x200xi1> to vector<3000x200xi32>
    %convert_element_type3A_11 = arith.sitofp %convert_element_type3A_10 : vector<3000x200xi32> to vector<3000x200xf32>
    %add3A = arith.addf %convert_element_type3A_6, %convert_element_type3A_11 : vector<3000x200xf32>
    %slice3A_12 = vector.extract_strided_slice %get3A_4 {offsets = [0, 2], sizes = [3000, 1], strides = [1, 1]} : vector<3000x4xi32> to vector<3000x1xi32>
    %eq3A_13 = vector.broadcast %slice3A_12 : vector<3000x1xi32> to vector<3000x200xi32>
    %eq3A_14 = arith.cmpi eq, %eq3A_13, %iota3A : vector<3000x200xi32>
    %convert_element_type3A_15 = arith.extui %eq3A_14 : vector<3000x200xi1> to vector<3000x200xi32>
    %convert_element_type3A_16 = arith.sitofp %convert_element_type3A_15 : vector<3000x200xi32> to vector<3000x200xf32>
    %add3A_17 = arith.addf %add3A, %convert_element_type3A_16 : vector<3000x200xf32>
    %slice3A_18 = vector.extract_strided_slice %get3A_4 {offsets = [0, 3], sizes = [3000, 1], strides = [1, 1]} : vector<3000x4xi32> to vector<3000x1xi32>
    %eq3A_19 = vector.broadcast %slice3A_18 : vector<3000x1xi32> to vector<3000x200xi32>
    %eq3A_20 = arith.cmpi eq, %eq3A_19, %iota3A : vector<3000x200xi32>
    %convert_element_type3A_21 = arith.extui %eq3A_20 : vector<3000x200xi1> to vector<3000x200xi32>
    %convert_element_type3A_22 = arith.sitofp %convert_element_type3A_21 : vector<3000x200xi32> to vector<3000x200xf32>
    %add3A_23 = arith.addf %add3A_17, %convert_element_type3A_22 : vector<3000x200xf32>
    %mul3A = arith.constant 2.500000e-01 : f32
    %mul3A_24 = vector.broadcast %mul3A : f32 to vector<3000x200xf32>
    %mul3A_25 = arith.mulf %add3A_23, %mul3A_24 : vector<3000x200xf32>
    %get3A_26 = arith.constant 0 : index
    %get3A_27 = arith.constant 0 : index
    %get3A_28 = vector.load %arg5[%get3A_26, %get3A_27] : memref<200x128xf32, #tpu.memory_space<vmem>>, vector<200x128xf32>
    %dot_general3A = arith.constant dense<0.000000e+00> : vector<3000x128xf32>
    %dot_general3A_29 = tpu.matmul %mul3A_25, %get3A_28, %dot_general3A {dimension_numbers = #tpu.dot_dimension_numbers<[1], [0], [0], [1], [0, 0, 1, 1], [], []>, transpose_lhs_hint = false} : vector<3000x200xf32>, vector<200x128xf32>, vector<3000x128xf32> -> vector<3000x128xf32>
    %add3A_30 = arith.addf %dot_general3A_29, %get3A_1 : vector<3000x128xf32>
    %get3A_31 = arith.constant 0 : index
    %get3A_32 = arith.constant 0 : index
    %get3A_33 = vector.load %arg6[%get3A_31, %get3A_32] : memref<128x128xf32, #tpu.memory_space<vmem>>, vector<128x128xf32>
    %dot_general3A_34 = arith.constant dense<0.000000e+00> : vector<3000x128xf32>
    %dot_general3A_35 = tpu.matmul %add3A_30, %get3A_33, %dot_general3A_34 {dimension_numbers = #tpu.dot_dimension_numbers<[1], [1], [0], [0], [0, 0, 1, 0], [], []>, transpose_lhs_hint = false} : vector<3000x128xf32>, vector<128x128xf32>, vector<3000x128xf32> -> vector<3000x128xf32>
    %get3A_36 = arith.constant 0 : index
    %get3A_37 = arith.constant 0 : index
    %get3A_38 = vector.load %arg7[%get3A_36, %get3A_37] : memref<1x128xf32, #tpu.memory_space<vmem>>, vector<1x128xf32>
    %add3A_39 = vector.broadcast %get3A_38 : vector<1x128xf32> to vector<3000x128xf32>
    %add3A_40 = arith.addf %dot_general3A_35, %add3A_39 : vector<3000x128xf32>
    %tanh3A = math.tanh %add3A_40 : vector<3000x128xf32>
    %swap3A = arith.constant 0 : index
    %swap3A_41 = arith.constant 0 : index
    %swap3A_42 = vector.load %arg8[%swap3A, %swap3A_41] : memref<3000x128xf32, #tpu.memory_space<vmem>>, vector<3000x128xf32>
    tpu.vector_store %arg8[%swap3A, %swap3A_41], %tanh3A {strides = array<i32>} : memref<3000x128xf32, #tpu.memory_space<vmem>>, vector<3000x128xf32>,
    %get3A_43 = arith.constant 0 : index
    %get3A_44 = arith.constant 0 : index
    %get3A_45 = vector.load %arg3[%get3A_43, %get3A_44] : memref<3000x4xi32, #tpu.memory_space<vmem>>, vector<3000x4xi32>
    %broadcast_in_dim3A = arith.constant 0 : i32
    %broadcast_in_dim3A_46 = vector.broadcast %broadcast_in_dim3A : i32 to vector<3000x124xi32>
    %concatenate3A = tpu.concatenate %get3A_45, %broadcast_in_dim3A_46 in 1 : vector<3000x4xi32>, vector<3000x124xi32> -> vector<3000x128xi32>
    %swap3A_47 = arith.constant 0 : index
    %swap3A_48 = arith.constant 0 : index
    %swap3A_49 = vector.load %arg9[%swap3A_47, %swap3A_48] : memref<3000x128xi32, #tpu.memory_space<vmem>>, vector<3000x128xi32>
    tpu.vector_store %arg9[%swap3A_47, %swap3A_48], %concatenate3A {strides = array<i32>} : memref<3000x128xi32, #tpu.memory_space<vmem>>, vector<3000x128xi32>,
    %get3A_50 = arith.constant 0 : index
    %get3A_51 = arith.constant 0 : index
    %get3A_52 = vector.load %arg4[%get3A_50, %get3A_51] : memref<200x10xi32, #tpu.memory_space<vmem>>, vector<200x10xi32>
    %iota3A_53 = tpu.iota {dimensions = array<i32: 1>} : vector<200x3000xi32>
    %mul3A_54 = arith.constant 3000 : i32
    %mul3A_55 = arith.muli %arg0, %mul3A_54 : i32
    %add3A_56 = vector.broadcast %mul3A_55 : i32 to vector<200x3000xi32>
    %add3A_57 = arith.addi %iota3A_53, %add3A_56 : vector<200x3000xi32>
    %slice3A_58 = vector.extract_strided_slice %get3A_52 {offsets = [0, 0], sizes = [200, 1], strides = [1, 1]} : vector<200x10xi32> to vector<200x1xi32>
    %eq3A_59 = vector.broadcast %slice3A_58 : vector<200x1xi32> to vector<200x3000xi32>
    %eq3A_60 = arith.cmpi eq, %eq3A_59, %add3A_57 : vector<200x3000xi32>
    %convert_element_type3A_61 = arith.extui %eq3A_60 : vector<200x3000xi1> to vector<200x3000xi32>
    %convert_element_type3A_62 = arith.sitofp %convert_element_type3A_61 : vector<200x3000xi32> to vector<200x3000xf32>
    %slice3A_63 = vector.extract_strided_slice %get3A_52 {offsets = [0, 1], sizes = [200, 1], strides = [1, 1]} : vector<200x10xi32> to vector<200x1xi32>
    %eq3A_64 = vector.broadcast %slice3A_63 : vector<200x1xi32> to vector<200x3000xi32>
    %eq3A_65 = arith.cmpi eq, %eq3A_64, %add3A_57 : vector<200x3000xi32>
    %convert_element_type3A_66 = arith.extui %eq3A_65 : vector<200x3000xi1> to vector<200x3000xi32>
    %convert_element_type3A_67 = arith.sitofp %convert_element_type3A_66 : vector<200x3000xi32> to vector<200x3000xf32>
    %add3A_68 = arith.addf %convert_element_type3A_62, %convert_element_type3A_67 : vector<200x3000xf32>
    %slice3A_69 = vector.extract_strided_slice %get3A_52 {offsets = [0, 2], sizes = [200, 1], strides = [1, 1]} : vector<200x10xi32> to vector<200x1xi32>
    %eq3A_70 = vector.broadcast %slice3A_69 : vector<200x1xi32> to vector<200x3000xi32>
    %eq3A_71 = arith.cmpi eq, %eq3A_70, %add3A_57 : vector<200x3000xi32>
    %convert_element_type3A_72 = arith.extui %eq3A_71 : vector<200x3000xi1> to vector<200x3000xi32>
    %convert_element_type3A_73 = arith.sitofp %convert_element_type3A_72 : vector<200x3000xi32> to vector<200x3000xf32>
    %add3A_74 = arith.addf %add3A_68, %convert_element_type3A_73 : vector<200x3000xf32>
    %slice3A_75 = vector.extract_strided_slice %get3A_52 {offsets = [0, 3], sizes = [200, 1], strides = [1, 1]} : vector<200x10xi32> to vector<200x1xi32>
    %eq3A_76 = vector.broadcast %slice3A_75 : vector<200x1xi32> to vector<200x3000xi32>
    %eq3A_77 = arith.cmpi eq, %eq3A_76, %add3A_57 : vector<200x3000xi32>
    %convert_element_type3A_78 = arith.extui %eq3A_77 : vector<200x3000xi1> to vector<200x3000xi32>
    %convert_element_type3A_79 = arith.sitofp %convert_element_type3A_78 : vector<200x3000xi32> to vector<200x3000xf32>
    %add3A_80 = arith.addf %add3A_74, %convert_element_type3A_79 : vector<200x3000xf32>
    %slice3A_81 = vector.extract_strided_slice %get3A_52 {offsets = [0, 4], sizes = [200, 1], strides = [1, 1]} : vector<200x10xi32> to vector<200x1xi32>
    %eq3A_82 = vector.broadcast %slice3A_81 : vector<200x1xi32> to vector<200x3000xi32>
    %eq3A_83 = arith.cmpi eq, %eq3A_82, %add3A_57 : vector<200x3000xi32>
    %convert_element_type3A_84 = arith.extui %eq3A_83 : vector<200x3000xi1> to vector<200x3000xi32>
    %convert_element_type3A_85 = arith.sitofp %convert_element_type3A_84 : vector<200x3000xi32> to vector<200x3000xf32>
    %add3A_86 = arith.addf %add3A_80, %convert_element_type3A_85 : vector<200x3000xf32>
    %slice3A_87 = vector.extract_strided_slice %get3A_52 {offsets = [0, 5], sizes = [200, 1], strides = [1, 1]} : vector<200x10xi32> to vector<200x1xi32>
    %eq3A_88 = vector.broadcast %slice3A_87 : vector<200x1xi32> to vector<200x3000xi32>
    %eq3A_89 = arith.cmpi eq, %eq3A_88, %add3A_57 : vector<200x3000xi32>
    %convert_element_type3A_90 = arith.extui %eq3A_89 : vector<200x3000xi1> to vector<200x3000xi32>
    %convert_element_type3A_91 = arith.sitofp %convert_element_type3A_90 : vector<200x3000xi32> to vector<200x3000xf32>
    %add3A_92 = arith.addf %add3A_86, %convert_element_type3A_91 : vector<200x3000xf32>
    %slice3A_93 = vector.extract_strided_slice %get3A_52 {offsets = [0, 6], sizes = [200, 1], strides = [1, 1]} : vector<200x10xi32> to vector<200x1xi32>
    %eq3A_94 = vector.broadcast %slice3A_93 : vector<200x1xi32> to vector<200x3000xi32>
    %eq3A_95 = arith.cmpi eq, %eq3A_94, %add3A_57 : vector<200x3000xi32>
    %convert_element_type3A_96 = arith.extui %eq3A_95 : vector<200x3000xi1> to vector<200x3000xi32>
    %convert_element_type3A_97 = arith.sitofp %convert_element_type3A_96 : vector<200x3000xi32> to vector<200x3000xf32>
    %add3A_98 = arith.addf %add3A_92, %convert_element_type3A_97 : vector<200x3000xf32>
    %slice3A_99 = vector.extract_strided_slice %get3A_52 {offsets = [0, 7], sizes = [200, 1], strides = [1, 1]} : vector<200x10xi32> to vector<200x1xi32>
    %eq3A_100 = vector.broadcast %slice3A_99 : vector<200x1xi32> to vector<200x3000xi32>
    %eq3A_101 = arith.cmpi eq, %eq3A_100, %add3A_57 : vector<200x3000xi32>
    %convert_element_type3A_102 = arith.extui %eq3A_101 : vector<200x3000xi1> to vector<200x3000xi32>
    %convert_element_type3A_103 = arith.sitofp %convert_element_type3A_102 : vector<200x3000xi32> to vector<200x3000xf32>
    %add3A_104 = arith.addf %add3A_98, %convert_element_type3A_103 : vector<200x3000xf32>
    %slice3A_105 = vector.extract_strided_slice %get3A_52 {offsets = [0, 8], sizes = [200, 1], strides = [1, 1]} : vector<200x10xi32> to vector<200x1xi32>
    %eq3A_106 = vector.broadcast %slice3A_105 : vector<200x1xi32> to vector<200x3000xi32>
    %eq3A_107 = arith.cmpi eq, %eq3A_106, %add3A_57 : vector<200x3000xi32>
    %convert_element_type3A_108 = arith.extui %eq3A_107 : vector<200x3000xi1> to vector<200x3000xi32>
    %convert_element_type3A_109 = arith.sitofp %convert_element_type3A_108 : vector<200x3000xi32> to vector<200x3000xf32>
    %add3A_110 = arith.addf %add3A_104, %convert_element_type3A_109 : vector<200x3000xf32>
    %slice3A_111 = vector.extract_strided_slice %get3A_52 {offsets = [0, 9], sizes = [200, 1], strides = [1, 1]} : vector<200x10xi32> to vector<200x1xi32>
    %eq3A_112 = vector.broadcast %slice3A_111 : vector<200x1xi32> to vector<200x3000xi32>
    %eq3A_113 = arith.cmpi eq, %eq3A_112, %add3A_57 : vector<200x3000xi32>
    %convert_element_type3A_114 = arith.extui %eq3A_113 : vector<200x3000xi1> to vector<200x3000xi32>
    %convert_element_type3A_115 = arith.sitofp %convert_element_type3A_114 : vector<200x3000xi32> to vector<200x3000xf32>
    %add3A_116 = arith.addf %add3A_110, %convert_element_type3A_115 : vector<200x3000xf32>
    %eq3A_117 = arith.constant 0 : i32
    %eq3A_118 = arith.cmpi eq, %arg0, %eq3A_117 : i32
    %convert_element_type3A_119 = arith.extui %eq3A_118 : i1 to i32
    %cond3A = arith.constant 0 : i32
    %cond3A_120 = arith.cmpi ne, %convert_element_type3A_119, %cond3A : i32
    scf.if %cond3A_120 {
      %broadcast_in_dim3A_139 = arith.constant 0.000000e+00 : f32
      %broadcast_in_dim3A_140 = vector.broadcast %broadcast_in_dim3A_139 : f32 to vector<200x128xf32>
      %swap3A_141 = arith.constant 0 : index
      %swap3A_142 = arith.constant 0 : index
      %swap3A_143 = vector.load %arg10[%swap3A_141, %swap3A_142] : memref<200x128xf32, #tpu.memory_space<vmem>>, vector<200x128xf32>
      tpu.vector_store %arg10[%swap3A_141, %swap3A_142], %broadcast_in_dim3A_140 {strides = array<i32>} : memref<200x128xf32, #tpu.memory_space<vmem>>, vector<200x128xf32>,
      %broadcast_in_dim3A_144 = arith.constant 0.000000e+00 : f32
      %broadcast_in_dim3A_145 = vector.broadcast %broadcast_in_dim3A_144 : f32 to vector<200x128xf32>
      %swap3A_146 = arith.constant 0 : index
      %swap3A_147 = arith.constant 0 : index
      %swap3A_148 = vector.load %arg11[%swap3A_146, %swap3A_147] : memref<200x128xf32, #tpu.memory_space<vmem>>, vector<200x128xf32>
      tpu.vector_store %arg11[%swap3A_146, %swap3A_147], %broadcast_in_dim3A_145 {strides = array<i32>} : memref<200x128xf32, #tpu.memory_space<vmem>>, vector<200x128xf32>,
    } else {
    }
    %get3A_121 = arith.constant 0 : index
    %get3A_122 = arith.constant 0 : index
    %get3A_123 = vector.load %arg10[%get3A_121, %get3A_122] : memref<200x128xf32, #tpu.memory_space<vmem>>, vector<200x128xf32>
    %dot_general3A_124 = arith.constant dense<0.000000e+00> : vector<200x128xf32>
    %dot_general3A_125 = tpu.matmul %add3A_116, %get3A_1, %dot_general3A_124 {dimension_numbers = #tpu.dot_dimension_numbers<[1], [0], [0], [1], [0, 0, 1, 1], [], []>, transpose_lhs_hint = false} : vector<200x3000xf32>, vector<3000x128xf32>, vector<200x128xf32> -> vector<200x128xf32>
    %add3A_126 = arith.addf %get3A_123, %dot_general3A_125 : vector<200x128xf32>
    %swap3A_127 = arith.constant 0 : index
    %swap3A_128 = arith.constant 0 : index
    %swap3A_129 = vector.load %arg10[%swap3A_127, %swap3A_128] : memref<200x128xf32, #tpu.memory_space<vmem>>, vector<200x128xf32>
    tpu.vector_store %arg10[%swap3A_127, %swap3A_128], %add3A_126 {strides = array<i32>} : memref<200x128xf32, #tpu.memory_space<vmem>>, vector<200x128xf32>,
    %get3A_130 = arith.constant 0 : index
    %get3A_131 = arith.constant 0 : index
    %get3A_132 = vector.load %arg11[%get3A_130, %get3A_131] : memref<200x128xf32, #tpu.memory_space<vmem>>, vector<200x128xf32>
    %dot_general3A_133 = arith.constant dense<0.000000e+00> : vector<200x128xf32>
    %dot_general3A_134 = tpu.matmul %add3A_116, %tanh3A, %dot_general3A_133 {dimension_numbers = #tpu.dot_dimension_numbers<[1], [0], [0], [1], [0, 0, 1, 1], [], []>, transpose_lhs_hint = false} : vector<200x3000xf32>, vector<3000x128xf32>, vector<200x128xf32> -> vector<200x128xf32>
    %add3A_135 = arith.addf %get3A_132, %dot_general3A_134 : vector<200x128xf32>
    %swap3A_136 = arith.constant 0 : index
    %swap3A_137 = arith.constant 0 : index
    %swap3A_138 = vector.load %arg11[%swap3A_136, %swap3A_137] : memref<200x128xf32, #tpu.memory_space<vmem>>, vector<200x128xf32>
    tpu.vector_store %arg11[%swap3A_136, %swap3A_137], %add3A_135 {strides = array<i32>} : memref<200x128xf32, #tpu.memory_space<vmem>>, vector<200x128xf32>,
    return
  }
  func.func @transform_0(%arg0: i32) -> (i32, i32) {
    %c0_i32 = arith.constant 0 : i32
    %c0_i32_0 = arith.constant 0 : i32
    return %arg0, %c0_i32 : i32, i32
  }
  func.func @transform_1(%arg0: i32) -> (i32, i32) {
    %c0_i32 = arith.constant 0 : i32
    %c0_i32_0 = arith.constant 0 : i32
    return %arg0, %c0_i32 : i32, i32
  }
  func.func @transform_2(%arg0: i32) -> (i32, i32) {
    %c0_i32 = arith.constant 0 : i32
    %c0_i32_0 = arith.constant 0 : i32
    return %arg0, %c0_i32 : i32, i32
  }
  func.func @transform_3(%arg0: i32) -> (i32, i32) {
    %c0_i32 = arith.constant 0 : i32
    %c0_i32_0 = arith.constant 0 : i32
    %c0_i32_1 = arith.constant 0 : i32
    return %c0_i32, %c0_i32_0 : i32, i32
  }
  func.func @transform_4(%arg0: i32) -> (i32, i32) {
    %c0_i32 = arith.constant 0 : i32
    %c0_i32_0 = arith.constant 0 : i32
    %c0_i32_1 = arith.constant 0 : i32
    return %c0_i32, %c0_i32_0 : i32, i32
  }
  func.func @transform_5(%arg0: i32) -> (i32, i32) {
    %c0_i32 = arith.constant 0 : i32
    %c0_i32_0 = arith.constant 0 : i32
    %c0_i32_1 = arith.constant 0 : i32
    return %c0_i32, %c0_i32_0 : i32, i32
  }
  func.func @transform_6(%arg0: i32) -> (i32, i32) {
    %c0_i32 = arith.constant 0 : i32
    %c0_i32_0 = arith.constant 0 : i32
    %c0_i32_1 = arith.constant 0 : i32
    return %c0_i32, %c0_i32_0 : i32, i32
  }
  func.func @transform_7(%arg0: i32) -> (i32, i32) {
    %c0_i32 = arith.constant 0 : i32
    %c0_i32_0 = arith.constant 0 : i32
    return %arg0, %c0_i32 : i32, i32
  }
  func.func @transform_8(%arg0: i32) -> (i32, i32) {
    %c0_i32 = arith.constant 0 : i32
    %c0_i32_0 = arith.constant 0 : i32
    return %arg0, %c0_i32 : i32, i32
  }
  func.func @transform_9(%arg0: i32) -> (i32, i32) {
    %c0_i32 = arith.constant 0 : i32
    %c0_i32_0 = arith.constant 0 : i32
    %c0_i32_1 = arith.constant 0 : i32
    return %c0_i32, %c0_i32_0 : i32, i32
  }
  func.func @transform_10(%arg0: i32) -> (i32, i32) {
    %c0_i32 = arith.constant 0 : i32
    %c0_i32_0 = arith.constant 0 : i32
    %c0_i32_1 = arith.constant 0 : i32
    return %c0_i32, %c0_i32_0 : i32, i32
  }
}

module attributes {stable_mosaic.version = 14 : i64} {
  func.func @_kp_body(%arg0: i32, %arg1: memref<16x104x128xf32, #tpu.memory_space<vmem>>, %arg2: memref<16x104x128xf32, #tpu.memory_space<vmem>>, %arg3: memref<16x104x128xi32, #tpu.memory_space<vmem>>, %arg4: memref<16x104x1xf32, #tpu.memory_space<vmem>>, %arg5: memref<16x104x1xf32, #tpu.memory_space<vmem>>, %arg6: memref<2x128xf32, #tpu.memory_space<vmem>>, %arg7: memref<512x256xf32, #tpu.memory_space<vmem>>, %arg8: memref<1x512xf32, #tpu.memory_space<vmem>>, %arg9: memref<256x128xf32, #tpu.memory_space<vmem>>, %arg10: memref<8x128xf32, #tpu.memory_space<vmem>>, %arg11: memref<16x104x1xf32, #tpu.memory_space<vmem>>, %arg12: memref<16x1x128xf32, #tpu.memory_space<vmem>>) attributes {dimension_semantics = [#tpu.dimension_semantics<parallel>], iteration_bounds = array<i64: 8>, scalar_prefetch = 0 : i64, scratch_operands = 0 : i64, tpu.core_type = #tpu.core_type<tc>, window_params = [{transform_indices = @transform_0, window_bounds = array<i64: 16, 104, 128>}, {transform_indices = @transform_1, window_bounds = array<i64: 16, 104, 128>}, {transform_indices = @transform_2, window_bounds = array<i64: 16, 104, 128>}, {transform_indices = @transform_3, window_bounds = array<i64: 16, 104, 1>}, {transform_indices = @transform_4, window_bounds = array<i64: 16, 104, 1>}, {pipeline_mode = #tpu.pipeline_mode<synchronous>, transform_indices = @transform_5, window_bounds = array<i64: 2, 128>}, {pipeline_mode = #tpu.pipeline_mode<synchronous>, transform_indices = @transform_6, window_bounds = array<i64: 512, 256>}, {pipeline_mode = #tpu.pipeline_mode<synchronous>, transform_indices = @transform_7, window_bounds = array<i64: 1, 512>}, {pipeline_mode = #tpu.pipeline_mode<synchronous>, transform_indices = @transform_8, window_bounds = array<i64: 256, 128>}, {pipeline_mode = #tpu.pipeline_mode<synchronous>, transform_indices = @transform_9, window_bounds = array<i64: 8, 128>}, {transform_indices = @transform_10, window_bounds = array<i64: 16, 104, 1>}, {transform_indices = @transform_11, window_bounds = array<i64: 16, 1, 128>}]} {
    %get3A = arith.constant 0 : index
    %get3A_0 = arith.constant 0 : index
    %get3A_1 = arith.constant 0 : index
    %get3A_2 = vector.load %arg1[%get3A, %get3A_0, %get3A_1] : memref<16x104x128xf32, #tpu.memory_space<vmem>>, vector<16x104x128xf32>
    %reshape3A = vector.shape_cast %get3A_2 : vector<16x104x128xf32> to vector<1664x128xf32>
    %get3A_3 = arith.constant 0 : index
    %get3A_4 = arith.constant 0 : index
    %get3A_5 = arith.constant 0 : index
    %get3A_6 = vector.load %arg2[%get3A_3, %get3A_4, %get3A_5] : memref<16x104x128xf32, #tpu.memory_space<vmem>>, vector<16x104x128xf32>
    %reshape3A_7 = vector.shape_cast %get3A_6 : vector<16x104x128xf32> to vector<1664x128xf32>
    %get3A_8 = arith.constant 0 : index
    %get3A_9 = arith.constant 0 : index
    %get3A_10 = arith.constant 0 : index
    %get3A_11 = vector.load %arg3[%get3A_8, %get3A_9, %get3A_10] : memref<16x104x128xi32, #tpu.memory_space<vmem>>, vector<16x104x128xi32>
    %reshape3A_12 = vector.shape_cast %get3A_11 : vector<16x104x128xi32> to vector<1664x128xi32>
    %get3A_13 = arith.constant 0 : index
    %get3A_14 = arith.constant 0 : index
    %get3A_15 = arith.constant 0 : index
    %get3A_16 = vector.load %arg4[%get3A_13, %get3A_14, %get3A_15] : memref<16x104x1xf32, #tpu.memory_space<vmem>>, vector<16x104x1xf32>
    %reshape3A_17 = vector.shape_cast %get3A_16 : vector<16x104x1xf32> to vector<1664x1xf32>
    %get3A_18 = arith.constant 0 : index
    %get3A_19 = arith.constant 0 : index
    %get3A_20 = arith.constant 0 : index
    %get3A_21 = vector.load %arg5[%get3A_18, %get3A_19, %get3A_20] : memref<16x104x1xf32, #tpu.memory_space<vmem>>, vector<16x104x1xf32>
    %reshape3A_22 = vector.shape_cast %get3A_21 : vector<16x104x1xf32> to vector<1664x1xf32>
    %gt3A = arith.constant 5.000000e-01 : f32
    %gt3A_23 = vector.broadcast %gt3A : f32 to vector<1664x1xf32>
    %gt3A_24 = arith.cmpf ogt, %reshape3A_17, %gt3A_23 : vector<1664x1xf32>
    %broadcast_in_dim3A = vector.shape_cast %gt3A_24 : vector<1664x1xi1> to vector<1664x1xi1>
    %broadcast_in_dim3A_25 = vector.broadcast %broadcast_in_dim3A : vector<1664x1xi1> to vector<1664x128xi1>
    %select_n3A = arith.select %broadcast_in_dim3A_25, %reshape3A_7, %reshape3A : vector<1664x128xi1>, vector<1664x128xf32>
    %gt3A_26 = arith.constant 5.000000e-01 : f32
    %gt3A_27 = vector.broadcast %gt3A_26 : f32 to vector<1664x1xf32>
    %gt3A_28 = arith.cmpf ogt, %reshape3A_22, %gt3A_27 : vector<1664x1xf32>
    %get3A_29 = arith.constant 1 : index
    %get3A_30 = arith.constant 0 : index
    %get3A_31 = vector.load %arg6[%get3A_29, %get3A_30] : memref<2x128xf32, #tpu.memory_space<vmem>>, vector<1x128xf32>
    %get3A_32 = arith.constant 0 : index
    %get3A_33 = arith.constant 0 : index
    %get3A_34 = vector.load %arg6[%get3A_32, %get3A_33] : memref<2x128xf32, #tpu.memory_space<vmem>>, vector<1x128xf32>
    %broadcast_in_dim3A_35 = vector.shape_cast %gt3A_28 : vector<1664x1xi1> to vector<1664x1xi1>
    %broadcast_in_dim3A_36 = vector.broadcast %broadcast_in_dim3A_35 : vector<1664x1xi1> to vector<1664x128xi1>
    %broadcast_in_dim3A_37 = vector.shape_cast %get3A_31 : vector<1x128xf32> to vector<1x128xf32>
    %broadcast_in_dim3A_38 = vector.broadcast %broadcast_in_dim3A_37 : vector<1x128xf32> to vector<1664x128xf32>
    %broadcast_in_dim3A_39 = vector.shape_cast %get3A_34 : vector<1x128xf32> to vector<1x128xf32>
    %broadcast_in_dim3A_40 = vector.broadcast %broadcast_in_dim3A_39 : vector<1x128xf32> to vector<1664x128xf32>
    %select_n3A_41 = arith.select %broadcast_in_dim3A_36, %broadcast_in_dim3A_38, %broadcast_in_dim3A_40 : vector<1664x128xi1>, vector<1664x128xf32>
    %concatenate3A = tpu.concatenate %select_n3A, %select_n3A_41 in 1 : vector<1664x128xf32>, vector<1664x128xf32> -> vector<1664x256xf32>
    %get3A_42 = arith.constant 0 : index
    %get3A_43 = arith.constant 0 : index
    %get3A_44 = vector.load %arg7[%get3A_42, %get3A_43] : memref<512x256xf32, #tpu.memory_space<vmem>>, vector<512x256xf32>
    %dot_general3A = arith.constant dense<0.000000e+00> : vector<1664x512xf32>
    %dot_general3A_45 = tpu.matmul %concatenate3A, %get3A_44, %dot_general3A {dimension_numbers = #tpu.dot_dimension_numbers<[1], [1], [0], [0], [0, 0, 1, 0], [], []>, transpose_lhs_hint = false} : vector<1664x256xf32>, vector<512x256xf32>, vector<1664x512xf32> -> vector<1664x512xf32>
    %get3A_46 = arith.constant 0 : index
    %get3A_47 = arith.constant 0 : index
    %get3A_48 = vector.load %arg8[%get3A_46, %get3A_47] : memref<1x512xf32, #tpu.memory_space<vmem>>, vector<1x512xf32>
    %add3A = vector.broadcast %get3A_48 : vector<1x512xf32> to vector<1664x512xf32>
    %add3A_49 = arith.addf %dot_general3A_45, %add3A : vector<1664x512xf32>
    %slice3A = vector.extract_strided_slice %add3A_49 {offsets = [0, 384], sizes = [1664, 128], strides = [1, 1]} : vector<1664x512xf32> to vector<1664x128xf32>
    %logistic3A = arith.negf %slice3A : vector<1664x128xf32>
    %logistic3A_50 = math.exp %logistic3A : vector<1664x128xf32>
    %logistic3A_51 = arith.constant 1.000000e+00 : f32
    %logistic3A_52 = vector.broadcast %logistic3A_51 : f32 to vector<1664x128xf32>
    %logistic3A_53 = arith.addf %logistic3A_52, %logistic3A_50 : vector<1664x128xf32>
    %logistic3A_54 = arith.divf %logistic3A_52, %logistic3A_53 : vector<1664x128xf32>
    %slice3A_55 = vector.extract_strided_slice %add3A_49 {offsets = [0, 0], sizes = [1664, 128], strides = [1, 1]} : vector<1664x512xf32> to vector<1664x128xf32>
    %logistic3A_56 = arith.negf %slice3A_55 : vector<1664x128xf32>
    %logistic3A_57 = math.exp %logistic3A_56 : vector<1664x128xf32>
    %logistic3A_58 = arith.constant 1.000000e+00 : f32
    %logistic3A_59 = vector.broadcast %logistic3A_58 : f32 to vector<1664x128xf32>
    %logistic3A_60 = arith.addf %logistic3A_59, %logistic3A_57 : vector<1664x128xf32>
    %logistic3A_61 = arith.divf %logistic3A_59, %logistic3A_60 : vector<1664x128xf32>
    %slice3A_62 = vector.extract_strided_slice %add3A_49 {offsets = [0, 256], sizes = [1664, 128], strides = [1, 1]} : vector<1664x512xf32> to vector<1664x128xf32>
    %tanh3A = math.tanh %slice3A_62 : vector<1664x128xf32>
    %mul3A = arith.mulf %logistic3A_61, %tanh3A : vector<1664x128xf32>
    %tanh3A_63 = math.tanh %mul3A : vector<1664x128xf32>
    %mul3A_64 = arith.mulf %logistic3A_54, %tanh3A_63 : vector<1664x128xf32>
    %iota3A = tpu.iota {dimensions = array<i32: 1>} : vector<16x104x1xi32>
    %reshape3A_65 = vector.shape_cast %iota3A : vector<16x104x1xi32> to vector<1664x1xi32>
    %iota3A_66 = tpu.iota {dimensions = array<i32: 0>} : vector<16x104x1xi32>
    %reshape3A_67 = vector.shape_cast %iota3A_66 : vector<16x104x1xi32> to vector<1664x1xi32>
    %eq3A = arith.constant 0 : i32
    %eq3A_68 = vector.broadcast %eq3A : i32 to vector<1664x1xi32>
    %eq3A_69 = arith.cmpi eq, %reshape3A_65, %eq3A_68 : vector<1664x1xi32>
    %jit3A = arith.constant 0.000000e+00 : f32
    %broadcast_in_dim3A_70 = vector.shape_cast %eq3A_69 : vector<1664x1xi1> to vector<1664x1xi1>
    %broadcast_in_dim3A_71 = vector.broadcast %broadcast_in_dim3A_70 : vector<1664x1xi1> to vector<1664x128xi1>
    %broadcast_in_dim3A_72 = vector.broadcast %jit3A : f32 to vector<1664x128xf32>
    %select_n3A_73 = arith.select %broadcast_in_dim3A_71, %broadcast_in_dim3A_72, %mul3A_64 : vector<1664x128xi1>, vector<1664x128xf32>
    %iota3A_74 = tpu.iota {dimensions = array<i32: 0>} : vector<1664x1664xi32>
    %iota3A_75 = tpu.iota {dimensions = array<i32: 1>} : vector<1664x1664xi32>
    %add3A_76 = arith.constant 1 : i32
    %add3A_77 = vector.broadcast %add3A_76 : i32 to vector<1664x1664xi32>
    %add3A_78 = arith.addi %iota3A_75, %add3A_77 : vector<1664x1664xi32>
    %eq3A_79 = arith.cmpi eq, %iota3A_74, %add3A_78 : vector<1664x1664xi32>
    %ne3A = arith.constant 0 : i32
    %ne3A_80 = vector.broadcast %ne3A : i32 to vector<1664x1xi32>
    %ne3A_81 = arith.cmpi ne, %reshape3A_65, %ne3A_80 : vector<1664x1xi32>
    %and3A = vector.broadcast %ne3A_81 : vector<1664x1xi1> to vector<1664x1664xi1>
    %and3A_82 = arith.andi %eq3A_79, %and3A : vector<1664x1664xi1>
    %jit3A_83 = arith.constant 1.000000e+00 : f32
    %jit3A_84 = arith.constant 0.000000e+00 : f32
    %broadcast_in_dim3A_85 = vector.broadcast %jit3A_83 : f32 to vector<1664x1664xf32>
    %broadcast_in_dim3A_86 = vector.broadcast %jit3A_84 : f32 to vector<1664x1664xf32>
    %select_n3A_87 = arith.select %and3A_82, %broadcast_in_dim3A_85, %broadcast_in_dim3A_86 : vector<1664x1664xi1>, vector<1664x1664xf32>
    %dot_general3A_88 = arith.constant dense<0.000000e+00> : vector<1664x128xf32>
    %dot_general3A_89 = tpu.matmul %select_n3A_87, %mul3A_64, %dot_general3A_88 {dimension_numbers = #tpu.dot_dimension_numbers<[1], [0], [0], [1], [0, 0, 1, 1], [], []>, transpose_lhs_hint = false} : vector<1664x1664xf32>, vector<1664x128xf32>, vector<1664x128xf32> -> vector<1664x128xf32>
    %iota3A_90 = tpu.iota {dimensions = array<i32: 1>} : vector<1664x256xi32>
    %get3A_91 = arith.constant 0 : index
    %get3A_92 = arith.constant 0 : index
    %get3A_93 = vector.load %arg9[%get3A_91, %get3A_92] : memref<256x128xf32, #tpu.memory_space<vmem>>, vector<256x128xf32>
    %slice3A_94 = vector.extract_strided_slice %reshape3A_12 {offsets = [0, 0], sizes = [1664, 1], strides = [1, 1]} : vector<1664x128xi32> to vector<1664x1xi32>
    %eq3A_95 = vector.broadcast %slice3A_94 : vector<1664x1xi32> to vector<1664x256xi32>
    %eq3A_96 = arith.cmpi eq, %eq3A_95, %iota3A_90 : vector<1664x256xi32>
    %convert_element_type3A = arith.extui %eq3A_96 : vector<1664x256xi1> to vector<1664x256xi32>
    %convert_element_type3A_97 = arith.sitofp %convert_element_type3A : vector<1664x256xi32> to vector<1664x256xf32>
    %dot_general3A_98 = arith.constant dense<0.000000e+00> : vector<1664x128xf32>
    %dot_general3A_99 = tpu.matmul %convert_element_type3A_97, %get3A_93, %dot_general3A_98 {dimension_numbers = #tpu.dot_dimension_numbers<[1], [0], [0], [1], [0, 0, 1, 1], [], []>, transpose_lhs_hint = false} : vector<1664x256xf32>, vector<256x128xf32>, vector<1664x128xf32> -> vector<1664x128xf32>
    %slice3A_100 = vector.extract_strided_slice %reshape3A_12 {offsets = [0, 1], sizes = [1664, 1], strides = [1, 1]} : vector<1664x128xi32> to vector<1664x1xi32>
    %eq3A_101 = vector.broadcast %slice3A_100 : vector<1664x1xi32> to vector<1664x256xi32>
    %eq3A_102 = arith.cmpi eq, %eq3A_101, %iota3A_90 : vector<1664x256xi32>
    %convert_element_type3A_103 = arith.extui %eq3A_102 : vector<1664x256xi1> to vector<1664x256xi32>
    %convert_element_type3A_104 = arith.sitofp %convert_element_type3A_103 : vector<1664x256xi32> to vector<1664x256xf32>
    %dot_general3A_105 = arith.constant dense<0.000000e+00> : vector<1664x128xf32>
    %dot_general3A_106 = tpu.matmul %convert_element_type3A_104, %get3A_93, %dot_general3A_105 {dimension_numbers = #tpu.dot_dimension_numbers<[1], [0], [0], [1], [0, 0, 1, 1], [], []>, transpose_lhs_hint = false} : vector<1664x256xf32>, vector<256x128xf32>, vector<1664x128xf32> -> vector<1664x128xf32>
    %slice3A_107 = vector.extract_strided_slice %reshape3A_12 {offsets = [0, 2], sizes = [1664, 1], strides = [1, 1]} : vector<1664x128xi32> to vector<1664x1xi32>
    %eq3A_108 = vector.broadcast %slice3A_107 : vector<1664x1xi32> to vector<1664x256xi32>
    %eq3A_109 = arith.cmpi eq, %eq3A_108, %iota3A_90 : vector<1664x256xi32>
    %convert_element_type3A_110 = arith.extui %eq3A_109 : vector<1664x256xi1> to vector<1664x256xi32>
    %convert_element_type3A_111 = arith.sitofp %convert_element_type3A_110 : vector<1664x256xi32> to vector<1664x256xf32>
    %dot_general3A_112 = arith.constant dense<0.000000e+00> : vector<1664x128xf32>
    %dot_general3A_113 = tpu.matmul %convert_element_type3A_111, %get3A_93, %dot_general3A_112 {dimension_numbers = #tpu.dot_dimension_numbers<[1], [0], [0], [1], [0, 0, 1, 1], [], []>, transpose_lhs_hint = false} : vector<1664x256xf32>, vector<256x128xf32>, vector<1664x128xf32> -> vector<1664x128xf32>
    %slice3A_114 = vector.extract_strided_slice %reshape3A_12 {offsets = [0, 3], sizes = [1664, 1], strides = [1, 1]} : vector<1664x128xi32> to vector<1664x1xi32>
    %eq3A_115 = vector.broadcast %slice3A_114 : vector<1664x1xi32> to vector<1664x256xi32>
    %eq3A_116 = arith.cmpi eq, %eq3A_115, %iota3A_90 : vector<1664x256xi32>
    %convert_element_type3A_117 = arith.extui %eq3A_116 : vector<1664x256xi1> to vector<1664x256xi32>
    %convert_element_type3A_118 = arith.sitofp %convert_element_type3A_117 : vector<1664x256xi32> to vector<1664x256xf32>
    %dot_general3A_119 = arith.constant dense<0.000000e+00> : vector<1664x128xf32>
    %dot_general3A_120 = tpu.matmul %convert_element_type3A_118, %get3A_93, %dot_general3A_119 {dimension_numbers = #tpu.dot_dimension_numbers<[1], [0], [0], [1], [0, 0, 1, 1], [], []>, transpose_lhs_hint = false} : vector<1664x256xf32>, vector<256x128xf32>, vector<1664x128xf32> -> vector<1664x128xf32>
    %get3A_121 = arith.constant 0 : index
    %get3A_122 = arith.constant 0 : index
    %get3A_123 = vector.load %arg10[%get3A_121, %get3A_122] : memref<8x128xf32, #tpu.memory_space<vmem>>, vector<1x128xf32>
    %get3A_124 = arith.constant 1 : index
    %get3A_125 = arith.constant 0 : index
    %get3A_126 = vector.load %arg10[%get3A_124, %get3A_125] : memref<8x128xf32, #tpu.memory_space<vmem>>, vector<1x128xf32>
    %broadcast_in_dim3A_127 = arith.constant 1.000000e+00 : f32
    %broadcast_in_dim3A_128 = vector.broadcast %broadcast_in_dim3A_127 : f32 to vector<1x128xf32>
    %dot_general3A_129 = arith.constant dense<0.000000e+00> : vector<1664x1xf32>
    %dot_general3A_130 = tpu.matmul %reshape3A, %get3A_123, %dot_general3A_129 {dimension_numbers = #tpu.dot_dimension_numbers<[1], [1], [0], [0], [0, 0, 1, 0], [], []>, transpose_lhs_hint = false} : vector<1664x128xf32>, vector<1x128xf32>, vector<1664x1xf32> -> vector<1664x1xf32>
    %dot_general3A_131 = arith.constant dense<0.000000e+00> : vector<1664x1xf32>
    %dot_general3A_132 = tpu.matmul %dot_general3A_99, %get3A_123, %dot_general3A_131 {dimension_numbers = #tpu.dot_dimension_numbers<[1], [1], [0], [0], [0, 0, 1, 0], [], []>, transpose_lhs_hint = false} : vector<1664x128xf32>, vector<1x128xf32>, vector<1664x1xf32> -> vector<1664x1xf32>
    %dot_general3A_133 = arith.constant dense<0.000000e+00> : vector<1664x1xf32>
    %dot_general3A_134 = tpu.matmul %dot_general3A_106, %get3A_123, %dot_general3A_133 {dimension_numbers = #tpu.dot_dimension_numbers<[1], [1], [0], [0], [0, 0, 1, 0], [], []>, transpose_lhs_hint = false} : vector<1664x128xf32>, vector<1x128xf32>, vector<1664x1xf32> -> vector<1664x1xf32>
    %dot_general3A_135 = arith.constant dense<0.000000e+00> : vector<1664x1xf32>
    %dot_general3A_136 = tpu.matmul %dot_general3A_113, %get3A_123, %dot_general3A_135 {dimension_numbers = #tpu.dot_dimension_numbers<[1], [1], [0], [0], [0, 0, 1, 0], [], []>, transpose_lhs_hint = false} : vector<1664x128xf32>, vector<1x128xf32>, vector<1664x1xf32> -> vector<1664x1xf32>
    %dot_general3A_137 = arith.constant dense<0.000000e+00> : vector<1664x1xf32>
    %dot_general3A_138 = tpu.matmul %dot_general3A_120, %get3A_123, %dot_general3A_137 {dimension_numbers = #tpu.dot_dimension_numbers<[1], [1], [0], [0], [0, 0, 1, 0], [], []>, transpose_lhs_hint = false} : vector<1664x128xf32>, vector<1x128xf32>, vector<1664x1xf32> -> vector<1664x1xf32>
    %mul3A_139 = arith.mulf %reshape3A, %dot_general3A_89 : vector<1664x128xf32>
    %dot_general3A_140 = arith.constant dense<0.000000e+00> : vector<1664x1xf32>
    %dot_general3A_141 = tpu.matmul %mul3A_139, %broadcast_in_dim3A_128, %dot_general3A_140 {dimension_numbers = #tpu.dot_dimension_numbers<[1], [1], [0], [0], [0, 0, 1, 0], [], []>, transpose_lhs_hint = false} : vector<1664x128xf32>, vector<1x128xf32>, vector<1664x1xf32> -> vector<1664x1xf32>
    %mul3A_142 = arith.mulf %dot_general3A_99, %dot_general3A_89 : vector<1664x128xf32>
    %dot_general3A_143 = arith.constant dense<0.000000e+00> : vector<1664x1xf32>
    %dot_general3A_144 = tpu.matmul %mul3A_142, %broadcast_in_dim3A_128, %dot_general3A_143 {dimension_numbers = #tpu.dot_dimension_numbers<[1], [1], [0], [0], [0, 0, 1, 0], [], []>, transpose_lhs_hint = false} : vector<1664x128xf32>, vector<1x128xf32>, vector<1664x1xf32> -> vector<1664x1xf32>
    %mul3A_145 = arith.mulf %dot_general3A_106, %dot_general3A_89 : vector<1664x128xf32>
    %dot_general3A_146 = arith.constant dense<0.000000e+00> : vector<1664x1xf32>
    %dot_general3A_147 = tpu.matmul %mul3A_145, %broadcast_in_dim3A_128, %dot_general3A_146 {dimension_numbers = #tpu.dot_dimension_numbers<[1], [1], [0], [0], [0, 0, 1, 0], [], []>, transpose_lhs_hint = false} : vector<1664x128xf32>, vector<1x128xf32>, vector<1664x1xf32> -> vector<1664x1xf32>
    %mul3A_148 = arith.mulf %dot_general3A_113, %dot_general3A_89 : vector<1664x128xf32>
    %dot_general3A_149 = arith.constant dense<0.000000e+00> : vector<1664x1xf32>
    %dot_general3A_150 = tpu.matmul %mul3A_148, %broadcast_in_dim3A_128, %dot_general3A_149 {dimension_numbers = #tpu.dot_dimension_numbers<[1], [1], [0], [0], [0, 0, 1, 0], [], []>, transpose_lhs_hint = false} : vector<1664x128xf32>, vector<1x128xf32>, vector<1664x1xf32> -> vector<1664x1xf32>
    %mul3A_151 = arith.mulf %dot_general3A_120, %dot_general3A_89 : vector<1664x128xf32>
    %dot_general3A_152 = arith.constant dense<0.000000e+00> : vector<1664x1xf32>
    %dot_general3A_153 = tpu.matmul %mul3A_151, %broadcast_in_dim3A_128, %dot_general3A_152 {dimension_numbers = #tpu.dot_dimension_numbers<[1], [1], [0], [0], [0, 0, 1, 0], [], []>, transpose_lhs_hint = false} : vector<1664x128xf32>, vector<1x128xf32>, vector<1664x1xf32> -> vector<1664x1xf32>
    %dot_general3A_154 = arith.constant dense<0.000000e+00> : vector<1664x1xf32>
    %dot_general3A_155 = tpu.matmul %dot_general3A_89, %get3A_126, %dot_general3A_154 {dimension_numbers = #tpu.dot_dimension_numbers<[1], [1], [0], [0], [0, 0, 1, 0], [], []>, transpose_lhs_hint = false} : vector<1664x128xf32>, vector<1x128xf32>, vector<1664x1xf32> -> vector<1664x1xf32>
    %slice3A_156 = vector.extract_strided_slice %select_n3A_73 {offsets = [0, 0], sizes = [104, 128], strides = [1, 1]} : vector<1664x128xf32> to vector<104x128xf32>
    %slice3A_157 = vector.extract_strided_slice %reshape3A {offsets = [0, 0], sizes = [104, 128], strides = [1, 1]} : vector<1664x128xf32> to vector<104x128xf32>
    %slice3A_158 = vector.extract_strided_slice %dot_general3A_99 {offsets = [0, 0], sizes = [104, 128], strides = [1, 1]} : vector<1664x128xf32> to vector<104x128xf32>
    %slice3A_159 = vector.extract_strided_slice %dot_general3A_106 {offsets = [0, 0], sizes = [104, 128], strides = [1, 1]} : vector<1664x128xf32> to vector<104x128xf32>
    %slice3A_160 = vector.extract_strided_slice %dot_general3A_113 {offsets = [0, 0], sizes = [104, 128], strides = [1, 1]} : vector<1664x128xf32> to vector<104x128xf32>
    %slice3A_161 = vector.extract_strided_slice %dot_general3A_120 {offsets = [0, 0], sizes = [104, 128], strides = [1, 1]} : vector<1664x128xf32> to vector<104x128xf32>
    %get3A_162 = arith.constant 0 : index
    %get3A_163 = arith.constant 0 : index
    %get3A_164 = vector.load %arg10[%get3A_162, %get3A_163] : memref<8x128xf32, #tpu.memory_space<vmem>>, vector<8x128xf32>
    %concatenate3A_165 = tpu.concatenate %slice3A_157, %slice3A_158, %slice3A_159, %slice3A_160, %slice3A_161, %get3A_164 in 0 : vector<104x128xf32>, vector<104x128xf32>, vector<104x128xf32>, vector<104x128xf32>, vector<104x128xf32>, vector<8x128xf32> -> vector<528x128xf32>
    %dot_general3A_166 = arith.constant dense<0.000000e+00> : vector<528x104xf32>
    %dot_general3A_167 = tpu.matmul %concatenate3A_165, %slice3A_156, %dot_general3A_166 {dimension_numbers = #tpu.dot_dimension_numbers<[1], [1], [0], [0], [0, 0, 1, 0], [], []>, transpose_lhs_hint = false} : vector<528x128xf32>, vector<104x128xf32>, vector<528x104xf32> -> vector<528x104xf32>
    %dot_general3A_168 = arith.constant dense<0.000000e+00> : vector<104x104xf32>
    %dot_general3A_169 = tpu.matmul %slice3A_157, %slice3A_157, %dot_general3A_168 {dimension_numbers = #tpu.dot_dimension_numbers<[1], [1], [0], [0], [0, 0, 1, 0], [], []>, transpose_lhs_hint = false} : vector<104x128xf32>, vector<104x128xf32>, vector<104x104xf32> -> vector<104x104xf32>
    %slice3A_170 = vector.extract_strided_slice %select_n3A_73 {offsets = [104, 0], sizes = [104, 128], strides = [1, 1]} : vector<1664x128xf32> to vector<104x128xf32>
    %slice3A_171 = vector.extract_strided_slice %reshape3A {offsets = [104, 0], sizes = [104, 128], strides = [1, 1]} : vector<1664x128xf32> to vector<104x128xf32>
    %slice3A_172 = vector.extract_strided_slice %dot_general3A_99 {offsets = [104, 0], sizes = [104, 128], strides = [1, 1]} : vector<1664x128xf32> to vector<104x128xf32>
    %slice3A_173 = vector.extract_strided_slice %dot_general3A_106 {offsets = [104, 0], sizes = [104, 128], strides = [1, 1]} : vector<1664x128xf32> to vector<104x128xf32>
    %slice3A_174 = vector.extract_strided_slice %dot_general3A_113 {offsets = [104, 0], sizes = [104, 128], strides = [1, 1]} : vector<1664x128xf32> to vector<104x128xf32>
    %slice3A_175 = vector.extract_strided_slice %dot_general3A_120 {offsets = [104, 0], sizes = [104, 128], strides = [1, 1]} : vector<1664x128xf32> to vector<104x128xf32>
    %get3A_176 = arith.constant 0 : index
    %get3A_177 = arith.constant 0 : index
    %get3A_178 = vector.load %arg10[%get3A_176, %get3A_177] : memref<8x128xf32, #tpu.memory_space<vmem>>, vector<8x128xf32>
    %concatenate3A_179 = tpu.concatenate %slice3A_171, %slice3A_172, %slice3A_173, %slice3A_174, %slice3A_175, %get3A_178 in 0 : vector<104x128xf32>, vector<104x128xf32>, vector<104x128xf32>, vector<104x128xf32>, vector<104x128xf32>, vector<8x128xf32> -> vector<528x128xf32>
    %dot_general3A_180 = arith.constant dense<0.000000e+00> : vector<528x104xf32>
    %dot_general3A_181 = tpu.matmul %concatenate3A_179, %slice3A_170, %dot_general3A_180 {dimension_numbers = #tpu.dot_dimension_numbers<[1], [1], [0], [0], [0, 0, 1, 0], [], []>, transpose_lhs_hint = false} : vector<528x128xf32>, vector<104x128xf32>, vector<528x104xf32> -> vector<528x104xf32>
    %dot_general3A_182 = arith.constant dense<0.000000e+00> : vector<104x104xf32>
    %dot_general3A_183 = tpu.matmul %slice3A_171, %slice3A_171, %dot_general3A_182 {dimension_numbers = #tpu.dot_dimension_numbers<[1], [1], [0], [0], [0, 0, 1, 0], [], []>, transpose_lhs_hint = false} : vector<104x128xf32>, vector<104x128xf32>, vector<104x104xf32> -> vector<104x104xf32>
    %slice3A_184 = vector.extract_strided_slice %select_n3A_73 {offsets = [208, 0], sizes = [104, 128], strides = [1, 1]} : vector<1664x128xf32> to vector<104x128xf32>
    %slice3A_185 = vector.extract_strided_slice %reshape3A {offsets = [208, 0], sizes = [104, 128], strides = [1, 1]} : vector<1664x128xf32> to vector<104x128xf32>
    %slice3A_186 = vector.extract_strided_slice %dot_general3A_99 {offsets = [208, 0], sizes = [104, 128], strides = [1, 1]} : vector<1664x128xf32> to vector<104x128xf32>
    %slice3A_187 = vector.extract_strided_slice %dot_general3A_106 {offsets = [208, 0], sizes = [104, 128], strides = [1, 1]} : vector<1664x128xf32> to vector<104x128xf32>
    %slice3A_188 = vector.extract_strided_slice %dot_general3A_113 {offsets = [208, 0], sizes = [104, 128], strides = [1, 1]} : vector<1664x128xf32> to vector<104x128xf32>
    %slice3A_189 = vector.extract_strided_slice %dot_general3A_120 {offsets = [208, 0], sizes = [104, 128], strides = [1, 1]} : vector<1664x128xf32> to vector<104x128xf32>
    %get3A_190 = arith.constant 0 : index
    %get3A_191 = arith.constant 0 : index
    %get3A_192 = vector.load %arg10[%get3A_190, %get3A_191] : memref<8x128xf32, #tpu.memory_space<vmem>>, vector<8x128xf32>
    %concatenate3A_193 = tpu.concatenate %slice3A_185, %slice3A_186, %slice3A_187, %slice3A_188, %slice3A_189, %get3A_192 in 0 : vector<104x128xf32>, vector<104x128xf32>, vector<104x128xf32>, vector<104x128xf32>, vector<104x128xf32>, vector<8x128xf32> -> vector<528x128xf32>
    %dot_general3A_194 = arith.constant dense<0.000000e+00> : vector<528x104xf32>
    %dot_general3A_195 = tpu.matmul %concatenate3A_193, %slice3A_184, %dot_general3A_194 {dimension_numbers = #tpu.dot_dimension_numbers<[1], [1], [0], [0], [0, 0, 1, 0], [], []>, transpose_lhs_hint = false} : vector<528x128xf32>, vector<104x128xf32>, vector<528x104xf32> -> vector<528x104xf32>
    %dot_general3A_196 = arith.constant dense<0.000000e+00> : vector<104x104xf32>
    %dot_general3A_197 = tpu.matmul %slice3A_185, %slice3A_185, %dot_general3A_196 {dimension_numbers = #tpu.dot_dimension_numbers<[1], [1], [0], [0], [0, 0, 1, 0], [], []>, transpose_lhs_hint = false} : vector<104x128xf32>, vector<104x128xf32>, vector<104x104xf32> -> vector<104x104xf32>
    %slice3A_198 = vector.extract_strided_slice %select_n3A_73 {offsets = [312, 0], sizes = [104, 128], strides = [1, 1]} : vector<1664x128xf32> to vector<104x128xf32>
    %slice3A_199 = vector.extract_strided_slice %reshape3A {offsets = [312, 0], sizes = [104, 128], strides = [1, 1]} : vector<1664x128xf32> to vector<104x128xf32>
    %slice3A_200 = vector.extract_strided_slice %dot_general3A_99 {offsets = [312, 0], sizes = [104, 128], strides = [1, 1]} : vector<1664x128xf32> to vector<104x128xf32>
    %slice3A_201 = vector.extract_strided_slice %dot_general3A_106 {offsets = [312, 0], sizes = [104, 128], strides = [1, 1]} : vector<1664x128xf32> to vector<104x128xf32>
    %slice3A_202 = vector.extract_strided_slice %dot_general3A_113 {offsets = [312, 0], sizes = [104, 128], strides = [1, 1]} : vector<1664x128xf32> to vector<104x128xf32>
    %slice3A_203 = vector.extract_strided_slice %dot_general3A_120 {offsets = [312, 0], sizes = [104, 128], strides = [1, 1]} : vector<1664x128xf32> to vector<104x128xf32>
    %get3A_204 = arith.constant 0 : index
    %get3A_205 = arith.constant 0 : index
    %get3A_206 = vector.load %arg10[%get3A_204, %get3A_205] : memref<8x128xf32, #tpu.memory_space<vmem>>, vector<8x128xf32>
    %concatenate3A_207 = tpu.concatenate %slice3A_199, %slice3A_200, %slice3A_201, %slice3A_202, %slice3A_203, %get3A_206 in 0 : vector<104x128xf32>, vector<104x128xf32>, vector<104x128xf32>, vector<104x128xf32>, vector<104x128xf32>, vector<8x128xf32> -> vector<528x128xf32>
    %dot_general3A_208 = arith.constant dense<0.000000e+00> : vector<528x104xf32>
    %dot_general3A_209 = tpu.matmul %concatenate3A_207, %slice3A_198, %dot_general3A_208 {dimension_numbers = #tpu.dot_dimension_numbers<[1], [1], [0], [0], [0, 0, 1, 0], [], []>, transpose_lhs_hint = false} : vector<528x128xf32>, vector<104x128xf32>, vector<528x104xf32> -> vector<528x104xf32>
    %dot_general3A_210 = arith.constant dense<0.000000e+00> : vector<104x104xf32>
    %dot_general3A_211 = tpu.matmul %slice3A_199, %slice3A_199, %dot_general3A_210 {dimension_numbers = #tpu.dot_dimension_numbers<[1], [1], [0], [0], [0, 0, 1, 0], [], []>, transpose_lhs_hint = false} : vector<104x128xf32>, vector<104x128xf32>, vector<104x104xf32> -> vector<104x104xf32>
    %slice3A_212 = vector.extract_strided_slice %select_n3A_73 {offsets = [416, 0], sizes = [104, 128], strides = [1, 1]} : vector<1664x128xf32> to vector<104x128xf32>
    %slice3A_213 = vector.extract_strided_slice %reshape3A {offsets = [416, 0], sizes = [104, 128], strides = [1, 1]} : vector<1664x128xf32> to vector<104x128xf32>
    %slice3A_214 = vector.extract_strided_slice %dot_general3A_99 {offsets = [416, 0], sizes = [104, 128], strides = [1, 1]} : vector<1664x128xf32> to vector<104x128xf32>
    %slice3A_215 = vector.extract_strided_slice %dot_general3A_106 {offsets = [416, 0], sizes = [104, 128], strides = [1, 1]} : vector<1664x128xf32> to vector<104x128xf32>
    %slice3A_216 = vector.extract_strided_slice %dot_general3A_113 {offsets = [416, 0], sizes = [104, 128], strides = [1, 1]} : vector<1664x128xf32> to vector<104x128xf32>
    %slice3A_217 = vector.extract_strided_slice %dot_general3A_120 {offsets = [416, 0], sizes = [104, 128], strides = [1, 1]} : vector<1664x128xf32> to vector<104x128xf32>
    %get3A_218 = arith.constant 0 : index
    %get3A_219 = arith.constant 0 : index
    %get3A_220 = vector.load %arg10[%get3A_218, %get3A_219] : memref<8x128xf32, #tpu.memory_space<vmem>>, vector<8x128xf32>
    %concatenate3A_221 = tpu.concatenate %slice3A_213, %slice3A_214, %slice3A_215, %slice3A_216, %slice3A_217, %get3A_220 in 0 : vector<104x128xf32>, vector<104x128xf32>, vector<104x128xf32>, vector<104x128xf32>, vector<104x128xf32>, vector<8x128xf32> -> vector<528x128xf32>
    %dot_general3A_222 = arith.constant dense<0.000000e+00> : vector<528x104xf32>
    %dot_general3A_223 = tpu.matmul %concatenate3A_221, %slice3A_212, %dot_general3A_222 {dimension_numbers = #tpu.dot_dimension_numbers<[1], [1], [0], [0], [0, 0, 1, 0], [], []>, transpose_lhs_hint = false} : vector<528x128xf32>, vector<104x128xf32>, vector<528x104xf32> -> vector<528x104xf32>
    %dot_general3A_224 = arith.constant dense<0.000000e+00> : vector<104x104xf32>
    %dot_general3A_225 = tpu.matmul %slice3A_213, %slice3A_213, %dot_general3A_224 {dimension_numbers = #tpu.dot_dimension_numbers<[1], [1], [0], [0], [0, 0, 1, 0], [], []>, transpose_lhs_hint = false} : vector<104x128xf32>, vector<104x128xf32>, vector<104x104xf32> -> vector<104x104xf32>
    %slice3A_226 = vector.extract_strided_slice %select_n3A_73 {offsets = [520, 0], sizes = [104, 128], strides = [1, 1]} : vector<1664x128xf32> to vector<104x128xf32>
    %slice3A_227 = vector.extract_strided_slice %reshape3A {offsets = [520, 0], sizes = [104, 128], strides = [1, 1]} : vector<1664x128xf32> to vector<104x128xf32>
    %slice3A_228 = vector.extract_strided_slice %dot_general3A_99 {offsets = [520, 0], sizes = [104, 128], strides = [1, 1]} : vector<1664x128xf32> to vector<104x128xf32>
    %slice3A_229 = vector.extract_strided_slice %dot_general3A_106 {offsets = [520, 0], sizes = [104, 128], strides = [1, 1]} : vector<1664x128xf32> to vector<104x128xf32>
    %slice3A_230 = vector.extract_strided_slice %dot_general3A_113 {offsets = [520, 0], sizes = [104, 128], strides = [1, 1]} : vector<1664x128xf32> to vector<104x128xf32>
    %slice3A_231 = vector.extract_strided_slice %dot_general3A_120 {offsets = [520, 0], sizes = [104, 128], strides = [1, 1]} : vector<1664x128xf32> to vector<104x128xf32>
    %get3A_232 = arith.constant 0 : index
    %get3A_233 = arith.constant 0 : index
    %get3A_234 = vector.load %arg10[%get3A_232, %get3A_233] : memref<8x128xf32, #tpu.memory_space<vmem>>, vector<8x128xf32>
    %concatenate3A_235 = tpu.concatenate %slice3A_227, %slice3A_228, %slice3A_229, %slice3A_230, %slice3A_231, %get3A_234 in 0 : vector<104x128xf32>, vector<104x128xf32>, vector<104x128xf32>, vector<104x128xf32>, vector<104x128xf32>, vector<8x128xf32> -> vector<528x128xf32>
    %dot_general3A_236 = arith.constant dense<0.000000e+00> : vector<528x104xf32>
    %dot_general3A_237 = tpu.matmul %concatenate3A_235, %slice3A_226, %dot_general3A_236 {dimension_numbers = #tpu.dot_dimension_numbers<[1], [1], [0], [0], [0, 0, 1, 0], [], []>, transpose_lhs_hint = false} : vector<528x128xf32>, vector<104x128xf32>, vector<528x104xf32> -> vector<528x104xf32>
    %dot_general3A_238 = arith.constant dense<0.000000e+00> : vector<104x104xf32>
    %dot_general3A_239 = tpu.matmul %slice3A_227, %slice3A_227, %dot_general3A_238 {dimension_numbers = #tpu.dot_dimension_numbers<[1], [1], [0], [0], [0, 0, 1, 0], [], []>, transpose_lhs_hint = false} : vector<104x128xf32>, vector<104x128xf32>, vector<104x104xf32> -> vector<104x104xf32>
    %slice3A_240 = vector.extract_strided_slice %select_n3A_73 {offsets = [624, 0], sizes = [104, 128], strides = [1, 1]} : vector<1664x128xf32> to vector<104x128xf32>
    %slice3A_241 = vector.extract_strided_slice %reshape3A {offsets = [624, 0], sizes = [104, 128], strides = [1, 1]} : vector<1664x128xf32> to vector<104x128xf32>
    %slice3A_242 = vector.extract_strided_slice %dot_general3A_99 {offsets = [624, 0], sizes = [104, 128], strides = [1, 1]} : vector<1664x128xf32> to vector<104x128xf32>
    %slice3A_243 = vector.extract_strided_slice %dot_general3A_106 {offsets = [624, 0], sizes = [104, 128], strides = [1, 1]} : vector<1664x128xf32> to vector<104x128xf32>
    %slice3A_244 = vector.extract_strided_slice %dot_general3A_113 {offsets = [624, 0], sizes = [104, 128], strides = [1, 1]} : vector<1664x128xf32> to vector<104x128xf32>
    %slice3A_245 = vector.extract_strided_slice %dot_general3A_120 {offsets = [624, 0], sizes = [104, 128], strides = [1, 1]} : vector<1664x128xf32> to vector<104x128xf32>
    %get3A_246 = arith.constant 0 : index
    %get3A_247 = arith.constant 0 : index
    %get3A_248 = vector.load %arg10[%get3A_246, %get3A_247] : memref<8x128xf32, #tpu.memory_space<vmem>>, vector<8x128xf32>
    %concatenate3A_249 = tpu.concatenate %slice3A_241, %slice3A_242, %slice3A_243, %slice3A_244, %slice3A_245, %get3A_248 in 0 : vector<104x128xf32>, vector<104x128xf32>, vector<104x128xf32>, vector<104x128xf32>, vector<104x128xf32>, vector<8x128xf32> -> vector<528x128xf32>
    %dot_general3A_250 = arith.constant dense<0.000000e+00> : vector<528x104xf32>
    %dot_general3A_251 = tpu.matmul %concatenate3A_249, %slice3A_240, %dot_general3A_250 {dimension_numbers = #tpu.dot_dimension_numbers<[1], [1], [0], [0], [0, 0, 1, 0], [], []>, transpose_lhs_hint = false} : vector<528x128xf32>, vector<104x128xf32>, vector<528x104xf32> -> vector<528x104xf32>
    %dot_general3A_252 = arith.constant dense<0.000000e+00> : vector<104x104xf32>
    %dot_general3A_253 = tpu.matmul %slice3A_241, %slice3A_241, %dot_general3A_252 {dimension_numbers = #tpu.dot_dimension_numbers<[1], [1], [0], [0], [0, 0, 1, 0], [], []>, transpose_lhs_hint = false} : vector<104x128xf32>, vector<104x128xf32>, vector<104x104xf32> -> vector<104x104xf32>
    %slice3A_254 = vector.extract_strided_slice %select_n3A_73 {offsets = [728, 0], sizes = [104, 128], strides = [1, 1]} : vector<1664x128xf32> to vector<104x128xf32>
    %slice3A_255 = vector.extract_strided_slice %reshape3A {offsets = [728, 0], sizes = [104, 128], strides = [1, 1]} : vector<1664x128xf32> to vector<104x128xf32>
    %slice3A_256 = vector.extract_strided_slice %dot_general3A_99 {offsets = [728, 0], sizes = [104, 128], strides = [1, 1]} : vector<1664x128xf32> to vector<104x128xf32>
    %slice3A_257 = vector.extract_strided_slice %dot_general3A_106 {offsets = [728, 0], sizes = [104, 128], strides = [1, 1]} : vector<1664x128xf32> to vector<104x128xf32>
    %slice3A_258 = vector.extract_strided_slice %dot_general3A_113 {offsets = [728, 0], sizes = [104, 128], strides = [1, 1]} : vector<1664x128xf32> to vector<104x128xf32>
    %slice3A_259 = vector.extract_strided_slice %dot_general3A_120 {offsets = [728, 0], sizes = [104, 128], strides = [1, 1]} : vector<1664x128xf32> to vector<104x128xf32>
    %get3A_260 = arith.constant 0 : index
    %get3A_261 = arith.constant 0 : index
    %get3A_262 = vector.load %arg10[%get3A_260, %get3A_261] : memref<8x128xf32, #tpu.memory_space<vmem>>, vector<8x128xf32>
    %concatenate3A_263 = tpu.concatenate %slice3A_255, %slice3A_256, %slice3A_257, %slice3A_258, %slice3A_259, %get3A_262 in 0 : vector<104x128xf32>, vector<104x128xf32>, vector<104x128xf32>, vector<104x128xf32>, vector<104x128xf32>, vector<8x128xf32> -> vector<528x128xf32>
    %dot_general3A_264 = arith.constant dense<0.000000e+00> : vector<528x104xf32>
    %dot_general3A_265 = tpu.matmul %concatenate3A_263, %slice3A_254, %dot_general3A_264 {dimension_numbers = #tpu.dot_dimension_numbers<[1], [1], [0], [0], [0, 0, 1, 0], [], []>, transpose_lhs_hint = false} : vector<528x128xf32>, vector<104x128xf32>, vector<528x104xf32> -> vector<528x104xf32>
    %dot_general3A_266 = arith.constant dense<0.000000e+00> : vector<104x104xf32>
    %dot_general3A_267 = tpu.matmul %slice3A_255, %slice3A_255, %dot_general3A_266 {dimension_numbers = #tpu.dot_dimension_numbers<[1], [1], [0], [0], [0, 0, 1, 0], [], []>, transpose_lhs_hint = false} : vector<104x128xf32>, vector<104x128xf32>, vector<104x104xf32> -> vector<104x104xf32>
    %slice3A_268 = vector.extract_strided_slice %select_n3A_73 {offsets = [832, 0], sizes = [104, 128], strides = [1, 1]} : vector<1664x128xf32> to vector<104x128xf32>
    %slice3A_269 = vector.extract_strided_slice %reshape3A {offsets = [832, 0], sizes = [104, 128], strides = [1, 1]} : vector<1664x128xf32> to vector<104x128xf32>
    %slice3A_270 = vector.extract_strided_slice %dot_general3A_99 {offsets = [832, 0], sizes = [104, 128], strides = [1, 1]} : vector<1664x128xf32> to vector<104x128xf32>
    %slice3A_271 = vector.extract_strided_slice %dot_general3A_106 {offsets = [832, 0], sizes = [104, 128], strides = [1, 1]} : vector<1664x128xf32> to vector<104x128xf32>
    %slice3A_272 = vector.extract_strided_slice %dot_general3A_113 {offsets = [832, 0], sizes = [104, 128], strides = [1, 1]} : vector<1664x128xf32> to vector<104x128xf32>
    %slice3A_273 = vector.extract_strided_slice %dot_general3A_120 {offsets = [832, 0], sizes = [104, 128], strides = [1, 1]} : vector<1664x128xf32> to vector<104x128xf32>
    %get3A_274 = arith.constant 0 : index
    %get3A_275 = arith.constant 0 : index
    %get3A_276 = vector.load %arg10[%get3A_274, %get3A_275] : memref<8x128xf32, #tpu.memory_space<vmem>>, vector<8x128xf32>
    %concatenate3A_277 = tpu.concatenate %slice3A_269, %slice3A_270, %slice3A_271, %slice3A_272, %slice3A_273, %get3A_276 in 0 : vector<104x128xf32>, vector<104x128xf32>, vector<104x128xf32>, vector<104x128xf32>, vector<104x128xf32>, vector<8x128xf32> -> vector<528x128xf32>
    %dot_general3A_278 = arith.constant dense<0.000000e+00> : vector<528x104xf32>
    %dot_general3A_279 = tpu.matmul %concatenate3A_277, %slice3A_268, %dot_general3A_278 {dimension_numbers = #tpu.dot_dimension_numbers<[1], [1], [0], [0], [0, 0, 1, 0], [], []>, transpose_lhs_hint = false} : vector<528x128xf32>, vector<104x128xf32>, vector<528x104xf32> -> vector<528x104xf32>
    %dot_general3A_280 = arith.constant dense<0.000000e+00> : vector<104x104xf32>
    %dot_general3A_281 = tpu.matmul %slice3A_269, %slice3A_269, %dot_general3A_280 {dimension_numbers = #tpu.dot_dimension_numbers<[1], [1], [0], [0], [0, 0, 1, 0], [], []>, transpose_lhs_hint = false} : vector<104x128xf32>, vector<104x128xf32>, vector<104x104xf32> -> vector<104x104xf32>
    %slice3A_282 = vector.extract_strided_slice %select_n3A_73 {offsets = [936, 0], sizes = [104, 128], strides = [1, 1]} : vector<1664x128xf32> to vector<104x128xf32>
    %slice3A_283 = vector.extract_strided_slice %reshape3A {offsets = [936, 0], sizes = [104, 128], strides = [1, 1]} : vector<1664x128xf32> to vector<104x128xf32>
    %slice3A_284 = vector.extract_strided_slice %dot_general3A_99 {offsets = [936, 0], sizes = [104, 128], strides = [1, 1]} : vector<1664x128xf32> to vector<104x128xf32>
    %slice3A_285 = vector.extract_strided_slice %dot_general3A_106 {offsets = [936, 0], sizes = [104, 128], strides = [1, 1]} : vector<1664x128xf32> to vector<104x128xf32>
    %slice3A_286 = vector.extract_strided_slice %dot_general3A_113 {offsets = [936, 0], sizes = [104, 128], strides = [1, 1]} : vector<1664x128xf32> to vector<104x128xf32>
    %slice3A_287 = vector.extract_strided_slice %dot_general3A_120 {offsets = [936, 0], sizes = [104, 128], strides = [1, 1]} : vector<1664x128xf32> to vector<104x128xf32>
    %get3A_288 = arith.constant 0 : index
    %get3A_289 = arith.constant 0 : index
    %get3A_290 = vector.load %arg10[%get3A_288, %get3A_289] : memref<8x128xf32, #tpu.memory_space<vmem>>, vector<8x128xf32>
    %concatenate3A_291 = tpu.concatenate %slice3A_283, %slice3A_284, %slice3A_285, %slice3A_286, %slice3A_287, %get3A_290 in 0 : vector<104x128xf32>, vector<104x128xf32>, vector<104x128xf32>, vector<104x128xf32>, vector<104x128xf32>, vector<8x128xf32> -> vector<528x128xf32>
    %dot_general3A_292 = arith.constant dense<0.000000e+00> : vector<528x104xf32>
    %dot_general3A_293 = tpu.matmul %concatenate3A_291, %slice3A_282, %dot_general3A_292 {dimension_numbers = #tpu.dot_dimension_numbers<[1], [1], [0], [0], [0, 0, 1, 0], [], []>, transpose_lhs_hint = false} : vector<528x128xf32>, vector<104x128xf32>, vector<528x104xf32> -> vector<528x104xf32>
    %dot_general3A_294 = arith.constant dense<0.000000e+00> : vector<104x104xf32>
    %dot_general3A_295 = tpu.matmul %slice3A_283, %slice3A_283, %dot_general3A_294 {dimension_numbers = #tpu.dot_dimension_numbers<[1], [1], [0], [0], [0, 0, 1, 0], [], []>, transpose_lhs_hint = false} : vector<104x128xf32>, vector<104x128xf32>, vector<104x104xf32> -> vector<104x104xf32>
    %slice3A_296 = vector.extract_strided_slice %select_n3A_73 {offsets = [1040, 0], sizes = [104, 128], strides = [1, 1]} : vector<1664x128xf32> to vector<104x128xf32>
    %slice3A_297 = vector.extract_strided_slice %reshape3A {offsets = [1040, 0], sizes = [104, 128], strides = [1, 1]} : vector<1664x128xf32> to vector<104x128xf32>
    %slice3A_298 = vector.extract_strided_slice %dot_general3A_99 {offsets = [1040, 0], sizes = [104, 128], strides = [1, 1]} : vector<1664x128xf32> to vector<104x128xf32>
    %slice3A_299 = vector.extract_strided_slice %dot_general3A_106 {offsets = [1040, 0], sizes = [104, 128], strides = [1, 1]} : vector<1664x128xf32> to vector<104x128xf32>
    %slice3A_300 = vector.extract_strided_slice %dot_general3A_113 {offsets = [1040, 0], sizes = [104, 128], strides = [1, 1]} : vector<1664x128xf32> to vector<104x128xf32>
    %slice3A_301 = vector.extract_strided_slice %dot_general3A_120 {offsets = [1040, 0], sizes = [104, 128], strides = [1, 1]} : vector<1664x128xf32> to vector<104x128xf32>
    %get3A_302 = arith.constant 0 : index
    %get3A_303 = arith.constant 0 : index
    %get3A_304 = vector.load %arg10[%get3A_302, %get3A_303] : memref<8x128xf32, #tpu.memory_space<vmem>>, vector<8x128xf32>
    %concatenate3A_305 = tpu.concatenate %slice3A_297, %slice3A_298, %slice3A_299, %slice3A_300, %slice3A_301, %get3A_304 in 0 : vector<104x128xf32>, vector<104x128xf32>, vector<104x128xf32>, vector<104x128xf32>, vector<104x128xf32>, vector<8x128xf32> -> vector<528x128xf32>
    %dot_general3A_306 = arith.constant dense<0.000000e+00> : vector<528x104xf32>
    %dot_general3A_307 = tpu.matmul %concatenate3A_305, %slice3A_296, %dot_general3A_306 {dimension_numbers = #tpu.dot_dimension_numbers<[1], [1], [0], [0], [0, 0, 1, 0], [], []>, transpose_lhs_hint = false} : vector<528x128xf32>, vector<104x128xf32>, vector<528x104xf32> -> vector<528x104xf32>
    %dot_general3A_308 = arith.constant dense<0.000000e+00> : vector<104x104xf32>
    %dot_general3A_309 = tpu.matmul %slice3A_297, %slice3A_297, %dot_general3A_308 {dimension_numbers = #tpu.dot_dimension_numbers<[1], [1], [0], [0], [0, 0, 1, 0], [], []>, transpose_lhs_hint = false} : vector<104x128xf32>, vector<104x128xf32>, vector<104x104xf32> -> vector<104x104xf32>
    %slice3A_310 = vector.extract_strided_slice %select_n3A_73 {offsets = [1144, 0], sizes = [104, 128], strides = [1, 1]} : vector<1664x128xf32> to vector<104x128xf32>
    %slice3A_311 = vector.extract_strided_slice %reshape3A {offsets = [1144, 0], sizes = [104, 128], strides = [1, 1]} : vector<1664x128xf32> to vector<104x128xf32>
    %slice3A_312 = vector.extract_strided_slice %dot_general3A_99 {offsets = [1144, 0], sizes = [104, 128], strides = [1, 1]} : vector<1664x128xf32> to vector<104x128xf32>
    %slice3A_313 = vector.extract_strided_slice %dot_general3A_106 {offsets = [1144, 0], sizes = [104, 128], strides = [1, 1]} : vector<1664x128xf32> to vector<104x128xf32>
    %slice3A_314 = vector.extract_strided_slice %dot_general3A_113 {offsets = [1144, 0], sizes = [104, 128], strides = [1, 1]} : vector<1664x128xf32> to vector<104x128xf32>
    %slice3A_315 = vector.extract_strided_slice %dot_general3A_120 {offsets = [1144, 0], sizes = [104, 128], strides = [1, 1]} : vector<1664x128xf32> to vector<104x128xf32>
    %get3A_316 = arith.constant 0 : index
    %get3A_317 = arith.constant 0 : index
    %get3A_318 = vector.load %arg10[%get3A_316, %get3A_317] : memref<8x128xf32, #tpu.memory_space<vmem>>, vector<8x128xf32>
    %concatenate3A_319 = tpu.concatenate %slice3A_311, %slice3A_312, %slice3A_313, %slice3A_314, %slice3A_315, %get3A_318 in 0 : vector<104x128xf32>, vector<104x128xf32>, vector<104x128xf32>, vector<104x128xf32>, vector<104x128xf32>, vector<8x128xf32> -> vector<528x128xf32>
    %dot_general3A_320 = arith.constant dense<0.000000e+00> : vector<528x104xf32>
    %dot_general3A_321 = tpu.matmul %concatenate3A_319, %slice3A_310, %dot_general3A_320 {dimension_numbers = #tpu.dot_dimension_numbers<[1], [1], [0], [0], [0, 0, 1, 0], [], []>, transpose_lhs_hint = false} : vector<528x128xf32>, vector<104x128xf32>, vector<528x104xf32> -> vector<528x104xf32>
    %dot_general3A_322 = arith.constant dense<0.000000e+00> : vector<104x104xf32>
    %dot_general3A_323 = tpu.matmul %slice3A_311, %slice3A_311, %dot_general3A_322 {dimension_numbers = #tpu.dot_dimension_numbers<[1], [1], [0], [0], [0, 0, 1, 0], [], []>, transpose_lhs_hint = false} : vector<104x128xf32>, vector<104x128xf32>, vector<104x104xf32> -> vector<104x104xf32>
    %slice3A_324 = vector.extract_strided_slice %select_n3A_73 {offsets = [1248, 0], sizes = [104, 128], strides = [1, 1]} : vector<1664x128xf32> to vector<104x128xf32>
    %slice3A_325 = vector.extract_strided_slice %reshape3A {offsets = [1248, 0], sizes = [104, 128], strides = [1, 1]} : vector<1664x128xf32> to vector<104x128xf32>
    %slice3A_326 = vector.extract_strided_slice %dot_general3A_99 {offsets = [1248, 0], sizes = [104, 128], strides = [1, 1]} : vector<1664x128xf32> to vector<104x128xf32>
    %slice3A_327 = vector.extract_strided_slice %dot_general3A_106 {offsets = [1248, 0], sizes = [104, 128], strides = [1, 1]} : vector<1664x128xf32> to vector<104x128xf32>
    %slice3A_328 = vector.extract_strided_slice %dot_general3A_113 {offsets = [1248, 0], sizes = [104, 128], strides = [1, 1]} : vector<1664x128xf32> to vector<104x128xf32>
    %slice3A_329 = vector.extract_strided_slice %dot_general3A_120 {offsets = [1248, 0], sizes = [104, 128], strides = [1, 1]} : vector<1664x128xf32> to vector<104x128xf32>
    %get3A_330 = arith.constant 0 : index
    %get3A_331 = arith.constant 0 : index
    %get3A_332 = vector.load %arg10[%get3A_330, %get3A_331] : memref<8x128xf32, #tpu.memory_space<vmem>>, vector<8x128xf32>
    %concatenate3A_333 = tpu.concatenate %slice3A_325, %slice3A_326, %slice3A_327, %slice3A_328, %slice3A_329, %get3A_332 in 0 : vector<104x128xf32>, vector<104x128xf32>, vector<104x128xf32>, vector<104x128xf32>, vector<104x128xf32>, vector<8x128xf32> -> vector<528x128xf32>
    %dot_general3A_334 = arith.constant dense<0.000000e+00> : vector<528x104xf32>
    %dot_general3A_335 = tpu.matmul %concatenate3A_333, %slice3A_324, %dot_general3A_334 {dimension_numbers = #tpu.dot_dimension_numbers<[1], [1], [0], [0], [0, 0, 1, 0], [], []>, transpose_lhs_hint = false} : vector<528x128xf32>, vector<104x128xf32>, vector<528x104xf32> -> vector<528x104xf32>
    %dot_general3A_336 = arith.constant dense<0.000000e+00> : vector<104x104xf32>
    %dot_general3A_337 = tpu.matmul %slice3A_325, %slice3A_325, %dot_general3A_336 {dimension_numbers = #tpu.dot_dimension_numbers<[1], [1], [0], [0], [0, 0, 1, 0], [], []>, transpose_lhs_hint = false} : vector<104x128xf32>, vector<104x128xf32>, vector<104x104xf32> -> vector<104x104xf32>
    %slice3A_338 = vector.extract_strided_slice %select_n3A_73 {offsets = [1352, 0], sizes = [104, 128], strides = [1, 1]} : vector<1664x128xf32> to vector<104x128xf32>
    %slice3A_339 = vector.extract_strided_slice %reshape3A {offsets = [1352, 0], sizes = [104, 128], strides = [1, 1]} : vector<1664x128xf32> to vector<104x128xf32>
    %slice3A_340 = vector.extract_strided_slice %dot_general3A_99 {offsets = [1352, 0], sizes = [104, 128], strides = [1, 1]} : vector<1664x128xf32> to vector<104x128xf32>
    %slice3A_341 = vector.extract_strided_slice %dot_general3A_106 {offsets = [1352, 0], sizes = [104, 128], strides = [1, 1]} : vector<1664x128xf32> to vector<104x128xf32>
    %slice3A_342 = vector.extract_strided_slice %dot_general3A_113 {offsets = [1352, 0], sizes = [104, 128], strides = [1, 1]} : vector<1664x128xf32> to vector<104x128xf32>
    %slice3A_343 = vector.extract_strided_slice %dot_general3A_120 {offsets = [1352, 0], sizes = [104, 128], strides = [1, 1]} : vector<1664x128xf32> to vector<104x128xf32>
    %get3A_344 = arith.constant 0 : index
    %get3A_345 = arith.constant 0 : index
    %get3A_346 = vector.load %arg10[%get3A_344, %get3A_345] : memref<8x128xf32, #tpu.memory_space<vmem>>, vector<8x128xf32>
    %concatenate3A_347 = tpu.concatenate %slice3A_339, %slice3A_340, %slice3A_341, %slice3A_342, %slice3A_343, %get3A_346 in 0 : vector<104x128xf32>, vector<104x128xf32>, vector<104x128xf32>, vector<104x128xf32>, vector<104x128xf32>, vector<8x128xf32> -> vector<528x128xf32>
    %dot_general3A_348 = arith.constant dense<0.000000e+00> : vector<528x104xf32>
    %dot_general3A_349 = tpu.matmul %concatenate3A_347, %slice3A_338, %dot_general3A_348 {dimension_numbers = #tpu.dot_dimension_numbers<[1], [1], [0], [0], [0, 0, 1, 0], [], []>, transpose_lhs_hint = false} : vector<528x128xf32>, vector<104x128xf32>, vector<528x104xf32> -> vector<528x104xf32>
    %dot_general3A_350 = arith.constant dense<0.000000e+00> : vector<104x104xf32>
    %dot_general3A_351 = tpu.matmul %slice3A_339, %slice3A_339, %dot_general3A_350 {dimension_numbers = #tpu.dot_dimension_numbers<[1], [1], [0], [0], [0, 0, 1, 0], [], []>, transpose_lhs_hint = false} : vector<104x128xf32>, vector<104x128xf32>, vector<104x104xf32> -> vector<104x104xf32>
    %slice3A_352 = vector.extract_strided_slice %select_n3A_73 {offsets = [1456, 0], sizes = [104, 128], strides = [1, 1]} : vector<1664x128xf32> to vector<104x128xf32>
    %slice3A_353 = vector.extract_strided_slice %reshape3A {offsets = [1456, 0], sizes = [104, 128], strides = [1, 1]} : vector<1664x128xf32> to vector<104x128xf32>
    %slice3A_354 = vector.extract_strided_slice %dot_general3A_99 {offsets = [1456, 0], sizes = [104, 128], strides = [1, 1]} : vector<1664x128xf32> to vector<104x128xf32>
    %slice3A_355 = vector.extract_strided_slice %dot_general3A_106 {offsets = [1456, 0], sizes = [104, 128], strides = [1, 1]} : vector<1664x128xf32> to vector<104x128xf32>
    %slice3A_356 = vector.extract_strided_slice %dot_general3A_113 {offsets = [1456, 0], sizes = [104, 128], strides = [1, 1]} : vector<1664x128xf32> to vector<104x128xf32>
    %slice3A_357 = vector.extract_strided_slice %dot_general3A_120 {offsets = [1456, 0], sizes = [104, 128], strides = [1, 1]} : vector<1664x128xf32> to vector<104x128xf32>
    %get3A_358 = arith.constant 0 : index
    %get3A_359 = arith.constant 0 : index
    %get3A_360 = vector.load %arg10[%get3A_358, %get3A_359] : memref<8x128xf32, #tpu.memory_space<vmem>>, vector<8x128xf32>
    %concatenate3A_361 = tpu.concatenate %slice3A_353, %slice3A_354, %slice3A_355, %slice3A_356, %slice3A_357, %get3A_360 in 0 : vector<104x128xf32>, vector<104x128xf32>, vector<104x128xf32>, vector<104x128xf32>, vector<104x128xf32>, vector<8x128xf32> -> vector<528x128xf32>
    %dot_general3A_362 = arith.constant dense<0.000000e+00> : vector<528x104xf32>
    %dot_general3A_363 = tpu.matmul %concatenate3A_361, %slice3A_352, %dot_general3A_362 {dimension_numbers = #tpu.dot_dimension_numbers<[1], [1], [0], [0], [0, 0, 1, 0], [], []>, transpose_lhs_hint = false} : vector<528x128xf32>, vector<104x128xf32>, vector<528x104xf32> -> vector<528x104xf32>
    %dot_general3A_364 = arith.constant dense<0.000000e+00> : vector<104x104xf32>
    %dot_general3A_365 = tpu.matmul %slice3A_353, %slice3A_353, %dot_general3A_364 {dimension_numbers = #tpu.dot_dimension_numbers<[1], [1], [0], [0], [0, 0, 1, 0], [], []>, transpose_lhs_hint = false} : vector<104x128xf32>, vector<104x128xf32>, vector<104x104xf32> -> vector<104x104xf32>
    %slice3A_366 = vector.extract_strided_slice %select_n3A_73 {offsets = [1560, 0], sizes = [104, 128], strides = [1, 1]} : vector<1664x128xf32> to vector<104x128xf32>
    %slice3A_367 = vector.extract_strided_slice %reshape3A {offsets = [1560, 0], sizes = [104, 128], strides = [1, 1]} : vector<1664x128xf32> to vector<104x128xf32>
    %slice3A_368 = vector.extract_strided_slice %dot_general3A_99 {offsets = [1560, 0], sizes = [104, 128], strides = [1, 1]} : vector<1664x128xf32> to vector<104x128xf32>
    %slice3A_369 = vector.extract_strided_slice %dot_general3A_106 {offsets = [1560, 0], sizes = [104, 128], strides = [1, 1]} : vector<1664x128xf32> to vector<104x128xf32>
    %slice3A_370 = vector.extract_strided_slice %dot_general3A_113 {offsets = [1560, 0], sizes = [104, 128], strides = [1, 1]} : vector<1664x128xf32> to vector<104x128xf32>
    %slice3A_371 = vector.extract_strided_slice %dot_general3A_120 {offsets = [1560, 0], sizes = [104, 128], strides = [1, 1]} : vector<1664x128xf32> to vector<104x128xf32>
    %get3A_372 = arith.constant 0 : index
    %get3A_373 = arith.constant 0 : index
    %get3A_374 = vector.load %arg10[%get3A_372, %get3A_373] : memref<8x128xf32, #tpu.memory_space<vmem>>, vector<8x128xf32>
    %concatenate3A_375 = tpu.concatenate %slice3A_367, %slice3A_368, %slice3A_369, %slice3A_370, %slice3A_371, %get3A_374 in 0 : vector<104x128xf32>, vector<104x128xf32>, vector<104x128xf32>, vector<104x128xf32>, vector<104x128xf32>, vector<8x128xf32> -> vector<528x128xf32>
    %dot_general3A_376 = arith.constant dense<0.000000e+00> : vector<528x104xf32>
    %dot_general3A_377 = tpu.matmul %concatenate3A_375, %slice3A_366, %dot_general3A_376 {dimension_numbers = #tpu.dot_dimension_numbers<[1], [1], [0], [0], [0, 0, 1, 0], [], []>, transpose_lhs_hint = false} : vector<528x128xf32>, vector<104x128xf32>, vector<528x104xf32> -> vector<528x104xf32>
    %dot_general3A_378 = arith.constant dense<0.000000e+00> : vector<104x104xf32>
    %dot_general3A_379 = tpu.matmul %slice3A_367, %slice3A_367, %dot_general3A_378 {dimension_numbers = #tpu.dot_dimension_numbers<[1], [1], [0], [0], [0, 0, 1, 0], [], []>, transpose_lhs_hint = false} : vector<104x128xf32>, vector<104x128xf32>, vector<104x104xf32> -> vector<104x104xf32>
    %concatenate3A_380 = tpu.concatenate %dot_general3A_169, %dot_general3A_183, %dot_general3A_197, %dot_general3A_211, %dot_general3A_225, %dot_general3A_239, %dot_general3A_253, %dot_general3A_267, %dot_general3A_281, %dot_general3A_295, %dot_general3A_309, %dot_general3A_323, %dot_general3A_337, %dot_general3A_351, %dot_general3A_365, %dot_general3A_379 in 0 : vector<104x104xf32>, vector<104x104xf32>, vector<104x104xf32>, vector<104x104xf32>, vector<104x104xf32>, vector<104x104xf32>, vector<104x104xf32>, vector<104x104xf32>, vector<104x104xf32>, vector<104x104xf32>, vector<104x104xf32>, vector<104x104xf32>, vector<104x104xf32>, vector<104x104xf32>, vector<104x104xf32>, vector<104x104xf32> -> vector<1664x104xf32>
    %slice3A_381 = vector.extract_strided_slice %dot_general3A_167 {offsets = [0, 0], sizes = [104, 104], strides = [1, 1]} : vector<528x104xf32> to vector<104x104xf32>
    %slice3A_382 = vector.extract_strided_slice %dot_general3A_181 {offsets = [0, 0], sizes = [104, 104], strides = [1, 1]} : vector<528x104xf32> to vector<104x104xf32>
    %slice3A_383 = vector.extract_strided_slice %dot_general3A_195 {offsets = [0, 0], sizes = [104, 104], strides = [1, 1]} : vector<528x104xf32> to vector<104x104xf32>
    %slice3A_384 = vector.extract_strided_slice %dot_general3A_209 {offsets = [0, 0], sizes = [104, 104], strides = [1, 1]} : vector<528x104xf32> to vector<104x104xf32>
    %slice3A_385 = vector.extract_strided_slice %dot_general3A_223 {offsets = [0, 0], sizes = [104, 104], strides = [1, 1]} : vector<528x104xf32> to vector<104x104xf32>
    %slice3A_386 = vector.extract_strided_slice %dot_general3A_237 {offsets = [0, 0], sizes = [104, 104], strides = [1, 1]} : vector<528x104xf32> to vector<104x104xf32>
    %slice3A_387 = vector.extract_strided_slice %dot_general3A_251 {offsets = [0, 0], sizes = [104, 104], strides = [1, 1]} : vector<528x104xf32> to vector<104x104xf32>
    %slice3A_388 = vector.extract_strided_slice %dot_general3A_265 {offsets = [0, 0], sizes = [104, 104], strides = [1, 1]} : vector<528x104xf32> to vector<104x104xf32>
    %slice3A_389 = vector.extract_strided_slice %dot_general3A_279 {offsets = [0, 0], sizes = [104, 104], strides = [1, 1]} : vector<528x104xf32> to vector<104x104xf32>
    %slice3A_390 = vector.extract_strided_slice %dot_general3A_293 {offsets = [0, 0], sizes = [104, 104], strides = [1, 1]} : vector<528x104xf32> to vector<104x104xf32>
    %slice3A_391 = vector.extract_strided_slice %dot_general3A_307 {offsets = [0, 0], sizes = [104, 104], strides = [1, 1]} : vector<528x104xf32> to vector<104x104xf32>
    %slice3A_392 = vector.extract_strided_slice %dot_general3A_321 {offsets = [0, 0], sizes = [104, 104], strides = [1, 1]} : vector<528x104xf32> to vector<104x104xf32>
    %slice3A_393 = vector.extract_strided_slice %dot_general3A_335 {offsets = [0, 0], sizes = [104, 104], strides = [1, 1]} : vector<528x104xf32> to vector<104x104xf32>
    %slice3A_394 = vector.extract_strided_slice %dot_general3A_349 {offsets = [0, 0], sizes = [104, 104], strides = [1, 1]} : vector<528x104xf32> to vector<104x104xf32>
    %slice3A_395 = vector.extract_strided_slice %dot_general3A_363 {offsets = [0, 0], sizes = [104, 104], strides = [1, 1]} : vector<528x104xf32> to vector<104x104xf32>
    %slice3A_396 = vector.extract_strided_slice %dot_general3A_377 {offsets = [0, 0], sizes = [104, 104], strides = [1, 1]} : vector<528x104xf32> to vector<104x104xf32>
    %concatenate3A_397 = tpu.concatenate %slice3A_381, %slice3A_382, %slice3A_383, %slice3A_384, %slice3A_385, %slice3A_386, %slice3A_387, %slice3A_388, %slice3A_389, %slice3A_390, %slice3A_391, %slice3A_392, %slice3A_393, %slice3A_394, %slice3A_395, %slice3A_396 in 0 : vector<104x104xf32>, vector<104x104xf32>, vector<104x104xf32>, vector<104x104xf32>, vector<104x104xf32>, vector<104x104xf32>, vector<104x104xf32>, vector<104x104xf32>, vector<104x104xf32>, vector<104x104xf32>, vector<104x104xf32>, vector<104x104xf32>, vector<104x104xf32>, vector<104x104xf32>, vector<104x104xf32>, vector<104x104xf32> -> vector<1664x104xf32>
    %slice3A_398 = vector.extract_strided_slice %dot_general3A_167 {offsets = [104, 0], sizes = [104, 104], strides = [1, 1]} : vector<528x104xf32> to vector<104x104xf32>
    %slice3A_399 = vector.extract_strided_slice %dot_general3A_181 {offsets = [104, 0], sizes = [104, 104], strides = [1, 1]} : vector<528x104xf32> to vector<104x104xf32>
    %slice3A_400 = vector.extract_strided_slice %dot_general3A_195 {offsets = [104, 0], sizes = [104, 104], strides = [1, 1]} : vector<528x104xf32> to vector<104x104xf32>
    %slice3A_401 = vector.extract_strided_slice %dot_general3A_209 {offsets = [104, 0], sizes = [104, 104], strides = [1, 1]} : vector<528x104xf32> to vector<104x104xf32>
    %slice3A_402 = vector.extract_strided_slice %dot_general3A_223 {offsets = [104, 0], sizes = [104, 104], strides = [1, 1]} : vector<528x104xf32> to vector<104x104xf32>
    %slice3A_403 = vector.extract_strided_slice %dot_general3A_237 {offsets = [104, 0], sizes = [104, 104], strides = [1, 1]} : vector<528x104xf32> to vector<104x104xf32>
    %slice3A_404 = vector.extract_strided_slice %dot_general3A_251 {offsets = [104, 0], sizes = [104, 104], strides = [1, 1]} : vector<528x104xf32> to vector<104x104xf32>
    %slice3A_405 = vector.extract_strided_slice %dot_general3A_265 {offsets = [104, 0], sizes = [104, 104], strides = [1, 1]} : vector<528x104xf32> to vector<104x104xf32>
    %slice3A_406 = vector.extract_strided_slice %dot_general3A_279 {offsets = [104, 0], sizes = [104, 104], strides = [1, 1]} : vector<528x104xf32> to vector<104x104xf32>
    %slice3A_407 = vector.extract_strided_slice %dot_general3A_293 {offsets = [104, 0], sizes = [104, 104], strides = [1, 1]} : vector<528x104xf32> to vector<104x104xf32>
    %slice3A_408 = vector.extract_strided_slice %dot_general3A_307 {offsets = [104, 0], sizes = [104, 104], strides = [1, 1]} : vector<528x104xf32> to vector<104x104xf32>
    %slice3A_409 = vector.extract_strided_slice %dot_general3A_321 {offsets = [104, 0], sizes = [104, 104], strides = [1, 1]} : vector<528x104xf32> to vector<104x104xf32>
    %slice3A_410 = vector.extract_strided_slice %dot_general3A_335 {offsets = [104, 0], sizes = [104, 104], strides = [1, 1]} : vector<528x104xf32> to vector<104x104xf32>
    %slice3A_411 = vector.extract_strided_slice %dot_general3A_349 {offsets = [104, 0], sizes = [104, 104], strides = [1, 1]} : vector<528x104xf32> to vector<104x104xf32>
    %slice3A_412 = vector.extract_strided_slice %dot_general3A_363 {offsets = [104, 0], sizes = [104, 104], strides = [1, 1]} : vector<528x104xf32> to vector<104x104xf32>
    %slice3A_413 = vector.extract_strided_slice %dot_general3A_377 {offsets = [104, 0], sizes = [104, 104], strides = [1, 1]} : vector<528x104xf32> to vector<104x104xf32>
    %concatenate3A_414 = tpu.concatenate %slice3A_398, %slice3A_399, %slice3A_400, %slice3A_401, %slice3A_402, %slice3A_403, %slice3A_404, %slice3A_405, %slice3A_406, %slice3A_407, %slice3A_408, %slice3A_409, %slice3A_410, %slice3A_411, %slice3A_412, %slice3A_413 in 0 : vector<104x104xf32>, vector<104x104xf32>, vector<104x104xf32>, vector<104x104xf32>, vector<104x104xf32>, vector<104x104xf32>, vector<104x104xf32>, vector<104x104xf32>, vector<104x104xf32>, vector<104x104xf32>, vector<104x104xf32>, vector<104x104xf32>, vector<104x104xf32>, vector<104x104xf32>, vector<104x104xf32>, vector<104x104xf32> -> vector<1664x104xf32>
    %slice3A_415 = vector.extract_strided_slice %dot_general3A_167 {offsets = [208, 0], sizes = [104, 104], strides = [1, 1]} : vector<528x104xf32> to vector<104x104xf32>
    %slice3A_416 = vector.extract_strided_slice %dot_general3A_181 {offsets = [208, 0], sizes = [104, 104], strides = [1, 1]} : vector<528x104xf32> to vector<104x104xf32>
    %slice3A_417 = vector.extract_strided_slice %dot_general3A_195 {offsets = [208, 0], sizes = [104, 104], strides = [1, 1]} : vector<528x104xf32> to vector<104x104xf32>
    %slice3A_418 = vector.extract_strided_slice %dot_general3A_209 {offsets = [208, 0], sizes = [104, 104], strides = [1, 1]} : vector<528x104xf32> to vector<104x104xf32>
    %slice3A_419 = vector.extract_strided_slice %dot_general3A_223 {offsets = [208, 0], sizes = [104, 104], strides = [1, 1]} : vector<528x104xf32> to vector<104x104xf32>
    %slice3A_420 = vector.extract_strided_slice %dot_general3A_237 {offsets = [208, 0], sizes = [104, 104], strides = [1, 1]} : vector<528x104xf32> to vector<104x104xf32>
    %slice3A_421 = vector.extract_strided_slice %dot_general3A_251 {offsets = [208, 0], sizes = [104, 104], strides = [1, 1]} : vector<528x104xf32> to vector<104x104xf32>
    %slice3A_422 = vector.extract_strided_slice %dot_general3A_265 {offsets = [208, 0], sizes = [104, 104], strides = [1, 1]} : vector<528x104xf32> to vector<104x104xf32>
    %slice3A_423 = vector.extract_strided_slice %dot_general3A_279 {offsets = [208, 0], sizes = [104, 104], strides = [1, 1]} : vector<528x104xf32> to vector<104x104xf32>
    %slice3A_424 = vector.extract_strided_slice %dot_general3A_293 {offsets = [208, 0], sizes = [104, 104], strides = [1, 1]} : vector<528x104xf32> to vector<104x104xf32>
    %slice3A_425 = vector.extract_strided_slice %dot_general3A_307 {offsets = [208, 0], sizes = [104, 104], strides = [1, 1]} : vector<528x104xf32> to vector<104x104xf32>
    %slice3A_426 = vector.extract_strided_slice %dot_general3A_321 {offsets = [208, 0], sizes = [104, 104], strides = [1, 1]} : vector<528x104xf32> to vector<104x104xf32>
    %slice3A_427 = vector.extract_strided_slice %dot_general3A_335 {offsets = [208, 0], sizes = [104, 104], strides = [1, 1]} : vector<528x104xf32> to vector<104x104xf32>
    %slice3A_428 = vector.extract_strided_slice %dot_general3A_349 {offsets = [208, 0], sizes = [104, 104], strides = [1, 1]} : vector<528x104xf32> to vector<104x104xf32>
    %slice3A_429 = vector.extract_strided_slice %dot_general3A_363 {offsets = [208, 0], sizes = [104, 104], strides = [1, 1]} : vector<528x104xf32> to vector<104x104xf32>
    %slice3A_430 = vector.extract_strided_slice %dot_general3A_377 {offsets = [208, 0], sizes = [104, 104], strides = [1, 1]} : vector<528x104xf32> to vector<104x104xf32>
    %concatenate3A_431 = tpu.concatenate %slice3A_415, %slice3A_416, %slice3A_417, %slice3A_418, %slice3A_419, %slice3A_420, %slice3A_421, %slice3A_422, %slice3A_423, %slice3A_424, %slice3A_425, %slice3A_426, %slice3A_427, %slice3A_428, %slice3A_429, %slice3A_430 in 0 : vector<104x104xf32>, vector<104x104xf32>, vector<104x104xf32>, vector<104x104xf32>, vector<104x104xf32>, vector<104x104xf32>, vector<104x104xf32>, vector<104x104xf32>, vector<104x104xf32>, vector<104x104xf32>, vector<104x104xf32>, vector<104x104xf32>, vector<104x104xf32>, vector<104x104xf32>, vector<104x104xf32>, vector<104x104xf32> -> vector<1664x104xf32>
    %slice3A_432 = vector.extract_strided_slice %dot_general3A_167 {offsets = [312, 0], sizes = [104, 104], strides = [1, 1]} : vector<528x104xf32> to vector<104x104xf32>
    %slice3A_433 = vector.extract_strided_slice %dot_general3A_181 {offsets = [312, 0], sizes = [104, 104], strides = [1, 1]} : vector<528x104xf32> to vector<104x104xf32>
    %slice3A_434 = vector.extract_strided_slice %dot_general3A_195 {offsets = [312, 0], sizes = [104, 104], strides = [1, 1]} : vector<528x104xf32> to vector<104x104xf32>
    %slice3A_435 = vector.extract_strided_slice %dot_general3A_209 {offsets = [312, 0], sizes = [104, 104], strides = [1, 1]} : vector<528x104xf32> to vector<104x104xf32>
    %slice3A_436 = vector.extract_strided_slice %dot_general3A_223 {offsets = [312, 0], sizes = [104, 104], strides = [1, 1]} : vector<528x104xf32> to vector<104x104xf32>
    %slice3A_437 = vector.extract_strided_slice %dot_general3A_237 {offsets = [312, 0], sizes = [104, 104], strides = [1, 1]} : vector<528x104xf32> to vector<104x104xf32>
    %slice3A_438 = vector.extract_strided_slice %dot_general3A_251 {offsets = [312, 0], sizes = [104, 104], strides = [1, 1]} : vector<528x104xf32> to vector<104x104xf32>
    %slice3A_439 = vector.extract_strided_slice %dot_general3A_265 {offsets = [312, 0], sizes = [104, 104], strides = [1, 1]} : vector<528x104xf32> to vector<104x104xf32>
    %slice3A_440 = vector.extract_strided_slice %dot_general3A_279 {offsets = [312, 0], sizes = [104, 104], strides = [1, 1]} : vector<528x104xf32> to vector<104x104xf32>
    %slice3A_441 = vector.extract_strided_slice %dot_general3A_293 {offsets = [312, 0], sizes = [104, 104], strides = [1, 1]} : vector<528x104xf32> to vector<104x104xf32>
    %slice3A_442 = vector.extract_strided_slice %dot_general3A_307 {offsets = [312, 0], sizes = [104, 104], strides = [1, 1]} : vector<528x104xf32> to vector<104x104xf32>
    %slice3A_443 = vector.extract_strided_slice %dot_general3A_321 {offsets = [312, 0], sizes = [104, 104], strides = [1, 1]} : vector<528x104xf32> to vector<104x104xf32>
    %slice3A_444 = vector.extract_strided_slice %dot_general3A_335 {offsets = [312, 0], sizes = [104, 104], strides = [1, 1]} : vector<528x104xf32> to vector<104x104xf32>
    %slice3A_445 = vector.extract_strided_slice %dot_general3A_349 {offsets = [312, 0], sizes = [104, 104], strides = [1, 1]} : vector<528x104xf32> to vector<104x104xf32>
    %slice3A_446 = vector.extract_strided_slice %dot_general3A_363 {offsets = [312, 0], sizes = [104, 104], strides = [1, 1]} : vector<528x104xf32> to vector<104x104xf32>
    %slice3A_447 = vector.extract_strided_slice %dot_general3A_377 {offsets = [312, 0], sizes = [104, 104], strides = [1, 1]} : vector<528x104xf32> to vector<104x104xf32>
    %concatenate3A_448 = tpu.concatenate %slice3A_432, %slice3A_433, %slice3A_434, %slice3A_435, %slice3A_436, %slice3A_437, %slice3A_438, %slice3A_439, %slice3A_440, %slice3A_441, %slice3A_442, %slice3A_443, %slice3A_444, %slice3A_445, %slice3A_446, %slice3A_447 in 0 : vector<104x104xf32>, vector<104x104xf32>, vector<104x104xf32>, vector<104x104xf32>, vector<104x104xf32>, vector<104x104xf32>, vector<104x104xf32>, vector<104x104xf32>, vector<104x104xf32>, vector<104x104xf32>, vector<104x104xf32>, vector<104x104xf32>, vector<104x104xf32>, vector<104x104xf32>, vector<104x104xf32>, vector<104x104xf32> -> vector<1664x104xf32>
    %slice3A_449 = vector.extract_strided_slice %dot_general3A_167 {offsets = [416, 0], sizes = [104, 104], strides = [1, 1]} : vector<528x104xf32> to vector<104x104xf32>
    %slice3A_450 = vector.extract_strided_slice %dot_general3A_181 {offsets = [416, 0], sizes = [104, 104], strides = [1, 1]} : vector<528x104xf32> to vector<104x104xf32>
    %slice3A_451 = vector.extract_strided_slice %dot_general3A_195 {offsets = [416, 0], sizes = [104, 104], strides = [1, 1]} : vector<528x104xf32> to vector<104x104xf32>
    %slice3A_452 = vector.extract_strided_slice %dot_general3A_209 {offsets = [416, 0], sizes = [104, 104], strides = [1, 1]} : vector<528x104xf32> to vector<104x104xf32>
    %slice3A_453 = vector.extract_strided_slice %dot_general3A_223 {offsets = [416, 0], sizes = [104, 104], strides = [1, 1]} : vector<528x104xf32> to vector<104x104xf32>
    %slice3A_454 = vector.extract_strided_slice %dot_general3A_237 {offsets = [416, 0], sizes = [104, 104], strides = [1, 1]} : vector<528x104xf32> to vector<104x104xf32>
    %slice3A_455 = vector.extract_strided_slice %dot_general3A_251 {offsets = [416, 0], sizes = [104, 104], strides = [1, 1]} : vector<528x104xf32> to vector<104x104xf32>
    %slice3A_456 = vector.extract_strided_slice %dot_general3A_265 {offsets = [416, 0], sizes = [104, 104], strides = [1, 1]} : vector<528x104xf32> to vector<104x104xf32>
    %slice3A_457 = vector.extract_strided_slice %dot_general3A_279 {offsets = [416, 0], sizes = [104, 104], strides = [1, 1]} : vector<528x104xf32> to vector<104x104xf32>
    %slice3A_458 = vector.extract_strided_slice %dot_general3A_293 {offsets = [416, 0], sizes = [104, 104], strides = [1, 1]} : vector<528x104xf32> to vector<104x104xf32>
    %slice3A_459 = vector.extract_strided_slice %dot_general3A_307 {offsets = [416, 0], sizes = [104, 104], strides = [1, 1]} : vector<528x104xf32> to vector<104x104xf32>
    %slice3A_460 = vector.extract_strided_slice %dot_general3A_321 {offsets = [416, 0], sizes = [104, 104], strides = [1, 1]} : vector<528x104xf32> to vector<104x104xf32>
    %slice3A_461 = vector.extract_strided_slice %dot_general3A_335 {offsets = [416, 0], sizes = [104, 104], strides = [1, 1]} : vector<528x104xf32> to vector<104x104xf32>
    %slice3A_462 = vector.extract_strided_slice %dot_general3A_349 {offsets = [416, 0], sizes = [104, 104], strides = [1, 1]} : vector<528x104xf32> to vector<104x104xf32>
    %slice3A_463 = vector.extract_strided_slice %dot_general3A_363 {offsets = [416, 0], sizes = [104, 104], strides = [1, 1]} : vector<528x104xf32> to vector<104x104xf32>
    %slice3A_464 = vector.extract_strided_slice %dot_general3A_377 {offsets = [416, 0], sizes = [104, 104], strides = [1, 1]} : vector<528x104xf32> to vector<104x104xf32>
    %concatenate3A_465 = tpu.concatenate %slice3A_449, %slice3A_450, %slice3A_451, %slice3A_452, %slice3A_453, %slice3A_454, %slice3A_455, %slice3A_456, %slice3A_457, %slice3A_458, %slice3A_459, %slice3A_460, %slice3A_461, %slice3A_462, %slice3A_463, %slice3A_464 in 0 : vector<104x104xf32>, vector<104x104xf32>, vector<104x104xf32>, vector<104x104xf32>, vector<104x104xf32>, vector<104x104xf32>, vector<104x104xf32>, vector<104x104xf32>, vector<104x104xf32>, vector<104x104xf32>, vector<104x104xf32>, vector<104x104xf32>, vector<104x104xf32>, vector<104x104xf32>, vector<104x104xf32>, vector<104x104xf32> -> vector<1664x104xf32>
    %slice3A_466 = vector.extract_strided_slice %dot_general3A_167 {offsets = [521, 0], sizes = [1, 104], strides = [1, 1]} : vector<528x104xf32> to vector<1x104xf32>
    %slice3A_467 = vector.extract_strided_slice %dot_general3A_181 {offsets = [521, 0], sizes = [1, 104], strides = [1, 1]} : vector<528x104xf32> to vector<1x104xf32>
    %slice3A_468 = vector.extract_strided_slice %dot_general3A_195 {offsets = [521, 0], sizes = [1, 104], strides = [1, 1]} : vector<528x104xf32> to vector<1x104xf32>
    %slice3A_469 = vector.extract_strided_slice %dot_general3A_209 {offsets = [521, 0], sizes = [1, 104], strides = [1, 1]} : vector<528x104xf32> to vector<1x104xf32>
    %slice3A_470 = vector.extract_strided_slice %dot_general3A_223 {offsets = [521, 0], sizes = [1, 104], strides = [1, 1]} : vector<528x104xf32> to vector<1x104xf32>
    %slice3A_471 = vector.extract_strided_slice %dot_general3A_237 {offsets = [521, 0], sizes = [1, 104], strides = [1, 1]} : vector<528x104xf32> to vector<1x104xf32>
    %slice3A_472 = vector.extract_strided_slice %dot_general3A_251 {offsets = [521, 0], sizes = [1, 104], strides = [1, 1]} : vector<528x104xf32> to vector<1x104xf32>
    %slice3A_473 = vector.extract_strided_slice %dot_general3A_265 {offsets = [521, 0], sizes = [1, 104], strides = [1, 1]} : vector<528x104xf32> to vector<1x104xf32>
    %slice3A_474 = vector.extract_strided_slice %dot_general3A_279 {offsets = [521, 0], sizes = [1, 104], strides = [1, 1]} : vector<528x104xf32> to vector<1x104xf32>
    %slice3A_475 = vector.extract_strided_slice %dot_general3A_293 {offsets = [521, 0], sizes = [1, 104], strides = [1, 1]} : vector<528x104xf32> to vector<1x104xf32>
    %slice3A_476 = vector.extract_strided_slice %dot_general3A_307 {offsets = [521, 0], sizes = [1, 104], strides = [1, 1]} : vector<528x104xf32> to vector<1x104xf32>
    %slice3A_477 = vector.extract_strided_slice %dot_general3A_321 {offsets = [521, 0], sizes = [1, 104], strides = [1, 1]} : vector<528x104xf32> to vector<1x104xf32>
    %slice3A_478 = vector.extract_strided_slice %dot_general3A_335 {offsets = [521, 0], sizes = [1, 104], strides = [1, 1]} : vector<528x104xf32> to vector<1x104xf32>
    %slice3A_479 = vector.extract_strided_slice %dot_general3A_349 {offsets = [521, 0], sizes = [1, 104], strides = [1, 1]} : vector<528x104xf32> to vector<1x104xf32>
    %slice3A_480 = vector.extract_strided_slice %dot_general3A_363 {offsets = [521, 0], sizes = [1, 104], strides = [1, 1]} : vector<528x104xf32> to vector<1x104xf32>
    %slice3A_481 = vector.extract_strided_slice %dot_general3A_377 {offsets = [521, 0], sizes = [1, 104], strides = [1, 1]} : vector<528x104xf32> to vector<1x104xf32>
    %concatenate3A_482 = tpu.concatenate %slice3A_466, %slice3A_467, %slice3A_468, %slice3A_469, %slice3A_470, %slice3A_471, %slice3A_472, %slice3A_473, %slice3A_474, %slice3A_475, %slice3A_476, %slice3A_477, %slice3A_478, %slice3A_479, %slice3A_480, %slice3A_481 in 0 : vector<1x104xf32>, vector<1x104xf32>, vector<1x104xf32>, vector<1x104xf32>, vector<1x104xf32>, vector<1x104xf32>, vector<1x104xf32>, vector<1x104xf32>, vector<1x104xf32>, vector<1x104xf32>, vector<1x104xf32>, vector<1x104xf32>, vector<1x104xf32>, vector<1x104xf32>, vector<1x104xf32>, vector<1x104xf32> -> vector<16x104xf32>
    %iota3A_483 = tpu.iota {dimensions = array<i32: 1>} : vector<1664x16xi32>
    %eq3A_484 = vector.broadcast %reshape3A_67 : vector<1664x1xi32> to vector<1664x16xi32>
    %eq3A_485 = arith.cmpi eq, %eq3A_484, %iota3A_483 : vector<1664x16xi32>
    %convert_element_type3A_486 = arith.extui %eq3A_485 : vector<1664x16xi1> to vector<1664x16xi32>
    %convert_element_type3A_487 = arith.sitofp %convert_element_type3A_486 : vector<1664x16xi32> to vector<1664x16xf32>
    %exp3A = math.exp %concatenate3A_482 : vector<16x104xf32>
    %dot_general3A_488 = arith.constant dense<0.000000e+00> : vector<1664x104xf32>
    %dot_general3A_489 = tpu.matmul %convert_element_type3A_487, %exp3A, %dot_general3A_488 {dimension_numbers = #tpu.dot_dimension_numbers<[1], [0], [0], [1], [0, 0, 1, 1], [], []>, transpose_lhs_hint = false} : vector<1664x16xf32>, vector<16x104xf32>, vector<1664x104xf32> -> vector<1664x104xf32>
    %iota3A_490 = tpu.iota {dimensions = array<i32: 1>} : vector<1664x104xi32>
    %convert_element_type3A_491 = arith.sitofp %iota3A_490 : vector<1664x104xi32> to vector<1664x104xf32>
    %sub3A = arith.constant 2 : i32
    %sub3A_492 = vector.broadcast %sub3A : i32 to vector<1664x1xi32>
    %sub3A_493 = arith.subi %reshape3A_65, %sub3A_492 : vector<1664x1xi32>
    %le3A = vector.broadcast %sub3A_493 : vector<1664x1xi32> to vector<1664x104xi32>
    %le3A_494 = arith.cmpi sle, %iota3A_490, %le3A : vector<1664x104xi32>
    %jit3A_495 = arith.constant -1.000000e+30 : f32
    %broadcast_in_dim3A_496 = vector.broadcast %jit3A_495 : f32 to vector<1664x104xf32>
    %select_n3A_497 = arith.select %le3A_494, %concatenate3A_380, %broadcast_in_dim3A_496 : vector<1664x104xi1>, vector<1664x104xf32>
    %broadcast_in_dim3A_498 = arith.constant 0.000000e+00 : f32
    %broadcast_in_dim3A_499 = vector.broadcast %broadcast_in_dim3A_498 : f32 to vector<1664x104xf32>
    %reduce_max3A = arith.constant dense<0xFF800000> : vector<1664xf32>
    %reduce_max3A_500 = vector.multi_reduction <maximumf>, %select_n3A_497, %reduce_max3A [1] : vector<1664x104xf32> to vector<1664xf32>
    %broadcast_in_dim3A_501 = vector.shape_cast %reduce_max3A_500 : vector<1664xf32> to vector<1664x1xf32>
    %ge3A = vector.broadcast %broadcast_in_dim3A_501 : vector<1664x1xf32> to vector<1664x104xf32>
    %ge3A_502 = arith.cmpf oge, %select_n3A_497, %ge3A : vector<1664x104xf32>
    %gt3A_503 = arith.constant -1.000000e+29 : f32
    %gt3A_504 = vector.broadcast %gt3A_503 : f32 to vector<1664x104xf32>
    %gt3A_505 = arith.cmpf ogt, %select_n3A_497, %gt3A_504 : vector<1664x104xf32>
    %and3A_506 = arith.andi %ge3A_502, %gt3A_505 : vector<1664x104xi1>
    %jit3A_507 = arith.constant 1.000000e+09 : f32
    %broadcast_in_dim3A_508 = vector.broadcast %jit3A_507 : f32 to vector<1664x104xf32>
    %select_n3A_509 = arith.select %and3A_506, %convert_element_type3A_491, %broadcast_in_dim3A_508 : vector<1664x104xi1>, vector<1664x104xf32>
    %reduce_min3A = arith.constant dense<0x7F800000> : vector<1664xf32>
    %reduce_min3A_510 = vector.multi_reduction <minimumf>, %select_n3A_509, %reduce_min3A [1] : vector<1664x104xf32> to vector<1664xf32>
    %broadcast_in_dim3A_511 = vector.shape_cast %reduce_min3A_510 : vector<1664xf32> to vector<1664x1xf32>
    %eq3A_512 = vector.broadcast %broadcast_in_dim3A_511 : vector<1664x1xf32> to vector<1664x104xf32>
    %eq3A_513 = arith.cmpf oeq, %convert_element_type3A_491, %eq3A_512 : vector<1664x104xf32>
    %convert_element_type3A_514 = arith.extui %eq3A_513 : vector<1664x104xi1> to vector<1664x104xi32>
    %convert_element_type3A_515 = arith.sitofp %convert_element_type3A_514 : vector<1664x104xi32> to vector<1664x104xf32>
    %add3A_516 = arith.addf %broadcast_in_dim3A_499, %convert_element_type3A_515 : vector<1664x104xf32>
    %jit3A_517 = arith.constant -1.000000e+30 : f32
    %broadcast_in_dim3A_518 = vector.broadcast %jit3A_517 : f32 to vector<1664x104xf32>
    %select_n3A_519 = arith.select %eq3A_513, %broadcast_in_dim3A_518, %select_n3A_497 : vector<1664x104xi1>, vector<1664x104xf32>
    %reduce_max3A_520 = arith.constant dense<0xFF800000> : vector<1664xf32>
    %reduce_max3A_521 = vector.multi_reduction <maximumf>, %select_n3A_519, %reduce_max3A_520 [1] : vector<1664x104xf32> to vector<1664xf32>
    %broadcast_in_dim3A_522 = vector.shape_cast %reduce_max3A_521 : vector<1664xf32> to vector<1664x1xf32>
    %ge3A_523 = vector.broadcast %broadcast_in_dim3A_522 : vector<1664x1xf32> to vector<1664x104xf32>
    %ge3A_524 = arith.cmpf oge, %select_n3A_519, %ge3A_523 : vector<1664x104xf32>
    %gt3A_525 = arith.constant -1.000000e+29 : f32
    %gt3A_526 = vector.broadcast %gt3A_525 : f32 to vector<1664x104xf32>
    %gt3A_527 = arith.cmpf ogt, %select_n3A_519, %gt3A_526 : vector<1664x104xf32>
    %and3A_528 = arith.andi %ge3A_524, %gt3A_527 : vector<1664x104xi1>
    %jit3A_529 = arith.constant 1.000000e+09 : f32
    %broadcast_in_dim3A_530 = vector.broadcast %jit3A_529 : f32 to vector<1664x104xf32>
    %select_n3A_531 = arith.select %and3A_528, %convert_element_type3A_491, %broadcast_in_dim3A_530 : vector<1664x104xi1>, vector<1664x104xf32>
    %reduce_min3A_532 = arith.constant dense<0x7F800000> : vector<1664xf32>
    %reduce_min3A_533 = vector.multi_reduction <minimumf>, %select_n3A_531, %reduce_min3A_532 [1] : vector<1664x104xf32> to vector<1664xf32>
    %broadcast_in_dim3A_534 = vector.shape_cast %reduce_min3A_533 : vector<1664xf32> to vector<1664x1xf32>
    %eq3A_535 = vector.broadcast %broadcast_in_dim3A_534 : vector<1664x1xf32> to vector<1664x104xf32>
    %eq3A_536 = arith.cmpf oeq, %convert_element_type3A_491, %eq3A_535 : vector<1664x104xf32>
    %convert_element_type3A_537 = arith.extui %eq3A_536 : vector<1664x104xi1> to vector<1664x104xi32>
    %convert_element_type3A_538 = arith.sitofp %convert_element_type3A_537 : vector<1664x104xi32> to vector<1664x104xf32>
    %add3A_539 = arith.addf %add3A_516, %convert_element_type3A_538 : vector<1664x104xf32>
    %jit3A_540 = arith.constant -1.000000e+30 : f32
    %broadcast_in_dim3A_541 = vector.broadcast %jit3A_540 : f32 to vector<1664x104xf32>
    %select_n3A_542 = arith.select %eq3A_536, %broadcast_in_dim3A_541, %select_n3A_519 : vector<1664x104xi1>, vector<1664x104xf32>
    %reduce_max3A_543 = arith.constant dense<0xFF800000> : vector<1664xf32>
    %reduce_max3A_544 = vector.multi_reduction <maximumf>, %select_n3A_542, %reduce_max3A_543 [1] : vector<1664x104xf32> to vector<1664xf32>
    %broadcast_in_dim3A_545 = vector.shape_cast %reduce_max3A_544 : vector<1664xf32> to vector<1664x1xf32>
    %ge3A_546 = vector.broadcast %broadcast_in_dim3A_545 : vector<1664x1xf32> to vector<1664x104xf32>
    %ge3A_547 = arith.cmpf oge, %select_n3A_542, %ge3A_546 : vector<1664x104xf32>
    %gt3A_548 = arith.constant -1.000000e+29 : f32
    %gt3A_549 = vector.broadcast %gt3A_548 : f32 to vector<1664x104xf32>
    %gt3A_550 = arith.cmpf ogt, %select_n3A_542, %gt3A_549 : vector<1664x104xf32>
    %and3A_551 = arith.andi %ge3A_547, %gt3A_550 : vector<1664x104xi1>
    %jit3A_552 = arith.constant 1.000000e+09 : f32
    %broadcast_in_dim3A_553 = vector.broadcast %jit3A_552 : f32 to vector<1664x104xf32>
    %select_n3A_554 = arith.select %and3A_551, %convert_element_type3A_491, %broadcast_in_dim3A_553 : vector<1664x104xi1>, vector<1664x104xf32>
    %reduce_min3A_555 = arith.constant dense<0x7F800000> : vector<1664xf32>
    %reduce_min3A_556 = vector.multi_reduction <minimumf>, %select_n3A_554, %reduce_min3A_555 [1] : vector<1664x104xf32> to vector<1664xf32>
    %broadcast_in_dim3A_557 = vector.shape_cast %reduce_min3A_556 : vector<1664xf32> to vector<1664x1xf32>
    %eq3A_558 = vector.broadcast %broadcast_in_dim3A_557 : vector<1664x1xf32> to vector<1664x104xf32>
    %eq3A_559 = arith.cmpf oeq, %convert_element_type3A_491, %eq3A_558 : vector<1664x104xf32>
    %convert_element_type3A_560 = arith.extui %eq3A_559 : vector<1664x104xi1> to vector<1664x104xi32>
    %convert_element_type3A_561 = arith.sitofp %convert_element_type3A_560 : vector<1664x104xi32> to vector<1664x104xf32>
    %add3A_562 = arith.addf %add3A_539, %convert_element_type3A_561 : vector<1664x104xf32>
    %jit3A_563 = arith.constant -1.000000e+30 : f32
    %broadcast_in_dim3A_564 = vector.broadcast %jit3A_563 : f32 to vector<1664x104xf32>
    %select_n3A_565 = arith.select %eq3A_559, %broadcast_in_dim3A_564, %select_n3A_542 : vector<1664x104xi1>, vector<1664x104xf32>
    %reduce_max3A_566 = arith.constant dense<0xFF800000> : vector<1664xf32>
    %reduce_max3A_567 = vector.multi_reduction <maximumf>, %select_n3A_565, %reduce_max3A_566 [1] : vector<1664x104xf32> to vector<1664xf32>
    %broadcast_in_dim3A_568 = vector.shape_cast %reduce_max3A_567 : vector<1664xf32> to vector<1664x1xf32>
    %ge3A_569 = vector.broadcast %broadcast_in_dim3A_568 : vector<1664x1xf32> to vector<1664x104xf32>
    %ge3A_570 = arith.cmpf oge, %select_n3A_565, %ge3A_569 : vector<1664x104xf32>
    %gt3A_571 = arith.constant -1.000000e+29 : f32
    %gt3A_572 = vector.broadcast %gt3A_571 : f32 to vector<1664x104xf32>
    %gt3A_573 = arith.cmpf ogt, %select_n3A_565, %gt3A_572 : vector<1664x104xf32>
    %and3A_574 = arith.andi %ge3A_570, %gt3A_573 : vector<1664x104xi1>
    %jit3A_575 = arith.constant 1.000000e+09 : f32
    %broadcast_in_dim3A_576 = vector.broadcast %jit3A_575 : f32 to vector<1664x104xf32>
    %select_n3A_577 = arith.select %and3A_574, %convert_element_type3A_491, %broadcast_in_dim3A_576 : vector<1664x104xi1>, vector<1664x104xf32>
    %reduce_min3A_578 = arith.constant dense<0x7F800000> : vector<1664xf32>
    %reduce_min3A_579 = vector.multi_reduction <minimumf>, %select_n3A_577, %reduce_min3A_578 [1] : vector<1664x104xf32> to vector<1664xf32>
    %broadcast_in_dim3A_580 = vector.shape_cast %reduce_min3A_579 : vector<1664xf32> to vector<1664x1xf32>
    %eq3A_581 = vector.broadcast %broadcast_in_dim3A_580 : vector<1664x1xf32> to vector<1664x104xf32>
    %eq3A_582 = arith.cmpf oeq, %convert_element_type3A_491, %eq3A_581 : vector<1664x104xf32>
    %convert_element_type3A_583 = arith.extui %eq3A_582 : vector<1664x104xi1> to vector<1664x104xi32>
    %convert_element_type3A_584 = arith.sitofp %convert_element_type3A_583 : vector<1664x104xi32> to vector<1664x104xf32>
    %add3A_585 = arith.addf %add3A_562, %convert_element_type3A_584 : vector<1664x104xf32>
    %jit3A_586 = arith.constant -1.000000e+30 : f32
    %broadcast_in_dim3A_587 = vector.broadcast %jit3A_586 : f32 to vector<1664x104xf32>
    %select_n3A_588 = arith.select %eq3A_582, %broadcast_in_dim3A_587, %select_n3A_565 : vector<1664x104xi1>, vector<1664x104xf32>
    %reduce_max3A_589 = arith.constant dense<0xFF800000> : vector<1664xf32>
    %reduce_max3A_590 = vector.multi_reduction <maximumf>, %select_n3A_588, %reduce_max3A_589 [1] : vector<1664x104xf32> to vector<1664xf32>
    %broadcast_in_dim3A_591 = vector.shape_cast %reduce_max3A_590 : vector<1664xf32> to vector<1664x1xf32>
    %ge3A_592 = vector.broadcast %broadcast_in_dim3A_591 : vector<1664x1xf32> to vector<1664x104xf32>
    %ge3A_593 = arith.cmpf oge, %select_n3A_588, %ge3A_592 : vector<1664x104xf32>
    %gt3A_594 = arith.constant -1.000000e+29 : f32
    %gt3A_595 = vector.broadcast %gt3A_594 : f32 to vector<1664x104xf32>
    %gt3A_596 = arith.cmpf ogt, %select_n3A_588, %gt3A_595 : vector<1664x104xf32>
    %and3A_597 = arith.andi %ge3A_593, %gt3A_596 : vector<1664x104xi1>
    %jit3A_598 = arith.constant 1.000000e+09 : f32
    %broadcast_in_dim3A_599 = vector.broadcast %jit3A_598 : f32 to vector<1664x104xf32>
    %select_n3A_600 = arith.select %and3A_597, %convert_element_type3A_491, %broadcast_in_dim3A_599 : vector<1664x104xi1>, vector<1664x104xf32>
    %reduce_min3A_601 = arith.constant dense<0x7F800000> : vector<1664xf32>
    %reduce_min3A_602 = vector.multi_reduction <minimumf>, %select_n3A_600, %reduce_min3A_601 [1] : vector<1664x104xf32> to vector<1664xf32>
    %broadcast_in_dim3A_603 = vector.shape_cast %reduce_min3A_602 : vector<1664xf32> to vector<1664x1xf32>
    %eq3A_604 = vector.broadcast %broadcast_in_dim3A_603 : vector<1664x1xf32> to vector<1664x104xf32>
    %eq3A_605 = arith.cmpf oeq, %convert_element_type3A_491, %eq3A_604 : vector<1664x104xf32>
    %convert_element_type3A_606 = arith.extui %eq3A_605 : vector<1664x104xi1> to vector<1664x104xi32>
    %convert_element_type3A_607 = arith.sitofp %convert_element_type3A_606 : vector<1664x104xi32> to vector<1664x104xf32>
    %add3A_608 = arith.addf %add3A_585, %convert_element_type3A_607 : vector<1664x104xf32>
    %jit3A_609 = arith.constant -1.000000e+30 : f32
    %broadcast_in_dim3A_610 = vector.broadcast %jit3A_609 : f32 to vector<1664x104xf32>
    %select_n3A_611 = arith.select %eq3A_605, %broadcast_in_dim3A_610, %select_n3A_588 : vector<1664x104xi1>, vector<1664x104xf32>
    %reduce_max3A_612 = arith.constant dense<0xFF800000> : vector<1664xf32>
    %reduce_max3A_613 = vector.multi_reduction <maximumf>, %select_n3A_611, %reduce_max3A_612 [1] : vector<1664x104xf32> to vector<1664xf32>
    %broadcast_in_dim3A_614 = vector.shape_cast %reduce_max3A_613 : vector<1664xf32> to vector<1664x1xf32>
    %ge3A_615 = vector.broadcast %broadcast_in_dim3A_614 : vector<1664x1xf32> to vector<1664x104xf32>
    %ge3A_616 = arith.cmpf oge, %select_n3A_611, %ge3A_615 : vector<1664x104xf32>
    %gt3A_617 = arith.constant -1.000000e+29 : f32
    %gt3A_618 = vector.broadcast %gt3A_617 : f32 to vector<1664x104xf32>
    %gt3A_619 = arith.cmpf ogt, %select_n3A_611, %gt3A_618 : vector<1664x104xf32>
    %and3A_620 = arith.andi %ge3A_616, %gt3A_619 : vector<1664x104xi1>
    %jit3A_621 = arith.constant 1.000000e+09 : f32
    %broadcast_in_dim3A_622 = vector.broadcast %jit3A_621 : f32 to vector<1664x104xf32>
    %select_n3A_623 = arith.select %and3A_620, %convert_element_type3A_491, %broadcast_in_dim3A_622 : vector<1664x104xi1>, vector<1664x104xf32>
    %reduce_min3A_624 = arith.constant dense<0x7F800000> : vector<1664xf32>
    %reduce_min3A_625 = vector.multi_reduction <minimumf>, %select_n3A_623, %reduce_min3A_624 [1] : vector<1664x104xf32> to vector<1664xf32>
    %broadcast_in_dim3A_626 = vector.shape_cast %reduce_min3A_625 : vector<1664xf32> to vector<1664x1xf32>
    %eq3A_627 = vector.broadcast %broadcast_in_dim3A_626 : vector<1664x1xf32> to vector<1664x104xf32>
    %eq3A_628 = arith.cmpf oeq, %convert_element_type3A_491, %eq3A_627 : vector<1664x104xf32>
    %convert_element_type3A_629 = arith.extui %eq3A_628 : vector<1664x104xi1> to vector<1664x104xi32>
    %convert_element_type3A_630 = arith.sitofp %convert_element_type3A_629 : vector<1664x104xi32> to vector<1664x104xf32>
    %add3A_631 = arith.addf %add3A_608, %convert_element_type3A_630 : vector<1664x104xf32>
    %jit3A_632 = arith.constant -1.000000e+30 : f32
    %broadcast_in_dim3A_633 = vector.broadcast %jit3A_632 : f32 to vector<1664x104xf32>
    %select_n3A_634 = arith.select %eq3A_628, %broadcast_in_dim3A_633, %select_n3A_611 : vector<1664x104xi1>, vector<1664x104xf32>
    %reduce_max3A_635 = arith.constant dense<0xFF800000> : vector<1664xf32>
    %reduce_max3A_636 = vector.multi_reduction <maximumf>, %select_n3A_634, %reduce_max3A_635 [1] : vector<1664x104xf32> to vector<1664xf32>
    %broadcast_in_dim3A_637 = vector.shape_cast %reduce_max3A_636 : vector<1664xf32> to vector<1664x1xf32>
    %ge3A_638 = vector.broadcast %broadcast_in_dim3A_637 : vector<1664x1xf32> to vector<1664x104xf32>
    %ge3A_639 = arith.cmpf oge, %select_n3A_634, %ge3A_638 : vector<1664x104xf32>
    %gt3A_640 = arith.constant -1.000000e+29 : f32
    %gt3A_641 = vector.broadcast %gt3A_640 : f32 to vector<1664x104xf32>
    %gt3A_642 = arith.cmpf ogt, %select_n3A_634, %gt3A_641 : vector<1664x104xf32>
    %and3A_643 = arith.andi %ge3A_639, %gt3A_642 : vector<1664x104xi1>
    %jit3A_644 = arith.constant 1.000000e+09 : f32
    %broadcast_in_dim3A_645 = vector.broadcast %jit3A_644 : f32 to vector<1664x104xf32>
    %select_n3A_646 = arith.select %and3A_643, %convert_element_type3A_491, %broadcast_in_dim3A_645 : vector<1664x104xi1>, vector<1664x104xf32>
    %reduce_min3A_647 = arith.constant dense<0x7F800000> : vector<1664xf32>
    %reduce_min3A_648 = vector.multi_reduction <minimumf>, %select_n3A_646, %reduce_min3A_647 [1] : vector<1664x104xf32> to vector<1664xf32>
    %broadcast_in_dim3A_649 = vector.shape_cast %reduce_min3A_648 : vector<1664xf32> to vector<1664x1xf32>
    %eq3A_650 = vector.broadcast %broadcast_in_dim3A_649 : vector<1664x1xf32> to vector<1664x104xf32>
    %eq3A_651 = arith.cmpf oeq, %convert_element_type3A_491, %eq3A_650 : vector<1664x104xf32>
    %convert_element_type3A_652 = arith.extui %eq3A_651 : vector<1664x104xi1> to vector<1664x104xi32>
    %convert_element_type3A_653 = arith.sitofp %convert_element_type3A_652 : vector<1664x104xi32> to vector<1664x104xf32>
    %add3A_654 = arith.addf %add3A_631, %convert_element_type3A_653 : vector<1664x104xf32>
    %jit3A_655 = arith.constant -1.000000e+30 : f32
    %broadcast_in_dim3A_656 = vector.broadcast %jit3A_655 : f32 to vector<1664x104xf32>
    %select_n3A_657 = arith.select %eq3A_651, %broadcast_in_dim3A_656, %select_n3A_634 : vector<1664x104xi1>, vector<1664x104xf32>
    %reduce_max3A_658 = arith.constant dense<0xFF800000> : vector<1664xf32>
    %reduce_max3A_659 = vector.multi_reduction <maximumf>, %select_n3A_657, %reduce_max3A_658 [1] : vector<1664x104xf32> to vector<1664xf32>
    %broadcast_in_dim3A_660 = vector.shape_cast %reduce_max3A_659 : vector<1664xf32> to vector<1664x1xf32>
    %ge3A_661 = vector.broadcast %broadcast_in_dim3A_660 : vector<1664x1xf32> to vector<1664x104xf32>
    %ge3A_662 = arith.cmpf oge, %select_n3A_657, %ge3A_661 : vector<1664x104xf32>
    %gt3A_663 = arith.constant -1.000000e+29 : f32
    %gt3A_664 = vector.broadcast %gt3A_663 : f32 to vector<1664x104xf32>
    %gt3A_665 = arith.cmpf ogt, %select_n3A_657, %gt3A_664 : vector<1664x104xf32>
    %and3A_666 = arith.andi %ge3A_662, %gt3A_665 : vector<1664x104xi1>
    %jit3A_667 = arith.constant 1.000000e+09 : f32
    %broadcast_in_dim3A_668 = vector.broadcast %jit3A_667 : f32 to vector<1664x104xf32>
    %select_n3A_669 = arith.select %and3A_666, %convert_element_type3A_491, %broadcast_in_dim3A_668 : vector<1664x104xi1>, vector<1664x104xf32>
    %reduce_min3A_670 = arith.constant dense<0x7F800000> : vector<1664xf32>
    %reduce_min3A_671 = vector.multi_reduction <minimumf>, %select_n3A_669, %reduce_min3A_670 [1] : vector<1664x104xf32> to vector<1664xf32>
    %broadcast_in_dim3A_672 = vector.shape_cast %reduce_min3A_671 : vector<1664xf32> to vector<1664x1xf32>
    %eq3A_673 = vector.broadcast %broadcast_in_dim3A_672 : vector<1664x1xf32> to vector<1664x104xf32>
    %eq3A_674 = arith.cmpf oeq, %convert_element_type3A_491, %eq3A_673 : vector<1664x104xf32>
    %convert_element_type3A_675 = arith.extui %eq3A_674 : vector<1664x104xi1> to vector<1664x104xi32>
    %convert_element_type3A_676 = arith.sitofp %convert_element_type3A_675 : vector<1664x104xi32> to vector<1664x104xf32>
    %add3A_677 = arith.addf %add3A_654, %convert_element_type3A_676 : vector<1664x104xf32>
    %jit3A_678 = arith.constant -1.000000e+30 : f32
    %broadcast_in_dim3A_679 = vector.broadcast %jit3A_678 : f32 to vector<1664x104xf32>
    %select_n3A_680 = arith.select %eq3A_674, %broadcast_in_dim3A_679, %select_n3A_657 : vector<1664x104xi1>, vector<1664x104xf32>
    %reduce_max3A_681 = arith.constant dense<0xFF800000> : vector<1664xf32>
    %reduce_max3A_682 = vector.multi_reduction <maximumf>, %select_n3A_680, %reduce_max3A_681 [1] : vector<1664x104xf32> to vector<1664xf32>
    %broadcast_in_dim3A_683 = vector.shape_cast %reduce_max3A_682 : vector<1664xf32> to vector<1664x1xf32>
    %ge3A_684 = vector.broadcast %broadcast_in_dim3A_683 : vector<1664x1xf32> to vector<1664x104xf32>
    %ge3A_685 = arith.cmpf oge, %select_n3A_680, %ge3A_684 : vector<1664x104xf32>
    %gt3A_686 = arith.constant -1.000000e+29 : f32
    %gt3A_687 = vector.broadcast %gt3A_686 : f32 to vector<1664x104xf32>
    %gt3A_688 = arith.cmpf ogt, %select_n3A_680, %gt3A_687 : vector<1664x104xf32>
    %and3A_689 = arith.andi %ge3A_685, %gt3A_688 : vector<1664x104xi1>
    %jit3A_690 = arith.constant 1.000000e+09 : f32
    %broadcast_in_dim3A_691 = vector.broadcast %jit3A_690 : f32 to vector<1664x104xf32>
    %select_n3A_692 = arith.select %and3A_689, %convert_element_type3A_491, %broadcast_in_dim3A_691 : vector<1664x104xi1>, vector<1664x104xf32>
    %reduce_min3A_693 = arith.constant dense<0x7F800000> : vector<1664xf32>
    %reduce_min3A_694 = vector.multi_reduction <minimumf>, %select_n3A_692, %reduce_min3A_693 [1] : vector<1664x104xf32> to vector<1664xf32>
    %broadcast_in_dim3A_695 = vector.shape_cast %reduce_min3A_694 : vector<1664xf32> to vector<1664x1xf32>
    %eq3A_696 = vector.broadcast %broadcast_in_dim3A_695 : vector<1664x1xf32> to vector<1664x104xf32>
    %eq3A_697 = arith.cmpf oeq, %convert_element_type3A_491, %eq3A_696 : vector<1664x104xf32>
    %convert_element_type3A_698 = arith.extui %eq3A_697 : vector<1664x104xi1> to vector<1664x104xi32>
    %convert_element_type3A_699 = arith.sitofp %convert_element_type3A_698 : vector<1664x104xi32> to vector<1664x104xf32>
    %add3A_700 = arith.addf %add3A_677, %convert_element_type3A_699 : vector<1664x104xf32>
    %jit3A_701 = arith.constant -1.000000e+30 : f32
    %broadcast_in_dim3A_702 = vector.broadcast %jit3A_701 : f32 to vector<1664x104xf32>
    %select_n3A_703 = arith.select %eq3A_697, %broadcast_in_dim3A_702, %select_n3A_680 : vector<1664x104xi1>, vector<1664x104xf32>
    %reduce_max3A_704 = arith.constant dense<0xFF800000> : vector<1664xf32>
    %reduce_max3A_705 = vector.multi_reduction <maximumf>, %select_n3A_703, %reduce_max3A_704 [1] : vector<1664x104xf32> to vector<1664xf32>
    %broadcast_in_dim3A_706 = vector.shape_cast %reduce_max3A_705 : vector<1664xf32> to vector<1664x1xf32>
    %ge3A_707 = vector.broadcast %broadcast_in_dim3A_706 : vector<1664x1xf32> to vector<1664x104xf32>
    %ge3A_708 = arith.cmpf oge, %select_n3A_703, %ge3A_707 : vector<1664x104xf32>
    %gt3A_709 = arith.constant -1.000000e+29 : f32
    %gt3A_710 = vector.broadcast %gt3A_709 : f32 to vector<1664x104xf32>
    %gt3A_711 = arith.cmpf ogt, %select_n3A_703, %gt3A_710 : vector<1664x104xf32>
    %and3A_712 = arith.andi %ge3A_708, %gt3A_711 : vector<1664x104xi1>
    %jit3A_713 = arith.constant 1.000000e+09 : f32
    %broadcast_in_dim3A_714 = vector.broadcast %jit3A_713 : f32 to vector<1664x104xf32>
    %select_n3A_715 = arith.select %and3A_712, %convert_element_type3A_491, %broadcast_in_dim3A_714 : vector<1664x104xi1>, vector<1664x104xf32>
    %reduce_min3A_716 = arith.constant dense<0x7F800000> : vector<1664xf32>
    %reduce_min3A_717 = vector.multi_reduction <minimumf>, %select_n3A_715, %reduce_min3A_716 [1] : vector<1664x104xf32> to vector<1664xf32>
    %broadcast_in_dim3A_718 = vector.shape_cast %reduce_min3A_717 : vector<1664xf32> to vector<1664x1xf32>
    %eq3A_719 = vector.broadcast %broadcast_in_dim3A_718 : vector<1664x1xf32> to vector<1664x104xf32>
    %eq3A_720 = arith.cmpf oeq, %convert_element_type3A_491, %eq3A_719 : vector<1664x104xf32>
    %convert_element_type3A_721 = arith.extui %eq3A_720 : vector<1664x104xi1> to vector<1664x104xi32>
    %convert_element_type3A_722 = arith.sitofp %convert_element_type3A_721 : vector<1664x104xi32> to vector<1664x104xf32>
    %add3A_723 = arith.addf %add3A_700, %convert_element_type3A_722 : vector<1664x104xf32>
    %le3A_724 = arith.constant 11 : i32
    %le3A_725 = vector.broadcast %le3A_724 : i32 to vector<1664x1xi32>
    %le3A_726 = arith.cmpi sle, %reshape3A_65, %le3A_725 : vector<1664x1xi32>
    %convert_element_type3A_727 = arith.extui %le3A_494 : vector<1664x104xi1> to vector<1664x104xi32>
    %convert_element_type3A_728 = arith.sitofp %convert_element_type3A_727 : vector<1664x104xi32> to vector<1664x104xf32>
    %broadcast_in_dim3A_729 = vector.shape_cast %le3A_726 : vector<1664x1xi1> to vector<1664x1xi1>
    %broadcast_in_dim3A_730 = vector.broadcast %broadcast_in_dim3A_729 : vector<1664x1xi1> to vector<1664x104xi1>
    %select_n3A_731 = arith.select %broadcast_in_dim3A_730, %convert_element_type3A_728, %add3A_723 : vector<1664x104xi1>, vector<1664x104xf32>
    %broadcast_in_dim3A_732 = arith.constant 1.000000e+00 : f32
    %broadcast_in_dim3A_733 = vector.broadcast %broadcast_in_dim3A_732 : f32 to vector<104x1xf32>
    %mul3A_734 = arith.mulf %select_n3A_731, %dot_general3A_489 : vector<1664x104xf32>
    %dot_general3A_735 = arith.constant dense<0.000000e+00> : vector<1664x1xf32>
    %dot_general3A_736 = tpu.matmul %mul3A_734, %broadcast_in_dim3A_733, %dot_general3A_735 {dimension_numbers = #tpu.dot_dimension_numbers<[1], [0], [0], [1], [0, 0, 1, 1], [], []>, transpose_lhs_hint = false} : vector<1664x104xf32>, vector<104x1xf32>, vector<1664x1xf32> -> vector<1664x1xf32>
    %exp3A_737 = math.exp %dot_general3A_155 : vector<1664x1xf32>
    %broadcast_in_dim3A_738 = arith.constant 0.000000e+00 : f32
    %broadcast_in_dim3A_739 = vector.broadcast %broadcast_in_dim3A_738 : f32 to vector<1664x1xf32>
    %broadcast_in_dim3A_740 = arith.constant 0.000000e+00 : f32
    %broadcast_in_dim3A_741 = vector.broadcast %broadcast_in_dim3A_740 : f32 to vector<1664x1xf32>
    %exp3A_742 = math.exp %dot_general3A_130 : vector<1664x1xf32>
    %add3A_743 = arith.addf %broadcast_in_dim3A_741, %exp3A_742 : vector<1664x1xf32>
    %logistic3A_744 = arith.negf %concatenate3A_397 : vector<1664x104xf32>
    %logistic3A_745 = math.exp %logistic3A_744 : vector<1664x104xf32>
    %logistic3A_746 = arith.constant 1.000000e+00 : f32
    %logistic3A_747 = vector.broadcast %logistic3A_746 : f32 to vector<1664x104xf32>
    %logistic3A_748 = arith.addf %logistic3A_747, %logistic3A_745 : vector<1664x104xf32>
    %logistic3A_749 = arith.divf %logistic3A_747, %logistic3A_748 : vector<1664x104xf32>
    %mul3A_750 = arith.mulf %mul3A_734, %logistic3A_749 : vector<1664x104xf32>
    %dot_general3A_751 = arith.constant dense<0.000000e+00> : vector<1664x1xf32>
    %dot_general3A_752 = tpu.matmul %mul3A_750, %broadcast_in_dim3A_733, %dot_general3A_751 {dimension_numbers = #tpu.dot_dimension_numbers<[1], [0], [0], [1], [0, 0, 1, 1], [], []>, transpose_lhs_hint = false} : vector<1664x104xf32>, vector<104x1xf32>, vector<1664x1xf32> -> vector<1664x1xf32>
    %logistic3A_753 = arith.negf %dot_general3A_141 : vector<1664x1xf32>
    %logistic3A_754 = math.exp %logistic3A_753 : vector<1664x1xf32>
    %logistic3A_755 = arith.constant 1.000000e+00 : f32
    %logistic3A_756 = vector.broadcast %logistic3A_755 : f32 to vector<1664x1xf32>
    %logistic3A_757 = arith.addf %logistic3A_756, %logistic3A_754 : vector<1664x1xf32>
    %logistic3A_758 = arith.divf %logistic3A_756, %logistic3A_757 : vector<1664x1xf32>
    %mul3A_759 = arith.mulf %exp3A_737, %logistic3A_758 : vector<1664x1xf32>
    %add3A_760 = arith.addf %mul3A_759, %dot_general3A_752 : vector<1664x1xf32>
    %mul3A_761 = arith.mulf %exp3A_742, %add3A_760 : vector<1664x1xf32>
    %add3A_762 = arith.addf %broadcast_in_dim3A_739, %mul3A_761 : vector<1664x1xf32>
    %exp3A_763 = math.exp %dot_general3A_132 : vector<1664x1xf32>
    %add3A_764 = arith.addf %add3A_743, %exp3A_763 : vector<1664x1xf32>
    %logistic3A_765 = arith.negf %concatenate3A_414 : vector<1664x104xf32>
    %logistic3A_766 = math.exp %logistic3A_765 : vector<1664x104xf32>
    %logistic3A_767 = arith.constant 1.000000e+00 : f32
    %logistic3A_768 = vector.broadcast %logistic3A_767 : f32 to vector<1664x104xf32>
    %logistic3A_769 = arith.addf %logistic3A_768, %logistic3A_766 : vector<1664x104xf32>
    %logistic3A_770 = arith.divf %logistic3A_768, %logistic3A_769 : vector<1664x104xf32>
    %mul3A_771 = arith.mulf %mul3A_734, %logistic3A_770 : vector<1664x104xf32>
    %dot_general3A_772 = arith.constant dense<0.000000e+00> : vector<1664x1xf32>
    %dot_general3A_773 = tpu.matmul %mul3A_771, %broadcast_in_dim3A_733, %dot_general3A_772 {dimension_numbers = #tpu.dot_dimension_numbers<[1], [0], [0], [1], [0, 0, 1, 1], [], []>, transpose_lhs_hint = false} : vector<1664x104xf32>, vector<104x1xf32>, vector<1664x1xf32> -> vector<1664x1xf32>
    %logistic3A_774 = arith.negf %dot_general3A_144 : vector<1664x1xf32>
    %logistic3A_775 = math.exp %logistic3A_774 : vector<1664x1xf32>
    %logistic3A_776 = arith.constant 1.000000e+00 : f32
    %logistic3A_777 = vector.broadcast %logistic3A_776 : f32 to vector<1664x1xf32>
    %logistic3A_778 = arith.addf %logistic3A_777, %logistic3A_775 : vector<1664x1xf32>
    %logistic3A_779 = arith.divf %logistic3A_777, %logistic3A_778 : vector<1664x1xf32>
    %mul3A_780 = arith.mulf %exp3A_737, %logistic3A_779 : vector<1664x1xf32>
    %add3A_781 = arith.addf %mul3A_780, %dot_general3A_773 : vector<1664x1xf32>
    %mul3A_782 = arith.mulf %exp3A_763, %add3A_781 : vector<1664x1xf32>
    %add3A_783 = arith.addf %add3A_762, %mul3A_782 : vector<1664x1xf32>
    %exp3A_784 = math.exp %dot_general3A_134 : vector<1664x1xf32>
    %add3A_785 = arith.addf %add3A_764, %exp3A_784 : vector<1664x1xf32>
    %logistic3A_786 = arith.negf %concatenate3A_431 : vector<1664x104xf32>
    %logistic3A_787 = math.exp %logistic3A_786 : vector<1664x104xf32>
    %logistic3A_788 = arith.constant 1.000000e+00 : f32
    %logistic3A_789 = vector.broadcast %logistic3A_788 : f32 to vector<1664x104xf32>
    %logistic3A_790 = arith.addf %logistic3A_789, %logistic3A_787 : vector<1664x104xf32>
    %logistic3A_791 = arith.divf %logistic3A_789, %logistic3A_790 : vector<1664x104xf32>
    %mul3A_792 = arith.mulf %mul3A_734, %logistic3A_791 : vector<1664x104xf32>
    %dot_general3A_793 = arith.constant dense<0.000000e+00> : vector<1664x1xf32>
    %dot_general3A_794 = tpu.matmul %mul3A_792, %broadcast_in_dim3A_733, %dot_general3A_793 {dimension_numbers = #tpu.dot_dimension_numbers<[1], [0], [0], [1], [0, 0, 1, 1], [], []>, transpose_lhs_hint = false} : vector<1664x104xf32>, vector<104x1xf32>, vector<1664x1xf32> -> vector<1664x1xf32>
    %logistic3A_795 = arith.negf %dot_general3A_147 : vector<1664x1xf32>
    %logistic3A_796 = math.exp %logistic3A_795 : vector<1664x1xf32>
    %logistic3A_797 = arith.constant 1.000000e+00 : f32
    %logistic3A_798 = vector.broadcast %logistic3A_797 : f32 to vector<1664x1xf32>
    %logistic3A_799 = arith.addf %logistic3A_798, %logistic3A_796 : vector<1664x1xf32>
    %logistic3A_800 = arith.divf %logistic3A_798, %logistic3A_799 : vector<1664x1xf32>
    %mul3A_801 = arith.mulf %exp3A_737, %logistic3A_800 : vector<1664x1xf32>
    %add3A_802 = arith.addf %mul3A_801, %dot_general3A_794 : vector<1664x1xf32>
    %mul3A_803 = arith.mulf %exp3A_784, %add3A_802 : vector<1664x1xf32>
    %add3A_804 = arith.addf %add3A_783, %mul3A_803 : vector<1664x1xf32>
    %exp3A_805 = math.exp %dot_general3A_136 : vector<1664x1xf32>
    %add3A_806 = arith.addf %add3A_785, %exp3A_805 : vector<1664x1xf32>
    %logistic3A_807 = arith.negf %concatenate3A_448 : vector<1664x104xf32>
    %logistic3A_808 = math.exp %logistic3A_807 : vector<1664x104xf32>
    %logistic3A_809 = arith.constant 1.000000e+00 : f32
    %logistic3A_810 = vector.broadcast %logistic3A_809 : f32 to vector<1664x104xf32>
    %logistic3A_811 = arith.addf %logistic3A_810, %logistic3A_808 : vector<1664x104xf32>
    %logistic3A_812 = arith.divf %logistic3A_810, %logistic3A_811 : vector<1664x104xf32>
    %mul3A_813 = arith.mulf %mul3A_734, %logistic3A_812 : vector<1664x104xf32>
    %dot_general3A_814 = arith.constant dense<0.000000e+00> : vector<1664x1xf32>
    %dot_general3A_815 = tpu.matmul %mul3A_813, %broadcast_in_dim3A_733, %dot_general3A_814 {dimension_numbers = #tpu.dot_dimension_numbers<[1], [0], [0], [1], [0, 0, 1, 1], [], []>, transpose_lhs_hint = false} : vector<1664x104xf32>, vector<104x1xf32>, vector<1664x1xf32> -> vector<1664x1xf32>
    %logistic3A_816 = arith.negf %dot_general3A_150 : vector<1664x1xf32>
    %logistic3A_817 = math.exp %logistic3A_816 : vector<1664x1xf32>
    %logistic3A_818 = arith.constant 1.000000e+00 : f32
    %logistic3A_819 = vector.broadcast %logistic3A_818 : f32 to vector<1664x1xf32>
    %logistic3A_820 = arith.addf %logistic3A_819, %logistic3A_817 : vector<1664x1xf32>
    %logistic3A_821 = arith.divf %logistic3A_819, %logistic3A_820 : vector<1664x1xf32>
    %mul3A_822 = arith.mulf %exp3A_737, %logistic3A_821 : vector<1664x1xf32>
    %add3A_823 = arith.addf %mul3A_822, %dot_general3A_815 : vector<1664x1xf32>
    %mul3A_824 = arith.mulf %exp3A_805, %add3A_823 : vector<1664x1xf32>
    %add3A_825 = arith.addf %add3A_804, %mul3A_824 : vector<1664x1xf32>
    %exp3A_826 = math.exp %dot_general3A_138 : vector<1664x1xf32>
    %add3A_827 = arith.addf %add3A_806, %exp3A_826 : vector<1664x1xf32>
    %logistic3A_828 = arith.negf %concatenate3A_465 : vector<1664x104xf32>
    %logistic3A_829 = math.exp %logistic3A_828 : vector<1664x104xf32>
    %logistic3A_830 = arith.constant 1.000000e+00 : f32
    %logistic3A_831 = vector.broadcast %logistic3A_830 : f32 to vector<1664x104xf32>
    %logistic3A_832 = arith.addf %logistic3A_831, %logistic3A_829 : vector<1664x104xf32>
    %logistic3A_833 = arith.divf %logistic3A_831, %logistic3A_832 : vector<1664x104xf32>
    %mul3A_834 = arith.mulf %mul3A_734, %logistic3A_833 : vector<1664x104xf32>
    %dot_general3A_835 = arith.constant dense<0.000000e+00> : vector<1664x1xf32>
    %dot_general3A_836 = tpu.matmul %mul3A_834, %broadcast_in_dim3A_733, %dot_general3A_835 {dimension_numbers = #tpu.dot_dimension_numbers<[1], [0], [0], [1], [0, 0, 1, 1], [], []>, transpose_lhs_hint = false} : vector<1664x104xf32>, vector<104x1xf32>, vector<1664x1xf32> -> vector<1664x1xf32>
    %logistic3A_837 = arith.negf %dot_general3A_153 : vector<1664x1xf32>
    %logistic3A_838 = math.exp %logistic3A_837 : vector<1664x1xf32>
    %logistic3A_839 = arith.constant 1.000000e+00 : f32
    %logistic3A_840 = vector.broadcast %logistic3A_839 : f32 to vector<1664x1xf32>
    %logistic3A_841 = arith.addf %logistic3A_840, %logistic3A_838 : vector<1664x1xf32>
    %logistic3A_842 = arith.divf %logistic3A_840, %logistic3A_841 : vector<1664x1xf32>
    %mul3A_843 = arith.mulf %exp3A_737, %logistic3A_842 : vector<1664x1xf32>
    %add3A_844 = arith.addf %mul3A_843, %dot_general3A_836 : vector<1664x1xf32>
    %mul3A_845 = arith.mulf %exp3A_826, %add3A_844 : vector<1664x1xf32>
    %add3A_846 = arith.addf %add3A_825, %mul3A_845 : vector<1664x1xf32>
    %add3A_847 = arith.addf %exp3A_737, %dot_general3A_736 : vector<1664x1xf32>
    %mul3A_848 = arith.mulf %add3A_827, %add3A_847 : vector<1664x1xf32>
    %div3A = arith.divf %add3A_846, %mul3A_848 : vector<1664x1xf32>
    %eq3A_849 = arith.constant 0 : i32
    %eq3A_850 = vector.broadcast %eq3A_849 : i32 to vector<1664x1xi32>
    %eq3A_851 = arith.cmpi eq, %reshape3A_65, %eq3A_850 : vector<1664x1xi32>
    %jit3A_852 = arith.constant 5.000000e-01 : f32
    %broadcast_in_dim3A_853 = vector.broadcast %jit3A_852 : f32 to vector<1664x1xf32>
    %select_n3A_854 = arith.select %eq3A_851, %broadcast_in_dim3A_853, %div3A : vector<1664x1xi1>, vector<1664x1xf32>
    %reshape3A_855 = vector.shape_cast %select_n3A_854 : vector<1664x1xf32> to vector<16x104x1xf32>
    %swap3A = arith.constant 0 : index
    %swap3A_856 = arith.constant 0 : index
    %swap3A_857 = arith.constant 0 : index
    %swap3A_858 = vector.load %arg11[%swap3A, %swap3A_856, %swap3A_857] : memref<16x104x1xf32, #tpu.memory_space<vmem>>, vector<16x104x1xf32>
    tpu.vector_store %arg11[%swap3A, %swap3A_856, %swap3A_857], %reshape3A_855 {strides = array<i32>} : memref<16x104x1xf32, #tpu.memory_space<vmem>>, vector<16x104x1xf32>,
    %slice3A_859 = vector.extract_strided_slice %mul3A_64 {offsets = [98, 0], sizes = [1, 128], strides = [1, 1]} : vector<1664x128xf32> to vector<1x128xf32>
    %swap3A_860 = arith.constant 0 : index
    %swap3A_861 = arith.constant 0 : index
    %swap3A_862 = arith.constant 0 : index
    %swap3A_863 = vector.load %arg12[%swap3A_860, %swap3A_861, %swap3A_862] : memref<16x1x128xf32, #tpu.memory_space<vmem>>, vector<1x1x128xf32>
    %swap3A_864 = vector.shape_cast %swap3A_863 : vector<1x1x128xf32> to vector<1x128xf32>
    %swap3A_865 = vector.shape_cast %slice3A_859 : vector<1x128xf32> to vector<1x1x128xf32>
    tpu.vector_store %arg12[%swap3A_860, %swap3A_861, %swap3A_862], %swap3A_865 {strides = array<i32>} : memref<16x1x128xf32, #tpu.memory_space<vmem>>, vector<1x1x128xf32>,
    %slice3A_866 = vector.extract_strided_slice %mul3A_64 {offsets = [202, 0], sizes = [1, 128], strides = [1, 1]} : vector<1664x128xf32> to vector<1x128xf32>
    %swap3A_867 = arith.constant 1 : index
    %swap3A_868 = arith.constant 0 : index
    %swap3A_869 = arith.constant 0 : index
    %swap3A_870 = vector.load %arg12[%swap3A_867, %swap3A_868, %swap3A_869] : memref<16x1x128xf32, #tpu.memory_space<vmem>>, vector<1x1x128xf32>
    %swap3A_871 = vector.shape_cast %swap3A_870 : vector<1x1x128xf32> to vector<1x128xf32>
    %swap3A_872 = vector.shape_cast %slice3A_866 : vector<1x128xf32> to vector<1x1x128xf32>
    tpu.vector_store %arg12[%swap3A_867, %swap3A_868, %swap3A_869], %swap3A_872 {strides = array<i32>} : memref<16x1x128xf32, #tpu.memory_space<vmem>>, vector<1x1x128xf32>,
    %slice3A_873 = vector.extract_strided_slice %mul3A_64 {offsets = [306, 0], sizes = [1, 128], strides = [1, 1]} : vector<1664x128xf32> to vector<1x128xf32>
    %swap3A_874 = arith.constant 2 : index
    %swap3A_875 = arith.constant 0 : index
    %swap3A_876 = arith.constant 0 : index
    %swap3A_877 = vector.load %arg12[%swap3A_874, %swap3A_875, %swap3A_876] : memref<16x1x128xf32, #tpu.memory_space<vmem>>, vector<1x1x128xf32>
    %swap3A_878 = vector.shape_cast %swap3A_877 : vector<1x1x128xf32> to vector<1x128xf32>
    %swap3A_879 = vector.shape_cast %slice3A_873 : vector<1x128xf32> to vector<1x1x128xf32>
    tpu.vector_store %arg12[%swap3A_874, %swap3A_875, %swap3A_876], %swap3A_879 {strides = array<i32>} : memref<16x1x128xf32, #tpu.memory_space<vmem>>, vector<1x1x128xf32>,
    %slice3A_880 = vector.extract_strided_slice %mul3A_64 {offsets = [410, 0], sizes = [1, 128], strides = [1, 1]} : vector<1664x128xf32> to vector<1x128xf32>
    %swap3A_881 = arith.constant 3 : index
    %swap3A_882 = arith.constant 0 : index
    %swap3A_883 = arith.constant 0 : index
    %swap3A_884 = vector.load %arg12[%swap3A_881, %swap3A_882, %swap3A_883] : memref<16x1x128xf32, #tpu.memory_space<vmem>>, vector<1x1x128xf32>
    %swap3A_885 = vector.shape_cast %swap3A_884 : vector<1x1x128xf32> to vector<1x128xf32>
    %swap3A_886 = vector.shape_cast %slice3A_880 : vector<1x128xf32> to vector<1x1x128xf32>
    tpu.vector_store %arg12[%swap3A_881, %swap3A_882, %swap3A_883], %swap3A_886 {strides = array<i32>} : memref<16x1x128xf32, #tpu.memory_space<vmem>>, vector<1x1x128xf32>,
    %slice3A_887 = vector.extract_strided_slice %mul3A_64 {offsets = [514, 0], sizes = [1, 128], strides = [1, 1]} : vector<1664x128xf32> to vector<1x128xf32>
    %swap3A_888 = arith.constant 4 : index
    %swap3A_889 = arith.constant 0 : index
    %swap3A_890 = arith.constant 0 : index
    %swap3A_891 = vector.load %arg12[%swap3A_888, %swap3A_889, %swap3A_890] : memref<16x1x128xf32, #tpu.memory_space<vmem>>, vector<1x1x128xf32>
    %swap3A_892 = vector.shape_cast %swap3A_891 : vector<1x1x128xf32> to vector<1x128xf32>
    %swap3A_893 = vector.shape_cast %slice3A_887 : vector<1x128xf32> to vector<1x1x128xf32>
    tpu.vector_store %arg12[%swap3A_888, %swap3A_889, %swap3A_890], %swap3A_893 {strides = array<i32>} : memref<16x1x128xf32, #tpu.memory_space<vmem>>, vector<1x1x128xf32>,
    %slice3A_894 = vector.extract_strided_slice %mul3A_64 {offsets = [618, 0], sizes = [1, 128], strides = [1, 1]} : vector<1664x128xf32> to vector<1x128xf32>
    %swap3A_895 = arith.constant 5 : index
    %swap3A_896 = arith.constant 0 : index
    %swap3A_897 = arith.constant 0 : index
    %swap3A_898 = vector.load %arg12[%swap3A_895, %swap3A_896, %swap3A_897] : memref<16x1x128xf32, #tpu.memory_space<vmem>>, vector<1x1x128xf32>
    %swap3A_899 = vector.shape_cast %swap3A_898 : vector<1x1x128xf32> to vector<1x128xf32>
    %swap3A_900 = vector.shape_cast %slice3A_894 : vector<1x128xf32> to vector<1x1x128xf32>
    tpu.vector_store %arg12[%swap3A_895, %swap3A_896, %swap3A_897], %swap3A_900 {strides = array<i32>} : memref<16x1x128xf32, #tpu.memory_space<vmem>>, vector<1x1x128xf32>,
    %slice3A_901 = vector.extract_strided_slice %mul3A_64 {offsets = [722, 0], sizes = [1, 128], strides = [1, 1]} : vector<1664x128xf32> to vector<1x128xf32>
    %swap3A_902 = arith.constant 6 : index
    %swap3A_903 = arith.constant 0 : index
    %swap3A_904 = arith.constant 0 : index
    %swap3A_905 = vector.load %arg12[%swap3A_902, %swap3A_903, %swap3A_904] : memref<16x1x128xf32, #tpu.memory_space<vmem>>, vector<1x1x128xf32>
    %swap3A_906 = vector.shape_cast %swap3A_905 : vector<1x1x128xf32> to vector<1x128xf32>
    %swap3A_907 = vector.shape_cast %slice3A_901 : vector<1x128xf32> to vector<1x1x128xf32>
    tpu.vector_store %arg12[%swap3A_902, %swap3A_903, %swap3A_904], %swap3A_907 {strides = array<i32>} : memref<16x1x128xf32, #tpu.memory_space<vmem>>, vector<1x1x128xf32>,
    %slice3A_908 = vector.extract_strided_slice %mul3A_64 {offsets = [826, 0], sizes = [1, 128], strides = [1, 1]} : vector<1664x128xf32> to vector<1x128xf32>
    %swap3A_909 = arith.constant 7 : index
    %swap3A_910 = arith.constant 0 : index
    %swap3A_911 = arith.constant 0 : index
    %swap3A_912 = vector.load %arg12[%swap3A_909, %swap3A_910, %swap3A_911] : memref<16x1x128xf32, #tpu.memory_space<vmem>>, vector<1x1x128xf32>
    %swap3A_913 = vector.shape_cast %swap3A_912 : vector<1x1x128xf32> to vector<1x128xf32>
    %swap3A_914 = vector.shape_cast %slice3A_908 : vector<1x128xf32> to vector<1x1x128xf32>
    tpu.vector_store %arg12[%swap3A_909, %swap3A_910, %swap3A_911], %swap3A_914 {strides = array<i32>} : memref<16x1x128xf32, #tpu.memory_space<vmem>>, vector<1x1x128xf32>,
    %slice3A_915 = vector.extract_strided_slice %mul3A_64 {offsets = [930, 0], sizes = [1, 128], strides = [1, 1]} : vector<1664x128xf32> to vector<1x128xf32>
    %swap3A_916 = arith.constant 8 : index
    %swap3A_917 = arith.constant 0 : index
    %swap3A_918 = arith.constant 0 : index
    %swap3A_919 = vector.load %arg12[%swap3A_916, %swap3A_917, %swap3A_918] : memref<16x1x128xf32, #tpu.memory_space<vmem>>, vector<1x1x128xf32>
    %swap3A_920 = vector.shape_cast %swap3A_919 : vector<1x1x128xf32> to vector<1x128xf32>
    %swap3A_921 = vector.shape_cast %slice3A_915 : vector<1x128xf32> to vector<1x1x128xf32>
    tpu.vector_store %arg12[%swap3A_916, %swap3A_917, %swap3A_918], %swap3A_921 {strides = array<i32>} : memref<16x1x128xf32, #tpu.memory_space<vmem>>, vector<1x1x128xf32>,
    %slice3A_922 = vector.extract_strided_slice %mul3A_64 {offsets = [1034, 0], sizes = [1, 128], strides = [1, 1]} : vector<1664x128xf32> to vector<1x128xf32>
    %swap3A_923 = arith.constant 9 : index
    %swap3A_924 = arith.constant 0 : index
    %swap3A_925 = arith.constant 0 : index
    %swap3A_926 = vector.load %arg12[%swap3A_923, %swap3A_924, %swap3A_925] : memref<16x1x128xf32, #tpu.memory_space<vmem>>, vector<1x1x128xf32>
    %swap3A_927 = vector.shape_cast %swap3A_926 : vector<1x1x128xf32> to vector<1x128xf32>
    %swap3A_928 = vector.shape_cast %slice3A_922 : vector<1x128xf32> to vector<1x1x128xf32>
    tpu.vector_store %arg12[%swap3A_923, %swap3A_924, %swap3A_925], %swap3A_928 {strides = array<i32>} : memref<16x1x128xf32, #tpu.memory_space<vmem>>, vector<1x1x128xf32>,
    %slice3A_929 = vector.extract_strided_slice %mul3A_64 {offsets = [1138, 0], sizes = [1, 128], strides = [1, 1]} : vector<1664x128xf32> to vector<1x128xf32>
    %swap3A_930 = arith.constant 10 : index
    %swap3A_931 = arith.constant 0 : index
    %swap3A_932 = arith.constant 0 : index
    %swap3A_933 = vector.load %arg12[%swap3A_930, %swap3A_931, %swap3A_932] : memref<16x1x128xf32, #tpu.memory_space<vmem>>, vector<1x1x128xf32>
    %swap3A_934 = vector.shape_cast %swap3A_933 : vector<1x1x128xf32> to vector<1x128xf32>
    %swap3A_935 = vector.shape_cast %slice3A_929 : vector<1x128xf32> to vector<1x1x128xf32>
    tpu.vector_store %arg12[%swap3A_930, %swap3A_931, %swap3A_932], %swap3A_935 {strides = array<i32>} : memref<16x1x128xf32, #tpu.memory_space<vmem>>, vector<1x1x128xf32>,
    %slice3A_936 = vector.extract_strided_slice %mul3A_64 {offsets = [1242, 0], sizes = [1, 128], strides = [1, 1]} : vector<1664x128xf32> to vector<1x128xf32>
    %swap3A_937 = arith.constant 11 : index
    %swap3A_938 = arith.constant 0 : index
    %swap3A_939 = arith.constant 0 : index
    %swap3A_940 = vector.load %arg12[%swap3A_937, %swap3A_938, %swap3A_939] : memref<16x1x128xf32, #tpu.memory_space<vmem>>, vector<1x1x128xf32>
    %swap3A_941 = vector.shape_cast %swap3A_940 : vector<1x1x128xf32> to vector<1x128xf32>
    %swap3A_942 = vector.shape_cast %slice3A_936 : vector<1x128xf32> to vector<1x1x128xf32>
    tpu.vector_store %arg12[%swap3A_937, %swap3A_938, %swap3A_939], %swap3A_942 {strides = array<i32>} : memref<16x1x128xf32, #tpu.memory_space<vmem>>, vector<1x1x128xf32>,
    %slice3A_943 = vector.extract_strided_slice %mul3A_64 {offsets = [1346, 0], sizes = [1, 128], strides = [1, 1]} : vector<1664x128xf32> to vector<1x128xf32>
    %swap3A_944 = arith.constant 12 : index
    %swap3A_945 = arith.constant 0 : index
    %swap3A_946 = arith.constant 0 : index
    %swap3A_947 = vector.load %arg12[%swap3A_944, %swap3A_945, %swap3A_946] : memref<16x1x128xf32, #tpu.memory_space<vmem>>, vector<1x1x128xf32>
    %swap3A_948 = vector.shape_cast %swap3A_947 : vector<1x1x128xf32> to vector<1x128xf32>
    %swap3A_949 = vector.shape_cast %slice3A_943 : vector<1x128xf32> to vector<1x1x128xf32>
    tpu.vector_store %arg12[%swap3A_944, %swap3A_945, %swap3A_946], %swap3A_949 {strides = array<i32>} : memref<16x1x128xf32, #tpu.memory_space<vmem>>, vector<1x1x128xf32>,
    %slice3A_950 = vector.extract_strided_slice %mul3A_64 {offsets = [1450, 0], sizes = [1, 128], strides = [1, 1]} : vector<1664x128xf32> to vector<1x128xf32>
    %swap3A_951 = arith.constant 13 : index
    %swap3A_952 = arith.constant 0 : index
    %swap3A_953 = arith.constant 0 : index
    %swap3A_954 = vector.load %arg12[%swap3A_951, %swap3A_952, %swap3A_953] : memref<16x1x128xf32, #tpu.memory_space<vmem>>, vector<1x1x128xf32>
    %swap3A_955 = vector.shape_cast %swap3A_954 : vector<1x1x128xf32> to vector<1x128xf32>
    %swap3A_956 = vector.shape_cast %slice3A_950 : vector<1x128xf32> to vector<1x1x128xf32>
    tpu.vector_store %arg12[%swap3A_951, %swap3A_952, %swap3A_953], %swap3A_956 {strides = array<i32>} : memref<16x1x128xf32, #tpu.memory_space<vmem>>, vector<1x1x128xf32>,
    %slice3A_957 = vector.extract_strided_slice %mul3A_64 {offsets = [1554, 0], sizes = [1, 128], strides = [1, 1]} : vector<1664x128xf32> to vector<1x128xf32>
    %swap3A_958 = arith.constant 14 : index
    %swap3A_959 = arith.constant 0 : index
    %swap3A_960 = arith.constant 0 : index
    %swap3A_961 = vector.load %arg12[%swap3A_958, %swap3A_959, %swap3A_960] : memref<16x1x128xf32, #tpu.memory_space<vmem>>, vector<1x1x128xf32>
    %swap3A_962 = vector.shape_cast %swap3A_961 : vector<1x1x128xf32> to vector<1x128xf32>
    %swap3A_963 = vector.shape_cast %slice3A_957 : vector<1x128xf32> to vector<1x1x128xf32>
    tpu.vector_store %arg12[%swap3A_958, %swap3A_959, %swap3A_960], %swap3A_963 {strides = array<i32>} : memref<16x1x128xf32, #tpu.memory_space<vmem>>, vector<1x1x128xf32>,
    %slice3A_964 = vector.extract_strided_slice %mul3A_64 {offsets = [1658, 0], sizes = [1, 128], strides = [1, 1]} : vector<1664x128xf32> to vector<1x128xf32>
    %swap3A_965 = arith.constant 15 : index
    %swap3A_966 = arith.constant 0 : index
    %swap3A_967 = arith.constant 0 : index
    %swap3A_968 = vector.load %arg12[%swap3A_965, %swap3A_966, %swap3A_967] : memref<16x1x128xf32, #tpu.memory_space<vmem>>, vector<1x1x128xf32>
    %swap3A_969 = vector.shape_cast %swap3A_968 : vector<1x1x128xf32> to vector<1x128xf32>
    %swap3A_970 = vector.shape_cast %slice3A_964 : vector<1x128xf32> to vector<1x1x128xf32>
    tpu.vector_store %arg12[%swap3A_965, %swap3A_966, %swap3A_967], %swap3A_970 {strides = array<i32>} : memref<16x1x128xf32, #tpu.memory_space<vmem>>, vector<1x1x128xf32>,
    return
  }
  func.func @transform_0(%arg0: i32) -> (i32, i32, i32) {
    %c0_i32 = arith.constant 0 : i32
    %c0_i32_0 = arith.constant 0 : i32
    %c0_i32_1 = arith.constant 0 : i32
    return %arg0, %c0_i32, %c0_i32_0 : i32, i32, i32
  }
  func.func @transform_1(%arg0: i32) -> (i32, i32, i32) {
    %c0_i32 = arith.constant 0 : i32
    %c0_i32_0 = arith.constant 0 : i32
    %c0_i32_1 = arith.constant 0 : i32
    return %arg0, %c0_i32, %c0_i32_0 : i32, i32, i32
  }
  func.func @transform_2(%arg0: i32) -> (i32, i32, i32) {
    %c0_i32 = arith.constant 0 : i32
    %c0_i32_0 = arith.constant 0 : i32
    %c0_i32_1 = arith.constant 0 : i32
    return %arg0, %c0_i32, %c0_i32_0 : i32, i32, i32
  }
  func.func @transform_3(%arg0: i32) -> (i32, i32, i32) {
    %c0_i32 = arith.constant 0 : i32
    %c0_i32_0 = arith.constant 0 : i32
    %c0_i32_1 = arith.constant 0 : i32
    return %arg0, %c0_i32, %c0_i32_0 : i32, i32, i32
  }
  func.func @transform_4(%arg0: i32) -> (i32, i32, i32) {
    %c0_i32 = arith.constant 0 : i32
    %c0_i32_0 = arith.constant 0 : i32
    %c0_i32_1 = arith.constant 0 : i32
    return %arg0, %c0_i32, %c0_i32_0 : i32, i32, i32
  }
  func.func @transform_5(%arg0: i32) -> (i32, i32) {
    %c0_i32 = arith.constant 0 : i32
    %c0_i32_0 = arith.constant 0 : i32
    %c0_i32_1 = arith.constant 0 : i32
    return %c0_i32, %c0_i32_0 : i32, i32
  }
  func.func @transform_6(%arg0: i32) -> (i32, i32) {
    %c0_i32 = arith.constant 0 : i32
    %c0_i32_0 = arith.constant 0 : i32
    %c0_i32_1 = arith.constant 0 : i32
    return %c0_i32, %c0_i32_0 : i32, i32
  }
  func.func @transform_7(%arg0: i32) -> (i32, i32) {
    %c0_i32 = arith.constant 0 : i32
    %c0_i32_0 = arith.constant 0 : i32
    %c0_i32_1 = arith.constant 0 : i32
    return %c0_i32, %c0_i32_0 : i32, i32
  }
  func.func @transform_8(%arg0: i32) -> (i32, i32) {
    %c0_i32 = arith.constant 0 : i32
    %c0_i32_0 = arith.constant 0 : i32
    %c0_i32_1 = arith.constant 0 : i32
    return %c0_i32, %c0_i32_0 : i32, i32
  }
  func.func @transform_9(%arg0: i32) -> (i32, i32) {
    %c0_i32 = arith.constant 0 : i32
    %c0_i32_0 = arith.constant 0 : i32
    %c0_i32_1 = arith.constant 0 : i32
    return %c0_i32, %c0_i32_0 : i32, i32
  }
  func.func @transform_10(%arg0: i32) -> (i32, i32, i32) {
    %c0_i32 = arith.constant 0 : i32
    %c0_i32_0 = arith.constant 0 : i32
    %c0_i32_1 = arith.constant 0 : i32
    return %arg0, %c0_i32, %c0_i32_0 : i32, i32, i32
  }
  func.func @transform_11(%arg0: i32) -> (i32, i32, i32) {
    %c0_i32 = arith.constant 0 : i32
    %c0_i32_0 = arith.constant 0 : i32
    %c0_i32_1 = arith.constant 0 : i32
    return %arg0, %c0_i32, %c0_i32_0 : i32, i32, i32
  }
}

</mosaic_0001>

<sc_bundles>
// kernel: kernel.6.cloned.1.call-start
scs
__scs_entry_jumppad:
0x0: {  	(pc) =	sbr.rel $0x88, $3  }
0x1: {  	(tag) =	ssettag $0x0;
	lr =	simm.s32 $0x1  }
0x2: {  	[smem:$0x3F8A] =	sst lr;
	_ =	strace $0xD0000000  }
0x3: {  	_ = 	snop  }
0x4: {  	_ = 	snop  }
0x5: {  	_ = 	snop  }
0x6: {  	_ = 	snop  }
0x7: {  	_ = 	snop  }
__scs_overlays_trampoline_lowered:
0x8: {  	[smem:$0x3F99] =	sst s0  }
0x9: {  	[smem:$0x3F9A] =	sst s1  }
0xa: {  	[smem:$0x3F9B] =	sst s2  }
0xb: {  	[smem:$0x3F9C] =	sst s3  }
0xc: {  	[smem:$0x3F9D] =	sst s4  }
0xd: {  	[smem:$0x3F9E] =	sst s5  }
0xe: {  	[smem:$0x3F9F] =	sst s6  }
0xf: {  	[smem:$0x3FA0] =	sst s7  }
0x10: {  	[smem:$0x3FA1] =	sst s8  }
0x11: {  	[smem:$0x3FA2] =	sst s9;
	s0 =	simm.s32 @!p0 $0x0  }
0x12: {  	s1 =	sld [smem:$0x3F88];
	s0 =	simm.s32 @p0 $0x1  }
0x13: {  	[smem:$0x3FA3] =	sst s0;
	s0 =	simm.s32 @!p1 $0x0  }
0x14: {  	s2 =	sld [smem:$0x3F87];
	s0 =	simm.s32 @p1 $0x1  }
0x15: {  	[smem:$0x3FA4] =	sst s0;
	s0 =	simm.s32 @!p2 $0x0  }
0x16: {  	s3 =	sld [smem:$0x3FDB];
	s0 =	simm.s32 @p2 $0x1  }
0x17: {  	s4 =	simm.s32 $0x1BF5;
	[smem:$0x3FA6] =	sst s0  }
0x18: {  	s0 =	sld [smem:$0x3F89];
	_ =	swait.ge [sflag:s4], $0x0  }
0x19: {  	s7 =	sld [smem:$0x3F8A]  }
0x1a: {  	s8 =	sadd.s32 $0xFFFFE003, lr  }
0x1b: {  	s9 =	sadd.s32 $0xFFFFFEF7, lr;
	s5 =	simm.s32 $0xFFFFFFFF;
	p2 =	slt.u32 s8, $0xFFFFF086  }
0x1c: {  	p1 =	slt.u32 s9, $0xF7A;
	s5 =	simm.s32 @!p2 $0x0  }
0x1d: {  	s5 =	simm.s32 @p1 $0x1;
	p0 =	seq.s32 s7, s2  }
0x1e: {  	s7 =	smul.u32 @!p0 $0xF7A, s2;
	p2 =	seq.s32 @!p0 s5, $0x0  }
0x1f: {  	s9 =	smul.u32 $0xF7A, s1;
	s8 =	simm.s32 @!p0 $0x1BF5;
	p2 =	por !p2, p0  }
0x20: {  	[sflag:s8] =	ssyncset.s32 @!p0 $0xFFFFF086;
	s6 =	sadd.s32 @!p0 s3, s7;
	s7 =	simm.s32 @!p0 $0x108  }
0x21: {  	s3 =	sadd.s32 s3, s9;
	s6 =	sadd.s32 @!p0 $0x88, s6;
	s7 =	simm.s32 @p2 $0x1082  }
0x22: {  	[simem:s7], [sflag:s8] =	dma.local @!p0 [hbm:s6], $0xF7A  }
0x23: {  	s9 =	sor.u32 $0xD0000000, s2;
	s6 =	simm.s32 $0x108;
	_ =	swait.ge @!p0 [sflag:s8], $0x0  }
0x24: {  	s3 =	sadd.s32 $0x88, s3;
	s6 =	simm.s32 @!p1 $0x1082;
	[sflag:s4] =	ssyncset.s32 $0xFFFFF086  }
0x25: {  	[simem:s6], [sflag:s4] =	dma.local [hbm:s3], $0xF7A  }
0x26: {  	[smem:$0x3F8A] =	sst s1;
	(tag) =	ssettag s2;
	_ =	strace s9  }
0x27: {  	s1 =	sld [smem:$0x3F9A]  }
0x28: {  	s2 =	sld [smem:$0x3F9B]  }
0x29: {  	s4 =	sld [smem:$0x3F9D]  }
0x2a: {  	p0 =	seq.s32 s5, $0x0;
	s5 =	sld [smem:$0x3F9E]  }
0x2b: {  	s6 =	sld [smem:$0x3F9F]  }
0x2c: {  	s7 =	sld [smem:$0x3FA0]  }
0x2d: {  	s3 =	simm.s32 $0x108;
	s8 =	sld [smem:$0x3FA1]  }
0x2e: {  	s3 =	simm.s32 @!p0 $0x1082;
	s9 =	sld [smem:$0x3FA2]  }
0x2f: {  	lr =	sadd.s32 s0, s3;
	s0 =	sld [smem:$0x3F99]  }
0x30: {  	s3 =	sld [smem:$0x3F9C]  }
0x31: {  	[smem:$0x3FA5] =	sst s10  }
0x32: {  	s10 =	sld [smem:$0x3FA3];
	_ =	sdelay $0x3  }
0x33: {  	p0 =	seq.s32 s10, $0x1;
	s10 =	sld [smem:$0x3FA5];
	_ =	sdelay $0x3  }
0x34: {  	[smem:$0x3FA5] =	sst s10  }
0x35: {  	s10 =	sld [smem:$0x3FA4];
	_ =	sdelay $0x3  }
0x36: {  	p1 =	seq.s32 s10, $0x1;
	s10 =	sld [smem:$0x3FA5];
	_ =	sdelay $0x3  }
0x37: {  	[smem:$0x3FA5] =	sst s10  }
0x38: {  	s10 =	sld [smem:$0x3FA6]  }
0x39: {  	_ = 	snop;
	(pc) =	sbr.ind lr, $3  }
0x3a: {  	_ = 	snop  }
0x3b: {  	_ = 	snop  }
0x3c: {  	p2 =	seq.s32 s10, $0x1;
	s10 =	sld [smem:$0x3FA5]  }
0x3d: {  	_ =	shalt  }
0x3e: {  	_ =	shalt  }
0x3f: {  	_ =	shalt  }
0x40: {  	_ =	shalt  }
0x41: {  	_ =	shalt  }
0x42: {  	_ =	shalt  }
0x43: {  	_ =	shalt  }
0x44: {  	_ =	shalt  }
0x45: {  	_ =	shalt  }
0x46: {  	_ =	shalt  }
0x47: {  	_ =	shalt  }
0x48: {  	_ =	shalt  }
0x49: {  	_ =	shalt  }
0x4a: {  	_ =	shalt  }
0x4b: {  	_ =	shalt  }
0x4c: {  	_ =	shalt  }
0x4d: {  	_ =	shalt  }
0x4e: {  	_ =	shalt  }
0x4f: {  	_ =	shalt  }
0x50: {  	_ =	shalt  }
0x51: {  	_ =	shalt  }
0x52: {  	_ =	shalt  }
0x53: {  	_ =	shalt  }
0x54: {  	_ =	shalt  }
0x55: {  	_ =	shalt  }
0x56: {  	_ =	shalt  }
0x57: {  	_ =	shalt  }
0x58: {  	_ =	shalt  }
0x59: {  	_ =	shalt  }
0x5a: {  	_ =	shalt  }
0x5b: {  	_ =	shalt  }
0x5c: {  	_ =	shalt  }
0x5d: {  	_ =	shalt  }
0x5e: {  	_ =	shalt  }
0x5f: {  	_ =	shalt  }
0x60: {  	_ =	shalt  }
0x61: {  	_ =	shalt  }
0x62: {  	_ =	shalt  }
0x63: {  	_ =	shalt  }
0x64: {  	_ =	shalt  }
0x65: {  	_ =	shalt  }
0x66: {  	_ =	shalt  }
0x67: {  	_ =	shalt  }
0x68: {  	_ =	shalt  }
0x69: {  	_ =	shalt  }
0x6a: {  	_ =	shalt  }
0x6b: {  	_ =	shalt  }
0x6c: {  	_ =	shalt  }
0x6d: {  	_ =	shalt  }
0x6e: {  	_ =	shalt  }
0x6f: {  	_ =	shalt  }
0x70: {  	_ =	shalt  }
0x71: {  	_ =	shalt  }
0x72: {  	_ =	shalt  }
0x73: {  	_ =	shalt  }
0x74: {  	_ =	shalt  }
0x75: {  	_ =	shalt  }
0x76: {  	_ =	shalt  }
0x77: {  	_ =	shalt  }
0x78: {  	_ =	shalt  }
0x79: {  	_ =	shalt  }
0x7a: {  	_ =	shalt  }
0x7b: {  	_ =	shalt  }
0x7c: {  	_ =	shalt  }
0x7d: {  	_ =	shalt  }
0x7e: {  	_ =	shalt  }
0x7f: {  	_ =	shalt  }
0x80: {  	_ =	shalt  }
0x81: {  	_ =	shalt  }
0x82: {  	_ =	shalt  }
0x83: {  	_ =	shalt  }
0x84: {  	_ =	shalt  }
0x85: {  	_ =	shalt  }
0x86: {  	_ =	shalt  }
0x87: {  	_ =	shalt  }
.Lfunc_end0:
.L_simem_size_0:
called_computation_lowered:
.L_overlay_start_0:
0x88: {  	s2 =	sld [smem:$0x3FD9]  }
0x89: {  	s3 =	sld [smem:$0x3FFE];
	_ =	sdelay $0x1  }
0x8a: {  	s1 =	srdreg.scid  }
0x8b: {  	s0 =	sand.u32 $0x1, s1  }
0x8c: {  	s14 =	sshll.u32 s0, $0xA;
	s2 =	sadd.s32 s3, s2  }
0x8d: {  	s2 =	sadd.s32 s2, s14  }
0x8e: {  	[smem:$0x3FB1] =	sst s2  }
0x8f: {  	_ = 	snop  }
0x90: {  	s2 =	sld [smem:$0x3FD0];
	_ =	sdelay $0x2  }
0x91: {  	s4 =	simm.s32 $0xA;
	s5 =	simm.s32 $0x10;
	s15 =	sld [smem:$0x3FC3]  }
0x92: {  	[smem:s5], [sflag:s4] =	dma.local [hbm:s2], $0x1  }
0x93: {  	_ =	swait.eq [sflag:s4], $0x1  }
0x94: {  	[sflag:s4] =	ssyncset.done $0x0  }
0x95: {  	[sflag:s4] =	ssyncadd.s32 $0xFFFFFFFF  }
0x96: {  	s16 =	sld [smem:$0x10];
	(tm) =	ssettm $0x1  }
0x97: {  	s17 =	sld [smem:$0x3FFB];
	_ =	sdelay $0x3  }
0x98: {  	_ =	strace s17  }
0x99: {  	s4 =	sld [smem:$0x3FFC];
	_ =	sdelay $0x3  }
0x9a: {  	_ =	strace s4  }
0x9b: {  	s4 =	sld [smem:$0x3FFD];
	_ =	sdelay $0x3  }
0x9c: {  	_ =	strace s4  }
0x9d: {  	_ =	strace $0x8FFFFFFF  }
0x9e: {  	s18 =	sld [smem:$0x3FDB];
	_ =	sdelay $0x1  }
0x9f: {  	s19 =	simm.s32 $_scs_section_size  }
0xa0: {  	s6 =	simm.s32 $_size__tile_overlayer_lowered;
	s7 =	simm.s32 $_tile_overlayer_lowered  }
0xa1: {  	s22 =	simm.s32 $0x1BFF;
	s21 =	sshll.u32 s7, $0x1;
	s4 =	sadd.s32 s19, s18  }
0xa2: {  	s8 =	simm.s32 $0x0;
	s20 =	sshll.u32 s6, $0x1;
	s6 =	sadd.s32 s21, s4  }
0xa3: {  	[timem:s8], [sflag:s22] =	dma.local [hbm:s6], s20  }
0xa4: {  	_ =	swait.ge [sflag:s22], s20  }
0xa5: {  	s5 =	ssub.s32 $0x0, s20;
	[sflag:s22] =	ssyncset.done $0x0  }
0xa6: {  	[sflag:s22] =	ssyncadd.s32 s5;
	_ =	sdelay $0x1  }
0xa7: {  	s23 =	simm.s32 $0x1B8B  }
0xa8: {  	_ =	swait.ge [sflag:s23], $0x1  }
0xa9: {  	[sflag:s23] =	ssyncset.done $0x0  }
0xaa: {  	s25 =	simm.s32 $0x1B8E;
	s24 =	sld [smem:$0x3FFE];
	[sflag:s23] =	ssyncadd.s32 $0xFFFFFFFF  }
0xab: {  	s26 =	simm.s32 $execute0_lowered;
	[smem:$0x3FD2] =	sst s25  }
0xac: {  	s6 =	sshll.u32 s26, $0x1;
	_ =	strace $0x80000046;
	[dreg:$0x1] =	wrdreg $0xFFFFFFFF  }
0xad: {  	s28 =	simm.s32 $_size_execute0_lowered;
	s4 =	sadd.s32 s4, s6;
	[dreg:$0x0] =	wrdreg $0x0  }
0xae: {  	s6 =	sshll.u32 s28, $0x1;
	[dreg:$0x2] =	wrdreg s4  }
0xaf: {  	[dreg:$0x3] =	wrdreg s6  }
0xb0: {  	[dreg:$0x4] =	wrdreg $0xC0  }
0xb1: {  	_ =	task [dreg:s8], $0x5FFFF  }
0xb2: {  	[dreg:$0x1] =	wrdreg $0xFFFFFFFF  }
0xb3: {  	[dreg:$0x0] =	wrdreg $0x60  }
0xb4: {  	[dreg:$0x2] =	wrdreg s15  }
0xb5: {  	[dreg:$0x3] =	wrdreg s24  }
0xb6: {  	[dreg:$0x4] =	wrdreg s16  }
0xb7: {  	[dreg:$0x5] =	wrdreg $0x9  }
0xb8: {  	_ =	task.clear_ibuf [dreg:s8], $0x6FFFF;
	_ =	strace $0x90000046  }
0xb9: {  	s29 =	simm.s32 $0x9;
	_ =	strace $0x80000048  }
0xba: {  	_ =	swait.ge [sflag:s29], $0x1  }
0xbb: {  	[sflag:s29] =	ssyncadd.s32 $0xFFFFFFFF  }
0xbc: {  	_ =	strace $0x90000048  }
0xbd: {  	_ =	sfence  }
0xbe: {  	s30 =	sld [smem:$0x0];
	_ =	sdelay $0x2  }
0xbf: {  	s31 =	sshll.u32 s1, $0xD;
	s1 =	sshrl.u32 s1, $0x2  }
0xc0: {  	s3 =	sand.u32 $0x4000, s31;
	s1 =	sadd.s32 s1, s30  }
0xc1: {  	s0 =	sor.u32 s3, s0;
	s1 =	sshll.u32 s1, $0x11  }
0xc2: {  	s0 =	sor.u32 s1, s0  }
0xc3: {  	s0 =	sadd.s32 $0x8F2B, s0  }
0xc4: {  	[sflag:s0] =	ssyncadd.remote.s32 $0x1  }
0xc5: {  	_ =	sfence.sel $0xFFFF  }
0xc6: {  	[dreg:$0x0] =	wrdreg $0xFFFFFFFF;
	(pc) =	sbr.abs _section_cstart, $3  }
0xc7: {  	[dreg:$0x1] =	wrdreg $0xFFFFFFFF  }
0xc8: {  	_ =	task.clear_ibuf [dreg:s8], $0x2FFFF;
	_ =	strace $0x9FFFFFFF  }
0xc9: {  	(tm) =	ssettm $0x7FFFFFFF  }
tec
execute0_lowered:
.L_overlay_start_1:
0x0: {  	(tag) =	ssettag $0x1  }
0x1: {  	s2 =	srdreg.scid;
	s0 =	stileid.u32  }
0x2: {  	s1 =	rddreg [dreg:$0x0];
	s29 =	sand.u32 $0x1, s2;
	s26 =	sshll.u32 s0, $0x1  }
0x3: {  	s18 =	rddreg [dreg:$0x1];
	s20 =	sor.u32 s29, s26  }
0x4: {  	s4 =	rddreg [dreg:$0x2];
	s3 =	simm.s32 $0x0;
	s5 =	smul.u32 $0x34, s20  }
0x5: {  	[smem:$0x7FF] =	sst s3  }
0x6: {  	_ =	strace $0x80000047;
	s5 =	sadd.s32 s4, s5;
	s4 =	simm.s32 $0x2  }
0x7: {  	[tilespmem:s3], [sflag:$0x2] =	stream.linear.gather [hbm4b:s5+s3], $0x1A0, $0x38;
	[tilespmem:$0x13A00] =	vst v63  }
0x8: {  	_ =	swait.ge [sflag:s4], $0x1A0  }
0x9: {  	[sflag:s4] =	ssyncset.done $0x0  }
0xa: {  	s6 =	simm.s32 $0x68;
	s7 =	simm.s32 $0x200;
	[sflag:s4] =	ssyncadd.s32 $0xFFFFFE60  }
0xb: {  	[tilespmem:s7], [sflag:$0x1] =	stream.indirect.gather [hbm4b:s1+s6], $0x80, s3, s6, $0xb8;
	[tilespmem:$0x13A00] =	vst v63  }
0xc: {  	s9 =	simm.s32 $0x6A00;
	s8 =	sadd.s32 $0x4000, s18  }
0xd: {  	[tilespmem:s9], [sflag:$0x1] =	stream.indirect.gather [hbm4b:s8+s6], $0x80, s3, s6, $0xb8;
	[tilespmem:$0x13A00] =	vst v63  }
0xe: {  	s11 =	simm.s32 $0xD200;
	s10 =	sadd.s32 $0x3EA00, s18  }
0xf: {  	[tilespmem:s11], [sflag:$0x1] =	stream.indirect.gather [hbm4b:s10+s6], $0x80, s3, s6, $0xb8;
	[tilespmem:$0x13A00] =	vst v63  }
0x10: {  	s12 =	simm.s32 $0x3600  }
0x11: {  	[tilespmem:s12], [sflag:$0x1] =	stream.indirect.gather [hbm4b:s1+s6], $0x80, s6, s6, $0xb8;
	[tilespmem:$0x13A00] =	vst v63  }
0x12: {  	s13 =	simm.s32 $0x9E00  }
0x13: {  	[tilespmem:s13], [sflag:$0x1] =	stream.indirect.gather [hbm4b:s8+s6], $0x80, s6, s6, $0xb8;
	[tilespmem:$0x13A00] =	vst v63  }
0x14: {  	s14 =	simm.s32 $0x10600;
	s15 =	simm.s32 $0x1  }
0x15: {  	[tilespmem:s14], [sflag:$0x1] =	stream.indirect.gather [hbm4b:s10+s6], $0x80, s6, s6, $0xb8;
	[tilespmem:$0x13A00] =	vst v63  }
0x16: {  	_ =	swait.ge [sflag:s15], $0x3400  }
0x17: {  	[sflag:s15] =	ssyncset.done $0x0  }
0x18: {  	[sflag:s15] =	ssyncadd.s32 $0xFFFFCC00  }
0x19: {  	_ =	swait.ge [sflag:s15], $0x3400  }
0x1a: {  	[sflag:s15] =	ssyncset.done $0x0  }
0x1b: {  	[sflag:s15] =	ssyncadd.s32 $0xFFFFCC00  }
0x1c: {  	s19 =	smul.u32 $0x1A00, s20;
	_ =	swait.ge [sflag:s15], $0x3400  }
0x1d: {  	s28 =	sadd.s32 $0x79400, s18;
	[sflag:s15] =	ssyncset.done $0x0  }
0x1e: {  	s16 =	sadd.s32 s28, s19;
	[sflag:s15] =	ssyncadd.s32 $0xFFFFCC00  }
0x1f: {  	[hbm4b:s16+s3] =	stream.linear.scatter [tilespmem:s7], [sflag:$0x2], $0x3400, $0x38;
	[tilespmem:$0x13A00] =	vst v63  }
0x20: {  	_ =	swait.ge [sflag:s4], $0x3400  }
0x21: {  	s31 =	sadd.s32 $0xAD400, s18;
	[sflag:s4] =	ssyncset.done $0x0  }
0x22: {  	s17 =	sadd.s32 s31, s19;
	[sflag:s4] =	ssyncadd.s32 $0xFFFFCC00  }
0x23: {  	[hbm4b:s17+s3] =	stream.linear.scatter [tilespmem:s9], [sflag:$0x2], $0x3400, $0x38;
	[tilespmem:$0x13A00] =	vst v63  }
0x24: {  	_ =	swait.ge [sflag:s4], $0x3400  }
0x25: {  	s30 =	sadd.s32 $0xE1400, s18;
	[sflag:s4] =	ssyncset.done $0x0  }
0x26: {  	s18 =	sadd.s32 s30, s19;
	[sflag:s4] =	ssyncadd.s32 $0xFFFFCC00  }
0x27: {  	[hbm4b:s18+s3] =	stream.linear.scatter [tilespmem:s11], [sflag:$0x2], $0x3400, $0x38;
	[tilespmem:$0x13A00] =	vst v63  }
0x28: {  	_ =	swait.ge [sflag:s4], $0x3400  }
0x29: {  	[sflag:s4] =	ssyncset.done $0x0  }
0x2a: {  	s19 =	simm.s32 $0xD0;
	[sflag:s4] =	ssyncadd.s32 $0xFFFFCC00  }
0x2b: {  	[tilespmem:s7], [sflag:$0x1] =	stream.indirect.gather [hbm4b:s1+s6], $0x80, s19, s6, $0xb8;
	[tilespmem:$0x13A00] =	vst v63  }
0x2c: {  	_ = 	snop  }
0x2d: {  	[tilespmem:s9], [sflag:$0x1] =	stream.indirect.gather [hbm4b:s8+s6], $0x80, s19, s6, $0xb8;
	[tilespmem:$0x13A00] =	vst v63  }
0x2e: {  	_ = 	snop  }
0x2f: {  	[tilespmem:s11], [sflag:$0x1] =	stream.indirect.gather [hbm4b:s10+s6], $0x80, s19, s6, $0xb8;
	[tilespmem:$0x13A00] =	vst v63  }
0x30: {  	_ =	swait.ge [sflag:s15], $0x3400  }
0x31: {  	[sflag:s15] =	ssyncset.done $0x0  }
0x32: {  	[sflag:s15] =	ssyncadd.s32 $0xFFFFCC00  }
0x33: {  	_ =	swait.ge [sflag:s15], $0x3400  }
0x34: {  	s20 =	smul.u32 $0xD000, s20;
	[sflag:s15] =	ssyncset.done $0x0  }
0x35: {  	[sflag:s15] =	ssyncadd.s32 $0xFFFFCC00  }
0x36: {  	s0 =	sshrl.u32 s20, $0x3;
	_ =	swait.ge [sflag:s15], $0x3400  }
0x37: {  	s22 =	sadd.s32 $0x680, s0;
	[sflag:s15] =	ssyncset.done $0x0  }
0x38: {  	s20 =	sadd.s32 s28, s22;
	[sflag:s15] =	ssyncadd.s32 $0xFFFFCC00  }
0x39: {  	[hbm4b:s20+s3] =	stream.linear.scatter [tilespmem:s12], [sflag:$0x2], $0x3400, $0x38;
	[tilespmem:$0x13A00] =	vst v63  }
0x3a: {  	_ =	swait.ge [sflag:s4], $0x3400  }
0x3b: {  	[sflag:s4] =	ssyncset.done $0x0  }
0x3c: {  	s21 =	sadd.s32 s31, s22;
	[sflag:s4] =	ssyncadd.s32 $0xFFFFCC00  }
0x3d: {  	[hbm4b:s21+s3] =	stream.linear.scatter [tilespmem:s13], [sflag:$0x2], $0x3400, $0x38;
	[tilespmem:$0x13A00] =	vst v63  }
0x3e: {  	_ =	swait.ge [sflag:s4], $0x3400  }
0x3f: {  	[sflag:s4] =	ssyncset.done $0x0  }
0x40: {  	s22 =	sadd.s32 s30, s22;
	[sflag:s4] =	ssyncadd.s32 $0xFFFFCC00  }
0x41: {  	[hbm4b:s22+s3] =	stream.linear.scatter [tilespmem:s14], [sflag:$0x2], $0x3400, $0x38;
	[tilespmem:$0x13A00] =	vst v63  }
0x42: {  	_ =	swait.ge [sflag:s4], $0x3400  }
0x43: {  	[sflag:s4] =	ssyncset.done $0x0  }
0x44: {  	s23 =	simm.s32 $0x138;
	[sflag:s4] =	ssyncadd.s32 $0xFFFFCC00  }
0x45: {  	[tilespmem:s12], [sflag:$0x1] =	stream.indirect.gather [hbm4b:s1+s6], $0x80, s23, s6, $0xb8;
	[tilespmem:$0x13A00] =	vst v63  }
0x46: {  	_ = 	snop  }
0x47: {  	[tilespmem:s13], [sflag:$0x1] =	stream.indirect.gather [hbm4b:s8+s6], $0x80, s23, s6, $0xb8;
	[tilespmem:$0x13A00] =	vst v63  }
0x48: {  	_ = 	snop  }
0x49: {  	[tilespmem:s14], [sflag:$0x1] =	stream.indirect.gather [hbm4b:s10+s6], $0x80, s23, s6, $0xb8;
	[tilespmem:$0x13A00] =	vst v63  }
0x4a: {  	_ =	swait.ge [sflag:s15], $0x3400  }
0x4b: {  	[sflag:s15] =	ssyncset.done $0x0  }
0x4c: {  	[sflag:s15] =	ssyncadd.s32 $0xFFFFCC00  }
0x4d: {  	_ =	swait.ge [sflag:s15], $0x3400  }
0x4e: {  	[sflag:s15] =	ssyncset.done $0x0  }
0x4f: {  	[sflag:s15] =	ssyncadd.s32 $0xFFFFCC00  }
0x50: {  	_ =	swait.ge [sflag:s15], $0x3400  }
0x51: {  	s26 =	sadd.s32 $0xD00, s0;
	[sflag:s15] =	ssyncset.done $0x0  }
0x52: {  	s24 =	sadd.s32 s28, s26;
	[sflag:s15] =	ssyncadd.s32 $0xFFFFCC00  }
0x53: {  	[hbm4b:s24+s3] =	stream.linear.scatter [tilespmem:s7], [sflag:$0x2], $0x3400, $0x38;
	[tilespmem:$0x13A00] =	vst v63  }
0x54: {  	_ =	swait.ge [sflag:s4], $0x3400  }
0x55: {  	[sflag:s4] =	ssyncset.done $0x0  }
0x56: {  	s25 =	sadd.s32 s31, s26;
	[sflag:s4] =	ssyncadd.s32 $0xFFFFCC00  }
0x57: {  	[hbm4b:s25+s3] =	stream.linear.scatter [tilespmem:s9], [sflag:$0x2], $0x3400, $0x38;
	[tilespmem:$0x13A00] =	vst v63  }
0x58: {  	_ =	swait.ge [sflag:s4], $0x3400  }
0x59: {  	[sflag:s4] =	ssyncset.done $0x0  }
0x5a: {  	s26 =	sadd.s32 s30, s26;
	[sflag:s4] =	ssyncadd.s32 $0xFFFFCC00  }
0x5b: {  	[hbm4b:s26+s3] =	stream.linear.scatter [tilespmem:s11], [sflag:$0x2], $0x3400, $0x38;
	[tilespmem:$0x13A00] =	vst v63  }
0x5c: {  	_ =	swait.ge [sflag:s4], $0x3400  }
0x5d: {  	[sflag:s4] =	ssyncset.done $0x0  }
0x5e: {  	[sflag:s4] =	ssyncadd.s32 $0xFFFFCC00  }
0x5f: {  	_ =	swait.ge [sflag:s15], $0x3400  }
0x60: {  	[sflag:s15] =	ssyncset.done $0x0  }
0x61: {  	[sflag:s15] =	ssyncadd.s32 $0xFFFFCC00  }
0x62: {  	_ =	swait.ge [sflag:s15], $0x3400  }
0x63: {  	[sflag:s15] =	ssyncset.done $0x0  }
0x64: {  	[sflag:s15] =	ssyncadd.s32 $0xFFFFCC00  }
0x65: {  	_ =	swait.ge [sflag:s15], $0x3400  }
0x66: {  	s2 =	sadd.s32 $0x1380, s0;
	[sflag:s15] =	ssyncset.done $0x0  }
0x67: {  	s0 =	ssub.s32 $0x2, s29;
	s28 =	sadd.s32 s28, s2;
	[sflag:s15] =	ssyncadd.s32 $0xFFFFCC00  }
0x68: {  	[hbm4b:s28+s3] =	stream.linear.scatter [tilespmem:s12], [sflag:$0x2], $0x3400, $0x38;
	[tilespmem:$0x13A00] =	vst v63  }
0x69: {  	s29 =	sadd.s32 s31, s2;
	s31 =	sshrl.u32 s0, $0x1;
	_ =	swait.ge [sflag:s4], $0x3400  }
0x6a: {  	s0 =	ssub.s32 s0, s31;
	[sflag:s4] =	ssyncset.done $0x0  }
0x6b: {  	s0 =	smax.u32 s0, $0x1;
	[sflag:s4] =	ssyncadd.s32 $0xFFFFCC00  }
0x6c: {  	[hbm4b:s29+s3] =	stream.linear.scatter [tilespmem:s13], [sflag:$0x2], $0x3400, $0x38;
	[tilespmem:$0x13A00] =	vst v63  }
0x6d: {  	p0 =	sne.s32 s0, $0x1;
	_ =	swait.ge [sflag:s4], $0x3400  }
.Ltmp0:
0x6e: {  	[sflag:s4] =	ssyncset.done $0x0;
	(pc) =	sbr.rel @!p0 .LBB2_2-.Ltmp0, $4  }
0x6f: {  	s30 =	sadd.s32 s30, s2;
	[sflag:s4] =	ssyncadd.s32 $0xFFFFCC00  }
0x70: {  	[hbm4b:s30+s3] =	stream.linear.scatter [tilespmem:s14], [sflag:$0x2], $0x3400, $0x38;
	[tilespmem:$0x13A00] =	vst v63  }
0x71: {  	_ =	swait.ge [sflag:s4], $0x3400  }
0x72: {  	s31 =	sadd.s32 $0xFFFFFFFF, s0;
	[sflag:s4] =	ssyncset.done $0x0  }
.LBB2_1:
0x73: {  	p0 =	sne.s32 s31, $0x1;
	s31 =	sadd.s32 $0xFFFFFFFF, s31;
	[sflag:s4] =	ssyncadd.s32 $0xFFFFCC00  }
0x74: {  	[tilespmem:s3], [sflag:$0x2] =	stream.linear.gather [hbm4b:s5+s3], $0x1A0, $0x38;
	[tilespmem:$0x13A00] =	vst v63  }
0x75: {  	_ =	swait.ge [sflag:s4], $0x1A0  }
0x76: {  	[sflag:s4] =	ssyncset.done $0x0  }
0x77: {  	[sflag:s4] =	ssyncadd.s32 $0xFFFFFE60  }
0x78: {  	[tilespmem:s7], [sflag:$0x1] =	stream.indirect.gather [hbm4b:s1+s6], $0x80, s3, s6, $0xb8;
	[tilespmem:$0x13A00] =	vst v63  }
0x79: {  	_ = 	snop  }
0x7a: {  	[tilespmem:s9], [sflag:$0x1] =	stream.indirect.gather [hbm4b:s8+s6], $0x80, s3, s6, $0xb8;
	[tilespmem:$0x13A00] =	vst v63  }
0x7b: {  	_ = 	snop  }
0x7c: {  	[tilespmem:s11], [sflag:$0x1] =	stream.indirect.gather [hbm4b:s10+s6], $0x80, s3, s6, $0xb8;
	[tilespmem:$0x13A00] =	vst v63  }
0x7d: {  	_ = 	snop  }
0x7e: {  	[tilespmem:s12], [sflag:$0x1] =	stream.indirect.gather [hbm4b:s1+s6], $0x80, s6, s6, $0xb8;
	[tilespmem:$0x13A00] =	vst v63  }
0x7f: {  	_ = 	snop  }
0x80: {  	[tilespmem:s13], [sflag:$0x1] =	stream.indirect.gather [hbm4b:s8+s6], $0x80, s6, s6, $0xb8;
	[tilespmem:$0x13A00] =	vst v63  }
0x81: {  	_ = 	snop  }
0x82: {  	[tilespmem:s14], [sflag:$0x1] =	stream.indirect.gather [hbm4b:s10+s6], $0x80, s6, s6, $0xb8;
	[tilespmem:$0x13A00] =	vst v63  }
0x83: {  	_ =	swait.ge [sflag:s15], $0x3400  }
0x84: {  	[sflag:s15] =	ssyncset.done $0x0  }
0x85: {  	[sflag:s15] =	ssyncadd.s32 $0xFFFFCC00  }
0x86: {  	_ =	swait.ge [sflag:s15], $0x3400  }
0x87: {  	[sflag:s15] =	ssyncset.done $0x0  }
0x88: {  	[sflag:s15] =	ssyncadd.s32 $0xFFFFCC00  }
0x89: {  	_ =	swait.ge [sflag:s15], $0x3400  }
0x8a: {  	[sflag:s15] =	ssyncset.done $0x0  }
0x8b: {  	[sflag:s15] =	ssyncadd.s32 $0xFFFFCC00  }
0x8c: {  	[hbm4b:s16+s3] =	stream.linear.scatter [tilespmem:s7], [sflag:$0x2], $0x3400, $0x38;
	[tilespmem:$0x13A00] =	vst v63  }
0x8d: {  	_ =	swait.ge [sflag:s4], $0x3400  }
0x8e: {  	[sflag:s4] =	ssyncset.done $0x0  }
0x8f: {  	[sflag:s4] =	ssyncadd.s32 $0xFFFFCC00  }
0x90: {  	[hbm4b:s17+s3] =	stream.linear.scatter [tilespmem:s9], [sflag:$0x2], $0x3400, $0x38;
	[tilespmem:$0x13A00] =	vst v63  }
0x91: {  	_ =	swait.ge [sflag:s4], $0x3400  }
0x92: {  	[sflag:s4] =	ssyncset.done $0x0  }
0x93: {  	[sflag:s4] =	ssyncadd.s32 $0xFFFFCC00  }
0x94: {  	[hbm4b:s18+s3] =	stream.linear.scatter [tilespmem:s11], [sflag:$0x2], $0x3400, $0x38;
	[tilespmem:$0x13A00] =	vst v63  }
0x95: {  	_ =	swait.ge [sflag:s4], $0x3400  }
0x96: {  	[sflag:s4] =	ssyncset.done $0x0  }
0x97: {  	[sflag:s4] =	ssyncadd.s32 $0xFFFFCC00  }
0x98: {  	[tilespmem:s7], [sflag:$0x1] =	stream.indirect.gather [hbm4b:s1+s6], $0x80, s19, s6, $0xb8;
	[tilespmem:$0x13A00] =	vst v63  }
0x99: {  	_ = 	snop  }
0x9a: {  	[tilespmem:s9], [sflag:$0x1] =	stream.indirect.gather [hbm4b:s8+s6], $0x80, s19, s6, $0xb8;
	[tilespmem:$0x13A00] =	vst v63  }
0x9b: {  	_ = 	snop  }
0x9c: {  	[tilespmem:s11], [sflag:$0x1] =	stream.indirect.gather [hbm4b:s10+s6], $0x80, s19, s6, $0xb8;
	[tilespmem:$0x13A00] =	vst v63  }
0x9d: {  	_ =	swait.ge [sflag:s15], $0x3400  }
0x9e: {  	[sflag:s15] =	ssyncset.done $0x0  }
0x9f: {  	[sflag:s15] =	ssyncadd.s32 $0xFFFFCC00  }
0xa0: {  	_ =	swait.ge [sflag:s15], $0x3400  }
0xa1: {  	[sflag:s15] =	ssyncset.done $0x0  }
0xa2: {  	[sflag:s15] =	ssyncadd.s32 $0xFFFFCC00  }
0xa3: {  	_ =	swait.ge [sflag:s15], $0x3400  }
0xa4: {  	[sflag:s15] =	ssyncset.done $0x0  }
0xa5: {  	[sflag:s15] =	ssyncadd.s32 $0xFFFFCC00  }
0xa6: {  	[hbm4b:s20+s3] =	stream.linear.scatter [tilespmem:s12], [sflag:$0x2], $0x3400, $0x38;
	[tilespmem:$0x13A00] =	vst v63  }
0xa7: {  	_ =	swait.ge [sflag:s4], $0x3400  }
0xa8: {  	[sflag:s4] =	ssyncset.done $0x0  }
0xa9: {  	[sflag:s4] =	ssyncadd.s32 $0xFFFFCC00  }
0xaa: {  	[hbm4b:s21+s3] =	stream.linear.scatter [tilespmem:s13], [sflag:$0x2], $0x3400, $0x38;
	[tilespmem:$0x13A00] =	vst v63  }
0xab: {  	_ =	swait.ge [sflag:s4], $0x3400  }
0xac: {  	[sflag:s4] =	ssyncset.done $0x0  }
0xad: {  	[sflag:s4] =	ssyncadd.s32 $0xFFFFCC00  }
0xae: {  	[hbm4b:s22+s3] =	stream.linear.scatter [tilespmem:s14], [sflag:$0x2], $0x3400, $0x38;
	[tilespmem:$0x13A00] =	vst v63  }
0xaf: {  	_ =	swait.ge [sflag:s4], $0x3400  }
0xb0: {  	[sflag:s4] =	ssyncset.done $0x0  }
0xb1: {  	[sflag:s4] =	ssyncadd.s32 $0xFFFFCC00  }
0xb2: {  	[tilespmem:s12], [sflag:$0x1] =	stream.indirect.gather [hbm4b:s1+s6], $0x80, s23, s6, $0xb8;
	[tilespmem:$0x13A00] =	vst v63  }
0xb3: {  	_ = 	snop  }
0xb4: {  	[tilespmem:s13], [sflag:$0x1] =	stream.indirect.gather [hbm4b:s8+s6], $0x80, s23, s6, $0xb8;
	[tilespmem:$0x13A00] =	vst v63  }
0xb5: {  	_ = 	snop  }
0xb6: {  	[tilespmem:s14], [sflag:$0x1] =	stream.indirect.gather [hbm4b:s10+s6], $0x80, s23, s6, $0xb8;
	[tilespmem:$0x13A00] =	vst v63  }
0xb7: {  	_ =	swait.ge [sflag:s15], $0x3400  }
0xb8: {  	[sflag:s15] =	ssyncset.done $0x0  }
0xb9: {  	[sflag:s15] =	ssyncadd.s32 $0xFFFFCC00  }
0xba: {  	_ =	swait.ge [sflag:s15], $0x3400  }
0xbb: {  	[sflag:s15] =	ssyncset.done $0x0  }
0xbc: {  	[sflag:s15] =	ssyncadd.s32 $0xFFFFCC00  }
0xbd: {  	_ =	swait.ge [sflag:s15], $0x3400  }
0xbe: {  	[sflag:s15] =	ssyncset.done $0x0  }
0xbf: {  	[sflag:s15] =	ssyncadd.s32 $0xFFFFCC00  }
0xc0: {  	[hbm4b:s24+s3] =	stream.linear.scatter [tilespmem:s7], [sflag:$0x2], $0x3400, $0x38;
	[tilespmem:$0x13A00] =	vst v63  }
0xc1: {  	_ =	swait.ge [sflag:s4], $0x3400  }
0xc2: {  	[sflag:s4] =	ssyncset.done $0x0  }
0xc3: {  	[sflag:s4] =	ssyncadd.s32 $0xFFFFCC00  }
0xc4: {  	[hbm4b:s25+s3] =	stream.linear.scatter [tilespmem:s9], [sflag:$0x2], $0x3400, $0x38;
	[tilespmem:$0x13A00] =	vst v63  }
0xc5: {  	_ =	swait.ge [sflag:s4], $0x3400  }
0xc6: {  	[sflag:s4] =	ssyncset.done $0x0  }
0xc7: {  	[sflag:s4] =	ssyncadd.s32 $0xFFFFCC00  }
0xc8: {  	[hbm4b:s26+s3] =	stream.linear.scatter [tilespmem:s11], [sflag:$0x2], $0x3400, $0x38;
	[tilespmem:$0x13A00] =	vst v63  }
0xc9: {  	_ =	swait.ge [sflag:s4], $0x3400  }
0xca: {  	[sflag:s4] =	ssyncset.done $0x0  }
0xcb: {  	[sflag:s4] =	ssyncadd.s32 $0xFFFFCC00  }
0xcc: {  	_ =	swait.ge [sflag:s15], $0x3400  }
0xcd: {  	[sflag:s15] =	ssyncset.done $0x0  }
0xce: {  	[sflag:s15] =	ssyncadd.s32 $0xFFFFCC00  }
0xcf: {  	_ =	swait.ge [sflag:s15], $0x3400  }
0xd0: {  	[sflag:s15] =	ssyncset.done $0x0  }
0xd1: {  	[sflag:s15] =	ssyncadd.s32 $0xFFFFCC00  }
0xd2: {  	_ =	swait.ge [sflag:s15], $0x3400  }
0xd3: {  	[sflag:s15] =	ssyncset.done $0x0  }
0xd4: {  	[sflag:s15] =	ssyncadd.s32 $0xFFFFCC00  }
0xd5: {  	[hbm4b:s28+s3] =	stream.linear.scatter [tilespmem:s12], [sflag:$0x2], $0x3400, $0x38;
	[tilespmem:$0x13A00] =	vst v63  }
0xd6: {  	_ =	swait.ge [sflag:s4], $0x3400  }
0xd7: {  	[sflag:s4] =	ssyncset.done $0x0  }
0xd8: {  	[sflag:s4] =	ssyncadd.s32 $0xFFFFCC00  }
0xd9: {  	[hbm4b:s29+s3] =	stream.linear.scatter [tilespmem:s13], [sflag:$0x2], $0x3400, $0x38;
	[tilespmem:$0x13A00] =	vst v63  }
0xda: {  	_ =	swait.ge [sflag:s4], $0x3400  }
.Ltmp1:
0xdb: {  	[sflag:s4] =	ssyncset.done $0x0;
	(pc) =	sbr.rel @p0 .LBB2_1-.Ltmp1, $4  }
0xdc: {  	[sflag:s4] =	ssyncadd.s32 $0xFFFFCC00  }
0xdd: {  	[hbm4b:s30+s3] =	stream.linear.scatter [tilespmem:s14], [sflag:$0x2], $0x3400, $0x38;
	[tilespmem:$0x13A00] =	vst v63  }
0xde: {  	_ =	swait.ge [sflag:s4], $0x3400  }
0xdf: {  	[sflag:s4] =	ssyncset.done $0x0  }
.LBB2_2:
0xe0: {  	[sflag:s4] =	ssyncadd.s32 $0xFFFFCC00  }
0xe1: {  	_ =	sfence.sel $0x180000  }
0xe2: {  	[bflag:$0x0] =	sbarrier.arrive $0xFFFF  }
0xe3: {  	_ =	strace $0x90000047  }
0xe4: {  	s0 =	stileid.u32;
	[bflag:$0x2] =	sbarrier.arrive $0xFFFF  }
0xe5: {  	p0 =	sne.s32 s0, $0x0;
	s0 =	rddreg [dreg:$0x3]  }
0xe6: {  	s0 =	sadd.s32 @!p0 $0x100000, s0  }
0xe7: {  	[sflag:s0] =	ssyncadd.tile.s32 @!p0 $0x1;
	_ =	shalt  }
.Lfunc_end2:
_tile_overlayer_lowered:
.L_overlay_start_2:
0xe8: {  	(tag) =	ssettag $0x2  }
0xe9: {  	s0 =	rddreg [dreg:$0x0];
	s2 =	stileid.u32  }
0xea: {  	s1 =	rddreg [dreg:$0x1];
	p0 =	sne.s32 s2, $0x0  }
0xeb: {  	s3 =	rddreg [dreg:$0x2];
	[bflag:$0x3] =	sbarrier.arrive $0xFFFF;
	s2 =	simm.s32 @!p0 $0x1C02  }
0xec: {  	[timem:s3], [sflag:s2] =	dma.local @!p0 [hbm:s0], s1  }
0xed: {  	s0 =	simm.s32 @!p0 $0x2  }
0xee: {  	_ =	swait.ge @!p0 [sflag:s0], s1  }
0xef: {  	s1 =	ssub.s32 @!p0 $0x0, s1;
	[sflag:s0] =	ssyncset.done @!p0 $0x0  }
0xf0: {  	[sflag:s0] =	ssyncadd.s32 @!p0 s1  }
0xf1: {  	[bflag:$0x3] =	sbarrier.arrive $0xFFFF  }
0xf2: {  	_ =	shalt  }

</sc_bundles>
